<compile_context>
chip_gen: v7x
topology: tpu7x:2x2x1
jax: 0.10.2.dev20260603
libtpu: 0.0.44.dev20260713+nightly
codegen_flags: <defaults>
</compile_context>

<pallas_src>
import functools

import jax
import jax.numpy as jnp
from jax import lax
from jax.experimental import pallas as pl
from jax.experimental.pallas import tpu as pltpu
from jax.experimental.pallas import tpu_sc as plsc

B = 10
N = 5000
NFEAT = 15
NCLS = 12
ENCF = NCLS + NFEAT - 1
DDIM = 256
HID = 256
NBINS = 10
K = 5
NID = 8
NREG = 4
CHUNK = N // NBINS
NCHUNKS = B * NBINS
ROWS = B * N
SC_CH = 112
NW = 32
ROWS_PAD = ((ROWS + NW * SC_CH - 1) // (NW * SC_CH)) * (NW * SC_CH)
PER_W = ROWS_PAD // NW
NCH = PER_W // SC_CH
RBLK = 1000


def _encode(x):
    m = x.shape[0]
    cls = x[:, 0:1].astype(jnp.int32)
    iota = lax.broadcasted_iota(jnp.int32, (m, NCLS), 1)
    oh = (cls == iota).astype(jnp.float32)
    return jnp.concatenate([oh, x[:, 1:NFEAT]], axis=1)


def _selu(x):
    alpha = 1.6732632423543772848170429916717
    scale = 1.0507009873554804934193349852946
    return scale * jnp.where(x > 0, x, alpha * (jnp.exp(x) - 1.0))


def _rank_kernel(x_ref, wemb_ref, bemb_ref, rot_ref, out_ref):
    b = pl.program_id(0)
    x = x_ref[0]
    enc = _encode(x)
    pts = _selu(jnp.dot(enc, wemb_ref[...], preferred_element_type=jnp.float32)
                + bemb_ref[...])
    mul = jnp.dot(pts, rot_ref[...], preferred_element_type=jnp.float32)
    full = jnp.concatenate([mul, -mul], axis=1)
    mx = jnp.max(full, axis=1, keepdims=True)
    col10 = lax.broadcasted_iota(jnp.int32, (N, NBINS), 1)
    first = jnp.min(jnp.where(full == mx, col10, 127), axis=1, keepdims=True)
    col16 = lax.broadcasted_iota(jnp.int32, (N, 16), 1)
    ohbin = (col16 == first).astype(jnp.float32)

    tot = jnp.sum(ohbin, axis=0, keepdims=True)
    ltmask = (col16 < first).astype(jnp.float32)
    off_node = jnp.sum(ltmask * tot, axis=1, keepdims=True)

    rl = lax.broadcasted_iota(jnp.int32, (RBLK, RBLK), 0)
    cl = lax.broadcasted_iota(jnp.int32, (RBLK, RBLK), 1)
    ltri = (rl > cl).astype(jnp.bfloat16)

    blockoff = jnp.zeros((1, 16), jnp.float32)
    ranks = []
    for blk in range(N // RBLK):
        ohb = ohbin[blk * RBLK:(blk + 1) * RBLK]
        prefix = jnp.dot(ltri, ohb.astype(jnp.bfloat16),
                         preferred_element_type=jnp.float32)
        rv = blockoff + prefix
        within = jnp.sum(ohb * rv, axis=1, keepdims=True)
        ranks.append(within + off_node[blk * RBLK:(blk + 1) * RBLK])
        blockoff = blockoff + jnp.sum(ohb, axis=0, keepdims=True)
    rank = jnp.concatenate(ranks, axis=0)
    out_ref[0] = rank.astype(jnp.int32) + b * N


def _compute_rank(xp, w_embed, b_embed, rot):
    return pl.pallas_call(
        _rank_kernel,
        grid=(B,),
        in_specs=[
            pl.BlockSpec((1, N, 16), lambda i: (i, 0, 0)),
            pl.BlockSpec((ENCF, DDIM), lambda i: (0, 0)),
            pl.BlockSpec((1, DDIM), lambda i: (0, 0)),
            pl.BlockSpec((DDIM, NBINS // 2), lambda i: (0, 0)),
        ],
        out_specs=pl.BlockSpec((1, N, 1), lambda i: (i, 0, 0)),
        out_shape=jax.ShapeDtypeStruct((B, N, 1), jnp.int32),
        compiler_params=pltpu.CompilerParams(
            dimension_semantics=("parallel",)),
    )(xp, w_embed, b_embed, rot)


@functools.lru_cache(maxsize=1)
def _sc_kernels():
    mesh = plsc.VectorSubcoreMesh(core_axis_name="c", subcore_axis_name="s")
    scratch = [
        pltpu.VMEM((NCH, SC_CH), jnp.int32),
        pltpu.VMEM((PER_W, 16), jnp.float32),
        pltpu.SemaphoreType.DMA,
    ]
    out_t = jax.ShapeDtypeStruct((ROWS_PAD, 16), jnp.float32)
    cparams = pltpu.CompilerParams(use_tc_tiling_on_sc=False)

    @functools.partial(pl.kernel, out_type=out_t, mesh=mesh, scratch_types=scratch,
                       compiler_params=cparams)
    def sc_scatter(x_hbm, idx_hbm, out_hbm, idx_v, rows_v, sem):
        wid = lax.axis_index("s") * 2 + lax.axis_index("c")
        base = wid * PER_W
        pltpu.sync_copy(idx_hbm.at[wid], idx_v)
        pltpu.sync_copy(x_hbm.at[pl.ds(base, PER_W)], rows_v)
        descs = [
            pltpu.async_copy(rows_v.at[pl.ds(j * SC_CH, SC_CH)],
                             out_hbm.at[idx_v.at[j]], sem)
            for j in range(NCH)
        ]
        for d in descs:
            d.wait()

    @functools.partial(pl.kernel, out_type=out_t, mesh=mesh, scratch_types=scratch,
                       compiler_params=cparams)
    def sc_gather(y_hbm, idx_hbm, out_hbm, idx_v, rows_v, sem):
        wid = lax.axis_index("s") * 2 + lax.axis_index("c")
        base = wid * PER_W
        pltpu.sync_copy(idx_hbm.at[wid], idx_v)
        descs = [
            pltpu.async_copy(y_hbm.at[idx_v.at[j]],
                             rows_v.at[pl.ds(j * SC_CH, SC_CH)], sem)
            for j in range(NCH)
        ]
        for d in descs:
            d.wait()
        pltpu.sync_copy(rows_v, out_hbm.at[pl.ds(base, PER_W)])

    return sc_scatter, sc_gather


def _main_kernel(xs_ref, wemb_ref, bemb_ref,
                 wencI_ref, bencI_ref, wtI_ref, btI_ref, whI_ref, thI_ref,
                 wdecI_ref, bdecI_ref, woutI_ref, boutI_ref,
                 wencR_ref, bencR_ref, wtR_ref, btR_ref, whR_ref, thR_ref,
                 wdecR_ref, bdecR_ref, woutR_ref, boutR_ref,
                 out_ref):
    xs = xs_ref[0]
    enc = _encode(xs)
    pts = _selu(jnp.dot(enc, wemb_ref[...], preferred_element_type=jnp.float32)
                + bemb_ref[...])
    nrm = pts * lax.rsqrt(jnp.maximum(jnp.sum(pts * pts, axis=1, keepdims=True),
                                      1e-12))
    logits = lax.dot_general(nrm, nrm, (((1,), (1,)), ((), ())),
                             preferred_element_type=jnp.float32)
    ex = jnp.exp(logits)
    rec_s = 1.0 / jnp.sum(ex, axis=1, keepdims=True)

    v = jnp.max(ex, axis=1, keepdims=True)
    for _ in range(K - 1):
        v = jnp.max(jnp.where(ex < v, ex, -1.0), axis=1, keepdims=True)
    e_sel = jnp.where(ex >= v, ex, 0.0)
    indeg = jnp.sum(e_sel, axis=1, keepdims=True) * rec_s
    norm = lax.rsqrt(indeg + 1e-6)
    agg_scale = norm * rec_s

    a_bf = e_sel.astype(jnp.bfloat16)

    def branch(wenc, benc, wt, bt, wh, th, wdec, bdec, wout, bout):
        x = _selu(jnp.dot(enc, wenc, preferred_element_type=jnp.float32) + benc)
        xb = x.astype(jnp.bfloat16)
        fh = jnp.dot(xb, th, preferred_element_type=jnp.float32) * norm
        fh = jnp.dot(a_bf, fh.astype(jnp.bfloat16),
                     preferred_element_type=jnp.float32) * agg_scale
        gate = jax.nn.sigmoid(jnp.dot(xb, wt, preferred_element_type=jnp.float32) + bt)
        het = jnp.dot(xb, wh, preferred_element_type=jnp.float32)
        h = _selu(gate * fh + (1.0 - gate) * het)
        hb = h.astype(jnp.bfloat16)
        h2 = _selu(jnp.dot(hb, wdec, preferred_element_type=jnp.float32) + bdec)
        return jnp.dot(h2.astype(jnp.bfloat16), wout,
                       preferred_element_type=jnp.float32) + bout

    y_id = branch(wencI_ref[...], bencI_ref[...], wtI_ref[...], btI_ref[...],
                  whI_ref[...], thI_ref[...], wdecI_ref[...], bdecI_ref[...],
                  woutI_ref[...], boutI_ref[...])
    y_rg = branch(wencR_ref[...], bencR_ref[...], wtR_ref[...], btR_ref[...],
                  whR_ref[...], thR_ref[...], wdecR_ref[...], bdecR_ref[...],
                  woutR_ref[...], boutR_ref[...])
    pad = jnp.zeros((CHUNK, 16 - NID - NREG), jnp.float32)
    out_ref[0] = jnp.concatenate([y_id, y_rg, pad], axis=1)


def _wspec(shape):
    nd = len(shape)
    return pl.BlockSpec(shape, lambda i: (0,) * nd)


def _main_compute(xs, w_embed, b_embed, wI, wR):
    in_specs = [pl.BlockSpec((1, CHUNK, 16), lambda i: (i, 0, 0)),
                _wspec((ENCF, DDIM)), _wspec((1, DDIM))]
    args = [xs, w_embed, b_embed]
    for wset in (wI, wR):
        for arr in wset:
            in_specs.append(_wspec(arr.shape))
            args.append(arr)
    return pl.pallas_call(
        _main_kernel,
        grid=(NCHUNKS,),
        in_specs=in_specs,
        out_specs=pl.BlockSpec((1, CHUNK, 16), lambda i: (i, 0, 0)),
        out_shape=jax.ShapeDtypeStruct((NCHUNKS, CHUNK, 16), jnp.float32),
        compiler_params=pltpu.CompilerParams(
            dimension_semantics=("parallel",)),
    )(*args)


def kernel(X, random_rotations, W_embed, b_embed,
           W_enc_id, b_enc_id, W_t_id, b_t_id, W_h_id, theta_id,
           W_dec_id, b_dec_id, W_out_id, b_out_id,
           W_enc_reg, b_enc_reg, W_t_reg, b_t_reg, W_h_reg, theta_reg,
           W_dec_reg, b_dec_reg, W_out_reg, b_out_reg):
    xp = jnp.pad(X, ((0, 0), (0, 0), (0, 16 - NFEAT)))
    b_embed2 = b_embed.reshape(1, DDIM)

    rank = _compute_rank(xp, W_embed, b_embed2, random_rotations)
    rank_flat = rank.reshape(ROWS)

    tail_id = jnp.arange(ROWS, ROWS_PAD, dtype=jnp.int32)
    dest_idx = jnp.concatenate([rank_flat, tail_id])
    src_idx = jnp.concatenate([rank_flat,
                               jnp.zeros(ROWS_PAD - ROWS, jnp.int32)])

    xp_flat = jnp.concatenate(
        [xp.reshape(ROWS, 16), jnp.zeros((ROWS_PAD - ROWS, 16), jnp.float32)])
    sc_scatter, sc_gather = _sc_kernels()
    dest_idx = dest_idx.reshape(NW, NCH, SC_CH)
    src_idx = src_idx.reshape(NW, NCH, SC_CH)
    xs_flat = sc_scatter(xp_flat, dest_idx)
    xs = xs_flat[:ROWS].reshape(NCHUNKS, CHUNK, 16)

    bf = jnp.bfloat16
    wI = (W_enc_id, b_enc_id.reshape(1, HID), W_t_id.astype(bf),
          b_t_id.reshape(1, HID), W_h_id.astype(bf), theta_id.astype(bf),
          W_dec_id.astype(bf), b_dec_id.reshape(1, HID),
          W_out_id.astype(bf), b_out_id.reshape(1, NID))
    wR = (W_enc_reg, b_enc_reg.reshape(1, HID), W_t_reg.astype(bf),
          b_t_reg.reshape(1, HID), W_h_reg.astype(bf), theta_reg.astype(bf),
          W_dec_reg.astype(bf), b_dec_reg.reshape(1, HID),
          W_out_reg.astype(bf), b_out_reg.reshape(1, NREG))
    y = _main_compute(xs, W_embed, b_embed2, wI, wR)

    y_flat = jnp.concatenate(
        [y.reshape(ROWS, 16), jnp.zeros((ROWS_PAD - ROWS, 16), jnp.float32)])
    out_flat = sc_gather(y_flat, src_idx)
    return out_flat[:ROWS].reshape(B, N, 16)[:, :, :NID + NREG]

# --- scband reference (transcript-rebuilt; emitter-appended) ---
"""Pipeline reference for scband-pfnet-59287728554030 (READ-ONLY COPY).

The authoritative reference and input builder live on the scoring server;
editing this copy changes nothing except your own understanding.
"""

import jax, jax.numpy as jnp
import numpy as np

B = 10
N = 5000
NFEAT = 15
NCLS_IN = 12
ENCF = NCLS_IN + NFEAT - 1
DDIM = 256
HID = 256
NBINS = 10
K = 5
NID = 8
NREG = 4


def input_encoding(X):
    Xid = jax.nn.one_hot(X[:, :, 0].astype(jnp.int32), NCLS_IN, dtype=jnp.float32)
    return jnp.concatenate([Xid, X[:, :, 1:]], axis=-1)


def construct_sparse(points, R):
    mul = points @ R
    cmul = jnp.concatenate([mul, -mul], axis=-1)
    bin_idx = jnp.argmax(cmul, axis=-1)
    order = jnp.argsort(bin_idx)
    bins = order.reshape(NBINS, N // NBINS)

    def per_bin(subindices):
        sub = points[subindices]
        normed = sub * jax.lax.rsqrt(jnp.maximum(jnp.sum(sub * sub, axis=1, keepdims=True), 1e-12))
        dm = jax.nn.softmax(normed @ normed.T, axis=-1)
        vals, idxs = jax.lax.top_k(dm, K)
        rows = jnp.repeat(subindices, K)
        cols = subindices[idxs].reshape(-1)
        return rows, cols, vals.reshape(-1)

    rows, cols, vals = jax.vmap(per_bin)(bins)
    return rows.reshape(-1), cols.reshape(-1), vals.reshape(-1)


def ghconv(x, rows, cols, vals, W_t, b_t, W_h, theta):
    in_deg = jax.ops.segment_sum(vals, rows, num_segments=N)
    norm = jnp.power(in_deg + 1e-6, -0.5)[:, None]
    f_hom = (x @ theta) * norm
    agg = jax.ops.segment_sum(vals[:, None] * f_hom[cols], rows, num_segments=N)
    f_hom = agg * norm
    f_het = x @ W_h
    gate = jax.nn.sigmoid(x @ W_t + b_t)
    return jax.nn.selu(gate * f_hom + (1.0 - gate) * f_het)


def setup_inputs(seed: int = 0):
    key = jax.random.key(seed)
    ks = jax.random.split(key, 32)
    X = jax.random.uniform(ks[0], (B, N, NFEAT), dtype=jnp.float32)
    cls = jax.random.randint(ks[1], (B, N), 0, NCLS_IN).astype(jnp.float32)
    X = X.at[:, :, 0].set(cls)

    def w(k, shp):
        return (jax.random.normal(k, shp, dtype=jnp.float32) * 0.05)

    inp = {
        'X': X,
        'random_rotations': jax.random.normal(ks[2], (DDIM, NBINS // 2), dtype=jnp.float32),
        'W_embed': w(ks[3], (ENCF, DDIM)), 'b_embed': w(ks[4], (DDIM,)),
        'W_enc_id': w(ks[5], (ENCF, HID)), 'b_enc_id': w(ks[6], (HID,)),
        'W_t_id': w(ks[7], (HID, HID)), 'b_t_id': w(ks[8], (HID,)),
        'W_h_id': w(ks[9], (HID, HID)), 'theta_id': w(ks[10], (HID, HID)),
        'W_dec_id': w(ks[11], (HID, HID)), 'b_dec_id': w(ks[12], (HID,)),
        'W_out_id': w(ks[13], (HID, NID)), 'b_out_id': w(ks[14], (NID,)),
        'W_enc_reg': w(ks[15], (ENCF, HID)), 'b_enc_reg': w(ks[16], (HID,)),
        'W_t_reg': w(ks[17], (HID, HID)), 'b_t_reg': w(ks[18], (HID,)),
        'W_h_reg': w(ks[19], (HID, HID)), 'theta_reg': w(ks[20], (HID, HID)),
        'W_dec_reg': w(ks[21], (HID, HID)), 'b_dec_reg': w(ks[22], (HID,)),
        'W_out_reg': w(ks[23], (HID, NREG)), 'b_out_reg': w(ks[24], (NREG,)),
    }
    return inp


def reference(X, random_rotations, W_embed, b_embed,
              W_enc_id, b_enc_id, W_t_id, b_t_id, W_h_id, theta_id,
              W_dec_id, b_dec_id, W_out_id, b_out_id,
              W_enc_reg, b_enc_reg, W_t_reg, b_t_reg, W_h_reg, theta_reg,
              W_dec_reg, b_dec_reg, W_out_reg, b_out_reg):
    enc = input_encoding(X)
    points = jax.nn.selu(enc @ W_embed + b_embed)
    rows, cols, vals = jax.vmap(construct_sparse, in_axes=(0, None))(points, random_rotations)

    def branch(Wenc, benc, Wt, bt, Wh, th, Wdec, bdec, Wout, bout):
        x = jax.nn.selu(enc @ Wenc + benc)
        x = jax.vmap(lambda xb, r, c, v: ghconv(xb, r, c, v, Wt, bt, Wh, th))(x, rows, cols, vals)
        x = jax.nn.selu(x @ Wdec + bdec)
        return x @ Wout + bout

    out_id = branch(W_enc_id, b_enc_id, W_t_id, b_t_id, W_h_id, theta_id, W_dec_id, b_dec_id, W_out_id, b_out_id)
    out_reg = branch(W_enc_reg, b_enc_reg, W_t_reg, b_t_reg, W_h_reg, theta_reg, W_dec_reg, b_dec_reg, W_out_reg, b_out_reg)
    return jnp.concatenate([out_id, out_reg], axis=-1)

if __name__ == "__main__":
    import jax
    _d = setup_inputs()
    print(jax.jit(kernel)(*tuple(_d.values())))

</pallas_src>

<mosaic_0001>
#map = affine_map<(d0, d1) -> (0, 0)>
#map1 = affine_map<(d0, d1) -> (0, 0, 0)>
module attributes {stable_mosaic.version = 14 : i64} {
  func.func @sc_scatter(%arg0: i32, %arg1: i32, %arg2: memref<50176x16xf32, #tpu.memory_space<hbm>>, %arg3: memref<32x14x112xi32, #tpu.memory_space<hbm>>, %arg4: memref<50176x16xf32, #tpu.memory_space<hbm>>, %arg5: memref<14x112xi32, #tpu.memory_space<vmem>>, %arg6: memref<1568x16xf32, #tpu.memory_space<vmem>>, %arg7: memref<!tpu.dma_semaphore, #tpu.memory_space<semaphore_mem>>) attributes {dimension_semantics = [#tpu.dimension_semantics<core_parallel>, #tpu.dimension_semantics<subcore_parallel>], iteration_bounds = array<i64: 2, 16>, scalar_prefetch = 0 : i64, scratch_operands = 3 : i64, tpu.core_type = #tpu.core_type<sc_vector_subcore>, window_params = [{transform_indices = #map}, {transform_indices = #map1}, {transform_indices = #map}]} {
    %mul3A = arith.constant 2 : i32
    %mul3A_0 = arith.muli %arg1, %mul3A : i32
    %add3A = arith.addi %mul3A_0, %arg0 : i32
    %mul3A_1 = arith.constant 1568 : i32
    %mul3A_2 = arith.muli %add3A, %mul3A_1 : i32
    "tpu.region"() ({
      %run_scoped3A = tpu.sem_alloc : memref<!tpu.dma_semaphore, #tpu.memory_space<semaphore_mem>>
      %dma_start3A_281 = arith.constant 0 : i32
      %dma_start3A_282 = arith.constant 0 : i32
      %dma_start3A_283 = tpu.memref_slice %arg3[%add3A, %dma_start3A_281, %dma_start3A_282] : memref<32x14x112xi32, #tpu.memory_space<hbm>> -> memref<1x14x112xi32, #tpu.memory_space<hbm>>
      %dma_start3A_284 = tpu.memref_squeeze %dma_start3A_283 : memref<1x14x112xi32, #tpu.memory_space<hbm>> -> memref<14x112xi32, #tpu.memory_space<hbm>>
      %dma_start3A_285 = arith.constant 0 : i32
      %dma_start3A_286 = arith.constant 0 : i32
      %dma_start3A_287 = tpu.memref_slice %arg3[%add3A, %dma_start3A_285, %dma_start3A_286] : memref<32x14x112xi32, #tpu.memory_space<hbm>> -> memref<1x14x112xi32, #tpu.memory_space<hbm>>
      %dma_start3A_288 = tpu.memref_squeeze %dma_start3A_287 : memref<1x14x112xi32, #tpu.memory_space<hbm>> -> memref<14x112xi32, #tpu.memory_space<hbm>>
      tpu.enqueue_dma source(%dma_start3A_288 : memref<14x112xi32, #tpu.memory_space<hbm>>) target(%arg5 : memref<14x112xi32, #tpu.memory_space<vmem>>) target_semaphore(%run_scoped3A : memref<!tpu.dma_semaphore, #tpu.memory_space<semaphore_mem>>)
      %dma_wait3A_289 = arith.constant 0 : i32
      %dma_wait3A_290 = arith.constant 0 : i32
      %dma_wait3A_291 = tpu.memref_slice %arg3[%add3A, %dma_wait3A_289, %dma_wait3A_290] : memref<32x14x112xi32, #tpu.memory_space<hbm>> -> memref<1x14x112xi32, #tpu.memory_space<hbm>>
      %dma_wait3A_292 = tpu.memref_squeeze %dma_wait3A_291 : memref<1x14x112xi32, #tpu.memory_space<hbm>> -> memref<14x112xi32, #tpu.memory_space<hbm>>
      %dma_wait3A_293 = arith.constant 0 : i32
      %dma_wait3A_294 = arith.constant 0 : i32
      %dma_wait3A_295 = tpu.memref_slice %arg3[%add3A, %dma_wait3A_293, %dma_wait3A_294] : memref<32x14x112xi32, #tpu.memory_space<hbm>> -> memref<1x14x112xi32, #tpu.memory_space<hbm>>
      %dma_wait3A_296 = tpu.memref_squeeze %dma_wait3A_295 : memref<1x14x112xi32, #tpu.memory_space<hbm>> -> memref<14x112xi32, #tpu.memory_space<hbm>>
      tpu.wait_dma2 semaphore(%run_scoped3A : memref<!tpu.dma_semaphore, #tpu.memory_space<semaphore_mem>>) src(%dma_wait3A_296 : memref<14x112xi32, #tpu.memory_space<hbm>>) dst(%arg5 : memref<14x112xi32, #tpu.memory_space<vmem>>)
      tpu.yield
    }) : () -> ()
    "tpu.region"() ({
      %run_scoped3A = tpu.sem_alloc : memref<!tpu.dma_semaphore, #tpu.memory_space<semaphore_mem>>
      %dma_start3A_281 = arith.constant 0 : i32
      %dma_start3A_282 = tpu.memref_slice %arg2[%mul3A_2, %dma_start3A_281] : memref<50176x16xf32, #tpu.memory_space<hbm>> -> memref<1568x16xf32, #tpu.memory_space<hbm>>
      %dma_start3A_283 = arith.constant 0 : i32
      %dma_start3A_284 = tpu.memref_slice %arg2[%mul3A_2, %dma_start3A_283] : memref<50176x16xf32, #tpu.memory_space<hbm>> -> memref<1568x16xf32, #tpu.memory_space<hbm>>
      tpu.enqueue_dma source(%dma_start3A_284 : memref<1568x16xf32, #tpu.memory_space<hbm>>) target(%arg6 : memref<1568x16xf32, #tpu.memory_space<vmem>>) target_semaphore(%run_scoped3A : memref<!tpu.dma_semaphore, #tpu.memory_space<semaphore_mem>>)
      %dma_wait3A_285 = arith.constant 0 : i32
      %dma_wait3A_286 = tpu.memref_slice %arg2[%mul3A_2, %dma_wait3A_285] : memref<50176x16xf32, #tpu.memory_space<hbm>> -> memref<1568x16xf32, #tpu.memory_space<hbm>>
      %dma_wait3A_287 = arith.constant 0 : i32
      %dma_wait3A_288 = tpu.memref_slice %arg2[%mul3A_2, %dma_wait3A_287] : memref<50176x16xf32, #tpu.memory_space<hbm>> -> memref<1568x16xf32, #tpu.memory_space<hbm>>
      tpu.wait_dma2 semaphore(%run_scoped3A : memref<!tpu.dma_semaphore, #tpu.memory_space<semaphore_mem>>) src(%dma_wait3A_288 : memref<1568x16xf32, #tpu.memory_space<hbm>>) dst(%arg6 : memref<1568x16xf32, #tpu.memory_space<vmem>>)
      tpu.yield
    }) : () -> ()
    %dma_start3A = arith.constant 0 : i32
    %dma_start3A_3 = arith.constant 0 : i32
    %dma_start3A_4 = arith.constant 0 : i32
    %dma_start3A_5 = tpu.memref_slice %arg6[%dma_start3A_3, %dma_start3A_4] : memref<1568x16xf32, #tpu.memory_space<vmem>> -> memref<112x16xf32, #tpu.memory_space<vmem>>
    %dma_start3A_6 = arith.constant 0 : i32
    %dma_start3A_7 = tpu.memref_slice %arg5[%dma_start3A, %dma_start3A_6] : memref<14x112xi32, #tpu.memory_space<vmem>> -> memref<1x112xi32, #tpu.memory_space<vmem>>
    %dma_start3A_8 = tpu.memref_squeeze %dma_start3A_7 : memref<1x112xi32, #tpu.memory_space<vmem>> -> memref<112xi32, #tpu.memory_space<vmem>>
    %dma_start3A_9 = arith.constant 0 : i32
    %dma_start3A_10 = arith.constant 0 : i32
    %dma_start3A_11 = tpu.memref_slice %arg4[%dma_start3A_9, %dma_start3A_10] : memref<50176x16xf32, #tpu.memory_space<hbm>> -> memref<50176x16xf32, #tpu.memory_space<hbm>>
    tpu.enqueue_indirect_dma source(%dma_start3A_5 : memref<112x16xf32, #tpu.memory_space<vmem>>) target(%dma_start3A_11 : memref<50176x16xf32, #tpu.memory_space<hbm>>) offsets(%dma_start3A_8 : memref<112xi32, #tpu.memory_space<vmem>>) semaphore(%arg7 : memref<!tpu.dma_semaphore, #tpu.memory_space<semaphore_mem>>)
    %dma_start3A_12 = arith.constant 1 : i32
    %dma_start3A_13 = arith.constant 112 : i32
    %dma_start3A_14 = arith.constant 0 : i32
    %dma_start3A_15 = tpu.memref_slice %arg6[%dma_start3A_13, %dma_start3A_14] : memref<1568x16xf32, #tpu.memory_space<vmem>> -> memref<112x16xf32, #tpu.memory_space<vmem>>
    %dma_start3A_16 = arith.constant 0 : i32
    %dma_start3A_17 = tpu.memref_slice %arg5[%dma_start3A_12, %dma_start3A_16] : memref<14x112xi32, #tpu.memory_space<vmem>> -> memref<1x112xi32, #tpu.memory_space<vmem>>
    %dma_start3A_18 = tpu.memref_squeeze %dma_start3A_17 : memref<1x112xi32, #tpu.memory_space<vmem>> -> memref<112xi32, #tpu.memory_space<vmem>>
    %dma_start3A_19 = arith.constant 0 : i32
    %dma_start3A_20 = arith.constant 0 : i32
    %dma_start3A_21 = tpu.memref_slice %arg4[%dma_start3A_19, %dma_start3A_20] : memref<50176x16xf32, #tpu.memory_space<hbm>> -> memref<50176x16xf32, #tpu.memory_space<hbm>>
    tpu.enqueue_indirect_dma source(%dma_start3A_15 : memref<112x16xf32, #tpu.memory_space<vmem>>) target(%dma_start3A_21 : memref<50176x16xf32, #tpu.memory_space<hbm>>) offsets(%dma_start3A_18 : memref<112xi32, #tpu.memory_space<vmem>>) semaphore(%arg7 : memref<!tpu.dma_semaphore, #tpu.memory_space<semaphore_mem>>)
    %dma_start3A_22 = arith.constant 2 : i32
    %dma_start3A_23 = arith.constant 224 : i32
    %dma_start3A_24 = arith.constant 0 : i32
    %dma_start3A_25 = tpu.memref_slice %arg6[%dma_start3A_23, %dma_start3A_24] : memref<1568x16xf32, #tpu.memory_space<vmem>> -> memref<112x16xf32, #tpu.memory_space<vmem>>
    %dma_start3A_26 = arith.constant 0 : i32
    %dma_start3A_27 = tpu.memref_slice %arg5[%dma_start3A_22, %dma_start3A_26] : memref<14x112xi32, #tpu.memory_space<vmem>> -> memref<1x112xi32, #tpu.memory_space<vmem>>
    %dma_start3A_28 = tpu.memref_squeeze %dma_start3A_27 : memref<1x112xi32, #tpu.memory_space<vmem>> -> memref<112xi32, #tpu.memory_space<vmem>>
    %dma_start3A_29 = arith.constant 0 : i32
    %dma_start3A_30 = arith.constant 0 : i32
    %dma_start3A_31 = tpu.memref_slice %arg4[%dma_start3A_29, %dma_start3A_30] : memref<50176x16xf32, #tpu.memory_space<hbm>> -> memref<50176x16xf32, #tpu.memory_space<hbm>>
    tpu.enqueue_indirect_dma source(%dma_start3A_25 : memref<112x16xf32, #tpu.memory_space<vmem>>) target(%dma_start3A_31 : memref<50176x16xf32, #tpu.memory_space<hbm>>) offsets(%dma_start3A_28 : memref<112xi32, #tpu.memory_space<vmem>>) semaphore(%arg7 : memref<!tpu.dma_semaphore, #tpu.memory_space<semaphore_mem>>)
    %dma_start3A_32 = arith.constant 3 : i32
    %dma_start3A_33 = arith.constant 336 : i32
    %dma_start3A_34 = arith.constant 0 : i32
    %dma_start3A_35 = tpu.memref_slice %arg6[%dma_start3A_33, %dma_start3A_34] : memref<1568x16xf32, #tpu.memory_space<vmem>> -> memref<112x16xf32, #tpu.memory_space<vmem>>
    %dma_start3A_36 = arith.constant 0 : i32
    %dma_start3A_37 = tpu.memref_slice %arg5[%dma_start3A_32, %dma_start3A_36] : memref<14x112xi32, #tpu.memory_space<vmem>> -> memref<1x112xi32, #tpu.memory_space<vmem>>
    %dma_start3A_38 = tpu.memref_squeeze %dma_start3A_37 : memref<1x112xi32, #tpu.memory_space<vmem>> -> memref<112xi32, #tpu.memory_space<vmem>>
    %dma_start3A_39 = arith.constant 0 : i32
    %dma_start3A_40 = arith.constant 0 : i32
    %dma_start3A_41 = tpu.memref_slice %arg4[%dma_start3A_39, %dma_start3A_40] : memref<50176x16xf32, #tpu.memory_space<hbm>> -> memref<50176x16xf32, #tpu.memory_space<hbm>>
    tpu.enqueue_indirect_dma source(%dma_start3A_35 : memref<112x16xf32, #tpu.memory_space<vmem>>) target(%dma_start3A_41 : memref<50176x16xf32, #tpu.memory_space<hbm>>) offsets(%dma_start3A_38 : memref<112xi32, #tpu.memory_space<vmem>>) semaphore(%arg7 : memref<!tpu.dma_semaphore, #tpu.memory_space<semaphore_mem>>)
    %dma_start3A_42 = arith.constant 4 : i32
    %dma_start3A_43 = arith.constant 448 : i32
    %dma_start3A_44 = arith.constant 0 : i32
    %dma_start3A_45 = tpu.memref_slice %arg6[%dma_start3A_43, %dma_start3A_44] : memref<1568x16xf32, #tpu.memory_space<vmem>> -> memref<112x16xf32, #tpu.memory_space<vmem>>
    %dma_start3A_46 = arith.constant 0 : i32
    %dma_start3A_47 = tpu.memref_slice %arg5[%dma_start3A_42, %dma_start3A_46] : memref<14x112xi32, #tpu.memory_space<vmem>> -> memref<1x112xi32, #tpu.memory_space<vmem>>
    %dma_start3A_48 = tpu.memref_squeeze %dma_start3A_47 : memref<1x112xi32, #tpu.memory_space<vmem>> -> memref<112xi32, #tpu.memory_space<vmem>>
    %dma_start3A_49 = arith.constant 0 : i32
    %dma_start3A_50 = arith.constant 0 : i32
    %dma_start3A_51 = tpu.memref_slice %arg4[%dma_start3A_49, %dma_start3A_50] : memref<50176x16xf32, #tpu.memory_space<hbm>> -> memref<50176x16xf32, #tpu.memory_space<hbm>>
    tpu.enqueue_indirect_dma source(%dma_start3A_45 : memref<112x16xf32, #tpu.memory_space<vmem>>) target(%dma_start3A_51 : memref<50176x16xf32, #tpu.memory_space<hbm>>) offsets(%dma_start3A_48 : memref<112xi32, #tpu.memory_space<vmem>>) semaphore(%arg7 : memref<!tpu.dma_semaphore, #tpu.memory_space<semaphore_mem>>)
    %dma_start3A_52 = arith.constant 5 : i32
    %dma_start3A_53 = arith.constant 560 : i32
    %dma_start3A_54 = arith.constant 0 : i32
    %dma_start3A_55 = tpu.memref_slice %arg6[%dma_start3A_53, %dma_start3A_54] : memref<1568x16xf32, #tpu.memory_space<vmem>> -> memref<112x16xf32, #tpu.memory_space<vmem>>
    %dma_start3A_56 = arith.constant 0 : i32
    %dma_start3A_57 = tpu.memref_slice %arg5[%dma_start3A_52, %dma_start3A_56] : memref<14x112xi32, #tpu.memory_space<vmem>> -> memref<1x112xi32, #tpu.memory_space<vmem>>
    %dma_start3A_58 = tpu.memref_squeeze %dma_start3A_57 : memref<1x112xi32, #tpu.memory_space<vmem>> -> memref<112xi32, #tpu.memory_space<vmem>>
    %dma_start3A_59 = arith.constant 0 : i32
    %dma_start3A_60 = arith.constant 0 : i32
    %dma_start3A_61 = tpu.memref_slice %arg4[%dma_start3A_59, %dma_start3A_60] : memref<50176x16xf32, #tpu.memory_space<hbm>> -> memref<50176x16xf32, #tpu.memory_space<hbm>>
    tpu.enqueue_indirect_dma source(%dma_start3A_55 : memref<112x16xf32, #tpu.memory_space<vmem>>) target(%dma_start3A_61 : memref<50176x16xf32, #tpu.memory_space<hbm>>) offsets(%dma_start3A_58 : memref<112xi32, #tpu.memory_space<vmem>>) semaphore(%arg7 : memref<!tpu.dma_semaphore, #tpu.memory_space<semaphore_mem>>)
    %dma_start3A_62 = arith.constant 6 : i32
    %dma_start3A_63 = arith.constant 672 : i32
    %dma_start3A_64 = arith.constant 0 : i32
    %dma_start3A_65 = tpu.memref_slice %arg6[%dma_start3A_63, %dma_start3A_64] : memref<1568x16xf32, #tpu.memory_space<vmem>> -> memref<112x16xf32, #tpu.memory_space<vmem>>
    %dma_start3A_66 = arith.constant 0 : i32
    %dma_start3A_67 = tpu.memref_slice %arg5[%dma_start3A_62, %dma_start3A_66] : memref<14x112xi32, #tpu.memory_space<vmem>> -> memref<1x112xi32, #tpu.memory_space<vmem>>
    %dma_start3A_68 = tpu.memref_squeeze %dma_start3A_67 : memref<1x112xi32, #tpu.memory_space<vmem>> -> memref<112xi32, #tpu.memory_space<vmem>>
    %dma_start3A_69 = arith.constant 0 : i32
    %dma_start3A_70 = arith.constant 0 : i32
    %dma_start3A_71 = tpu.memref_slice %arg4[%dma_start3A_69, %dma_start3A_70] : memref<50176x16xf32, #tpu.memory_space<hbm>> -> memref<50176x16xf32, #tpu.memory_space<hbm>>
    tpu.enqueue_indirect_dma source(%dma_start3A_65 : memref<112x16xf32, #tpu.memory_space<vmem>>) target(%dma_start3A_71 : memref<50176x16xf32, #tpu.memory_space<hbm>>) offsets(%dma_start3A_68 : memref<112xi32, #tpu.memory_space<vmem>>) semaphore(%arg7 : memref<!tpu.dma_semaphore, #tpu.memory_space<semaphore_mem>>)
    %dma_start3A_72 = arith.constant 7 : i32
    %dma_start3A_73 = arith.constant 784 : i32
    %dma_start3A_74 = arith.constant 0 : i32
    %dma_start3A_75 = tpu.memref_slice %arg6[%dma_start3A_73, %dma_start3A_74] : memref<1568x16xf32, #tpu.memory_space<vmem>> -> memref<112x16xf32, #tpu.memory_space<vmem>>
    %dma_start3A_76 = arith.constant 0 : i32
    %dma_start3A_77 = tpu.memref_slice %arg5[%dma_start3A_72, %dma_start3A_76] : memref<14x112xi32, #tpu.memory_space<vmem>> -> memref<1x112xi32, #tpu.memory_space<vmem>>
    %dma_start3A_78 = tpu.memref_squeeze %dma_start3A_77 : memref<1x112xi32, #tpu.memory_space<vmem>> -> memref<112xi32, #tpu.memory_space<vmem>>
    %dma_start3A_79 = arith.constant 0 : i32
    %dma_start3A_80 = arith.constant 0 : i32
    %dma_start3A_81 = tpu.memref_slice %arg4[%dma_start3A_79, %dma_start3A_80] : memref<50176x16xf32, #tpu.memory_space<hbm>> -> memref<50176x16xf32, #tpu.memory_space<hbm>>
    tpu.enqueue_indirect_dma source(%dma_start3A_75 : memref<112x16xf32, #tpu.memory_space<vmem>>) target(%dma_start3A_81 : memref<50176x16xf32, #tpu.memory_space<hbm>>) offsets(%dma_start3A_78 : memref<112xi32, #tpu.memory_space<vmem>>) semaphore(%arg7 : memref<!tpu.dma_semaphore, #tpu.memory_space<semaphore_mem>>)
    %dma_start3A_82 = arith.constant 8 : i32
    %dma_start3A_83 = arith.constant 896 : i32
    %dma_start3A_84 = arith.constant 0 : i32
    %dma_start3A_85 = tpu.memref_slice %arg6[%dma_start3A_83, %dma_start3A_84] : memref<1568x16xf32, #tpu.memory_space<vmem>> -> memref<112x16xf32, #tpu.memory_space<vmem>>
    %dma_start3A_86 = arith.constant 0 : i32
    %dma_start3A_87 = tpu.memref_slice %arg5[%dma_start3A_82, %dma_start3A_86] : memref<14x112xi32, #tpu.memory_space<vmem>> -> memref<1x112xi32, #tpu.memory_space<vmem>>
    %dma_start3A_88 = tpu.memref_squeeze %dma_start3A_87 : memref<1x112xi32, #tpu.memory_space<vmem>> -> memref<112xi32, #tpu.memory_space<vmem>>
    %dma_start3A_89 = arith.constant 0 : i32
    %dma_start3A_90 = arith.constant 0 : i32
    %dma_start3A_91 = tpu.memref_slice %arg4[%dma_start3A_89, %dma_start3A_90] : memref<50176x16xf32, #tpu.memory_space<hbm>> -> memref<50176x16xf32, #tpu.memory_space<hbm>>
    tpu.enqueue_indirect_dma source(%dma_start3A_85 : memref<112x16xf32, #tpu.memory_space<vmem>>) target(%dma_start3A_91 : memref<50176x16xf32, #tpu.memory_space<hbm>>) offsets(%dma_start3A_88 : memref<112xi32, #tpu.memory_space<vmem>>) semaphore(%arg7 : memref<!tpu.dma_semaphore, #tpu.memory_space<semaphore_mem>>)
    %dma_start3A_92 = arith.constant 9 : i32
    %dma_start3A_93 = arith.constant 1008 : i32
    %dma_start3A_94 = arith.constant 0 : i32
    %dma_start3A_95 = tpu.memref_slice %arg6[%dma_start3A_93, %dma_start3A_94] : memref<1568x16xf32, #tpu.memory_space<vmem>> -> memref<112x16xf32, #tpu.memory_space<vmem>>
    %dma_start3A_96 = arith.constant 0 : i32
    %dma_start3A_97 = tpu.memref_slice %arg5[%dma_start3A_92, %dma_start3A_96] : memref<14x112xi32, #tpu.memory_space<vmem>> -> memref<1x112xi32, #tpu.memory_space<vmem>>
    %dma_start3A_98 = tpu.memref_squeeze %dma_start3A_97 : memref<1x112xi32, #tpu.memory_space<vmem>> -> memref<112xi32, #tpu.memory_space<vmem>>
    %dma_start3A_99 = arith.constant 0 : i32
    %dma_start3A_100 = arith.constant 0 : i32
    %dma_start3A_101 = tpu.memref_slice %arg4[%dma_start3A_99, %dma_start3A_100] : memref<50176x16xf32, #tpu.memory_space<hbm>> -> memref<50176x16xf32, #tpu.memory_space<hbm>>
    tpu.enqueue_indirect_dma source(%dma_start3A_95 : memref<112x16xf32, #tpu.memory_space<vmem>>) target(%dma_start3A_101 : memref<50176x16xf32, #tpu.memory_space<hbm>>) offsets(%dma_start3A_98 : memref<112xi32, #tpu.memory_space<vmem>>) semaphore(%arg7 : memref<!tpu.dma_semaphore, #tpu.memory_space<semaphore_mem>>)
    %dma_start3A_102 = arith.constant 10 : i32
    %dma_start3A_103 = arith.constant 1120 : i32
    %dma_start3A_104 = arith.constant 0 : i32
    %dma_start3A_105 = tpu.memref_slice %arg6[%dma_start3A_103, %dma_start3A_104] : memref<1568x16xf32, #tpu.memory_space<vmem>> -> memref<112x16xf32, #tpu.memory_space<vmem>>
    %dma_start3A_106 = arith.constant 0 : i32
    %dma_start3A_107 = tpu.memref_slice %arg5[%dma_start3A_102, %dma_start3A_106] : memref<14x112xi32, #tpu.memory_space<vmem>> -> memref<1x112xi32, #tpu.memory_space<vmem>>
    %dma_start3A_108 = tpu.memref_squeeze %dma_start3A_107 : memref<1x112xi32, #tpu.memory_space<vmem>> -> memref<112xi32, #tpu.memory_space<vmem>>
    %dma_start3A_109 = arith.constant 0 : i32
    %dma_start3A_110 = arith.constant 0 : i32
    %dma_start3A_111 = tpu.memref_slice %arg4[%dma_start3A_109, %dma_start3A_110] : memref<50176x16xf32, #tpu.memory_space<hbm>> -> memref<50176x16xf32, #tpu.memory_space<hbm>>
    tpu.enqueue_indirect_dma source(%dma_start3A_105 : memref<112x16xf32, #tpu.memory_space<vmem>>) target(%dma_start3A_111 : memref<50176x16xf32, #tpu.memory_space<hbm>>) offsets(%dma_start3A_108 : memref<112xi32, #tpu.memory_space<vmem>>) semaphore(%arg7 : memref<!tpu.dma_semaphore, #tpu.memory_space<semaphore_mem>>)
    %dma_start3A_112 = arith.constant 11 : i32
    %dma_start3A_113 = arith.constant 1232 : i32
    %dma_start3A_114 = arith.constant 0 : i32
    %dma_start3A_115 = tpu.memref_slice %arg6[%dma_start3A_113, %dma_start3A_114] : memref<1568x16xf32, #tpu.memory_space<vmem>> -> memref<112x16xf32, #tpu.memory_space<vmem>>
    %dma_start3A_116 = arith.constant 0 : i32
    %dma_start3A_117 = tpu.memref_slice %arg5[%dma_start3A_112, %dma_start3A_116] : memref<14x112xi32, #tpu.memory_space<vmem>> -> memref<1x112xi32, #tpu.memory_space<vmem>>
    %dma_start3A_118 = tpu.memref_squeeze %dma_start3A_117 : memref<1x112xi32, #tpu.memory_space<vmem>> -> memref<112xi32, #tpu.memory_space<vmem>>
    %dma_start3A_119 = arith.constant 0 : i32
    %dma_start3A_120 = arith.constant 0 : i32
    %dma_start3A_121 = tpu.memref_slice %arg4[%dma_start3A_119, %dma_start3A_120] : memref<50176x16xf32, #tpu.memory_space<hbm>> -> memref<50176x16xf32, #tpu.memory_space<hbm>>
    tpu.enqueue_indirect_dma source(%dma_start3A_115 : memref<112x16xf32, #tpu.memory_space<vmem>>) target(%dma_start3A_121 : memref<50176x16xf32, #tpu.memory_space<hbm>>) offsets(%dma_start3A_118 : memref<112xi32, #tpu.memory_space<vmem>>) semaphore(%arg7 : memref<!tpu.dma_semaphore, #tpu.memory_space<semaphore_mem>>)
    %dma_start3A_122 = arith.constant 12 : i32
    %dma_start3A_123 = arith.constant 1344 : i32
    %dma_start3A_124 = arith.constant 0 : i32
    %dma_start3A_125 = tpu.memref_slice %arg6[%dma_start3A_123, %dma_start3A_124] : memref<1568x16xf32, #tpu.memory_space<vmem>> -> memref<112x16xf32, #tpu.memory_space<vmem>>
    %dma_start3A_126 = arith.constant 0 : i32
    %dma_start3A_127 = tpu.memref_slice %arg5[%dma_start3A_122, %dma_start3A_126] : memref<14x112xi32, #tpu.memory_space<vmem>> -> memref<1x112xi32, #tpu.memory_space<vmem>>
    %dma_start3A_128 = tpu.memref_squeeze %dma_start3A_127 : memref<1x112xi32, #tpu.memory_space<vmem>> -> memref<112xi32, #tpu.memory_space<vmem>>
    %dma_start3A_129 = arith.constant 0 : i32
    %dma_start3A_130 = arith.constant 0 : i32
    %dma_start3A_131 = tpu.memref_slice %arg4[%dma_start3A_129, %dma_start3A_130] : memref<50176x16xf32, #tpu.memory_space<hbm>> -> memref<50176x16xf32, #tpu.memory_space<hbm>>
    tpu.enqueue_indirect_dma source(%dma_start3A_125 : memref<112x16xf32, #tpu.memory_space<vmem>>) target(%dma_start3A_131 : memref<50176x16xf32, #tpu.memory_space<hbm>>) offsets(%dma_start3A_128 : memref<112xi32, #tpu.memory_space<vmem>>) semaphore(%arg7 : memref<!tpu.dma_semaphore, #tpu.memory_space<semaphore_mem>>)
    %dma_start3A_132 = arith.constant 13 : i32
    %dma_start3A_133 = arith.constant 1456 : i32
    %dma_start3A_134 = arith.constant 0 : i32
    %dma_start3A_135 = tpu.memref_slice %arg6[%dma_start3A_133, %dma_start3A_134] : memref<1568x16xf32, #tpu.memory_space<vmem>> -> memref<112x16xf32, #tpu.memory_space<vmem>>
    %dma_start3A_136 = arith.constant 0 : i32
    %dma_start3A_137 = tpu.memref_slice %arg5[%dma_start3A_132, %dma_start3A_136] : memref<14x112xi32, #tpu.memory_space<vmem>> -> memref<1x112xi32, #tpu.memory_space<vmem>>
    %dma_start3A_138 = tpu.memref_squeeze %dma_start3A_137 : memref<1x112xi32, #tpu.memory_space<vmem>> -> memref<112xi32, #tpu.memory_space<vmem>>
    %dma_start3A_139 = arith.constant 0 : i32
    %dma_start3A_140 = arith.constant 0 : i32
    %dma_start3A_141 = tpu.memref_slice %arg4[%dma_start3A_139, %dma_start3A_140] : memref<50176x16xf32, #tpu.memory_space<hbm>> -> memref<50176x16xf32, #tpu.memory_space<hbm>>
    tpu.enqueue_indirect_dma source(%dma_start3A_135 : memref<112x16xf32, #tpu.memory_space<vmem>>) target(%dma_start3A_141 : memref<50176x16xf32, #tpu.memory_space<hbm>>) offsets(%dma_start3A_138 : memref<112xi32, #tpu.memory_space<vmem>>) semaphore(%arg7 : memref<!tpu.dma_semaphore, #tpu.memory_space<semaphore_mem>>)
    %dma_wait3A = arith.constant 0 : i32
    %dma_wait3A_142 = arith.constant 0 : i32
    %dma_wait3A_143 = arith.constant 0 : i32
    %dma_wait3A_144 = tpu.memref_slice %arg6[%dma_wait3A_142, %dma_wait3A_143] : memref<1568x16xf32, #tpu.memory_space<vmem>> -> memref<112x16xf32, #tpu.memory_space<vmem>>
    %dma_wait3A_145 = arith.constant 0 : i32
    %dma_wait3A_146 = tpu.memref_slice %arg5[%dma_wait3A, %dma_wait3A_145] : memref<14x112xi32, #tpu.memory_space<vmem>> -> memref<1x112xi32, #tpu.memory_space<vmem>>
    %dma_wait3A_147 = tpu.memref_squeeze %dma_wait3A_146 : memref<1x112xi32, #tpu.memory_space<vmem>> -> memref<112xi32, #tpu.memory_space<vmem>>
    %dma_wait3A_148 = arith.constant 0 : i32
    %dma_wait3A_149 = arith.constant 0 : i32
    %dma_wait3A_150 = tpu.memref_slice %arg4[%dma_wait3A_148, %dma_wait3A_149] : memref<50176x16xf32, #tpu.memory_space<hbm>> -> memref<50176x16xf32, #tpu.memory_space<hbm>>
    tpu.wait_indirect_dma semaphore(%arg7 : memref<!tpu.dma_semaphore, #tpu.memory_space<semaphore_mem>>) src(%dma_wait3A_144 : memref<112x16xf32, #tpu.memory_space<vmem>>) dst(%dma_wait3A_150 : memref<50176x16xf32, #tpu.memory_space<hbm>>)
    %dma_wait3A_151 = arith.constant 1 : i32
    %dma_wait3A_152 = arith.constant 112 : i32
    %dma_wait3A_153 = arith.constant 0 : i32
    %dma_wait3A_154 = tpu.memref_slice %arg6[%dma_wait3A_152, %dma_wait3A_153] : memref<1568x16xf32, #tpu.memory_space<vmem>> -> memref<112x16xf32, #tpu.memory_space<vmem>>
    %dma_wait3A_155 = arith.constant 0 : i32
    %dma_wait3A_156 = tpu.memref_slice %arg5[%dma_wait3A_151, %dma_wait3A_155] : memref<14x112xi32, #tpu.memory_space<vmem>> -> memref<1x112xi32, #tpu.memory_space<vmem>>
    %dma_wait3A_157 = tpu.memref_squeeze %dma_wait3A_156 : memref<1x112xi32, #tpu.memory_space<vmem>> -> memref<112xi32, #tpu.memory_space<vmem>>
    %dma_wait3A_158 = arith.constant 0 : i32
    %dma_wait3A_159 = arith.constant 0 : i32
    %dma_wait3A_160 = tpu.memref_slice %arg4[%dma_wait3A_158, %dma_wait3A_159] : memref<50176x16xf32, #tpu.memory_space<hbm>> -> memref<50176x16xf32, #tpu.memory_space<hbm>>
    tpu.wait_indirect_dma semaphore(%arg7 : memref<!tpu.dma_semaphore, #tpu.memory_space<semaphore_mem>>) src(%dma_wait3A_154 : memref<112x16xf32, #tpu.memory_space<vmem>>) dst(%dma_wait3A_160 : memref<50176x16xf32, #tpu.memory_space<hbm>>)
    %dma_wait3A_161 = arith.constant 2 : i32
    %dma_wait3A_162 = arith.constant 224 : i32
    %dma_wait3A_163 = arith.constant 0 : i32
    %dma_wait3A_164 = tpu.memref_slice %arg6[%dma_wait3A_162, %dma_wait3A_163] : memref<1568x16xf32, #tpu.memory_space<vmem>> -> memref<112x16xf32, #tpu.memory_space<vmem>>
    %dma_wait3A_165 = arith.constant 0 : i32
    %dma_wait3A_166 = tpu.memref_slice %arg5[%dma_wait3A_161, %dma_wait3A_165] : memref<14x112xi32, #tpu.memory_space<vmem>> -> memref<1x112xi32, #tpu.memory_space<vmem>>
    %dma_wait3A_167 = tpu.memref_squeeze %dma_wait3A_166 : memref<1x112xi32, #tpu.memory_space<vmem>> -> memref<112xi32, #tpu.memory_space<vmem>>
    %dma_wait3A_168 = arith.constant 0 : i32
    %dma_wait3A_169 = arith.constant 0 : i32
    %dma_wait3A_170 = tpu.memref_slice %arg4[%dma_wait3A_168, %dma_wait3A_169] : memref<50176x16xf32, #tpu.memory_space<hbm>> -> memref<50176x16xf32, #tpu.memory_space<hbm>>
    tpu.wait_indirect_dma semaphore(%arg7 : memref<!tpu.dma_semaphore, #tpu.memory_space<semaphore_mem>>) src(%dma_wait3A_164 : memref<112x16xf32, #tpu.memory_space<vmem>>) dst(%dma_wait3A_170 : memref<50176x16xf32, #tpu.memory_space<hbm>>)
    %dma_wait3A_171 = arith.constant 3 : i32
    %dma_wait3A_172 = arith.constant 336 : i32
    %dma_wait3A_173 = arith.constant 0 : i32
    %dma_wait3A_174 = tpu.memref_slice %arg6[%dma_wait3A_172, %dma_wait3A_173] : memref<1568x16xf32, #tpu.memory_space<vmem>> -> memref<112x16xf32, #tpu.memory_space<vmem>>
    %dma_wait3A_175 = arith.constant 0 : i32
    %dma_wait3A_176 = tpu.memref_slice %arg5[%dma_wait3A_171, %dma_wait3A_175] : memref<14x112xi32, #tpu.memory_space<vmem>> -> memref<1x112xi32, #tpu.memory_space<vmem>>
    %dma_wait3A_177 = tpu.memref_squeeze %dma_wait3A_176 : memref<1x112xi32, #tpu.memory_space<vmem>> -> memref<112xi32, #tpu.memory_space<vmem>>
    %dma_wait3A_178 = arith.constant 0 : i32
    %dma_wait3A_179 = arith.constant 0 : i32
    %dma_wait3A_180 = tpu.memref_slice %arg4[%dma_wait3A_178, %dma_wait3A_179] : memref<50176x16xf32, #tpu.memory_space<hbm>> -> memref<50176x16xf32, #tpu.memory_space<hbm>>
    tpu.wait_indirect_dma semaphore(%arg7 : memref<!tpu.dma_semaphore, #tpu.memory_space<semaphore_mem>>) src(%dma_wait3A_174 : memref<112x16xf32, #tpu.memory_space<vmem>>) dst(%dma_wait3A_180 : memref<50176x16xf32, #tpu.memory_space<hbm>>)
    %dma_wait3A_181 = arith.constant 4 : i32
    %dma_wait3A_182 = arith.constant 448 : i32
    %dma_wait3A_183 = arith.constant 0 : i32
    %dma_wait3A_184 = tpu.memref_slice %arg6[%dma_wait3A_182, %dma_wait3A_183] : memref<1568x16xf32, #tpu.memory_space<vmem>> -> memref<112x16xf32, #tpu.memory_space<vmem>>
    %dma_wait3A_185 = arith.constant 0 : i32
    %dma_wait3A_186 = tpu.memref_slice %arg5[%dma_wait3A_181, %dma_wait3A_185] : memref<14x112xi32, #tpu.memory_space<vmem>> -> memref<1x112xi32, #tpu.memory_space<vmem>>
    %dma_wait3A_187 = tpu.memref_squeeze %dma_wait3A_186 : memref<1x112xi32, #tpu.memory_space<vmem>> -> memref<112xi32, #tpu.memory_space<vmem>>
    %dma_wait3A_188 = arith.constant 0 : i32
    %dma_wait3A_189 = arith.constant 0 : i32
    %dma_wait3A_190 = tpu.memref_slice %arg4[%dma_wait3A_188, %dma_wait3A_189] : memref<50176x16xf32, #tpu.memory_space<hbm>> -> memref<50176x16xf32, #tpu.memory_space<hbm>>
    tpu.wait_indirect_dma semaphore(%arg7 : memref<!tpu.dma_semaphore, #tpu.memory_space<semaphore_mem>>) src(%dma_wait3A_184 : memref<112x16xf32, #tpu.memory_space<vmem>>) dst(%dma_wait3A_190 : memref<50176x16xf32, #tpu.memory_space<hbm>>)
    %dma_wait3A_191 = arith.constant 5 : i32
    %dma_wait3A_192 = arith.constant 560 : i32
    %dma_wait3A_193 = arith.constant 0 : i32
    %dma_wait3A_194 = tpu.memref_slice %arg6[%dma_wait3A_192, %dma_wait3A_193] : memref<1568x16xf32, #tpu.memory_space<vmem>> -> memref<112x16xf32, #tpu.memory_space<vmem>>
    %dma_wait3A_195 = arith.constant 0 : i32
    %dma_wait3A_196 = tpu.memref_slice %arg5[%dma_wait3A_191, %dma_wait3A_195] : memref<14x112xi32, #tpu.memory_space<vmem>> -> memref<1x112xi32, #tpu.memory_space<vmem>>
    %dma_wait3A_197 = tpu.memref_squeeze %dma_wait3A_196 : memref<1x112xi32, #tpu.memory_space<vmem>> -> memref<112xi32, #tpu.memory_space<vmem>>
    %dma_wait3A_198 = arith.constant 0 : i32
    %dma_wait3A_199 = arith.constant 0 : i32
    %dma_wait3A_200 = tpu.memref_slice %arg4[%dma_wait3A_198, %dma_wait3A_199] : memref<50176x16xf32, #tpu.memory_space<hbm>> -> memref<50176x16xf32, #tpu.memory_space<hbm>>
    tpu.wait_indirect_dma semaphore(%arg7 : memref<!tpu.dma_semaphore, #tpu.memory_space<semaphore_mem>>) src(%dma_wait3A_194 : memref<112x16xf32, #tpu.memory_space<vmem>>) dst(%dma_wait3A_200 : memref<50176x16xf32, #tpu.memory_space<hbm>>)
    %dma_wait3A_201 = arith.constant 6 : i32
    %dma_wait3A_202 = arith.constant 672 : i32
    %dma_wait3A_203 = arith.constant 0 : i32
    %dma_wait3A_204 = tpu.memref_slice %arg6[%dma_wait3A_202, %dma_wait3A_203] : memref<1568x16xf32, #tpu.memory_space<vmem>> -> memref<112x16xf32, #tpu.memory_space<vmem>>
    %dma_wait3A_205 = arith.constant 0 : i32
    %dma_wait3A_206 = tpu.memref_slice %arg5[%dma_wait3A_201, %dma_wait3A_205] : memref<14x112xi32, #tpu.memory_space<vmem>> -> memref<1x112xi32, #tpu.memory_space<vmem>>
    %dma_wait3A_207 = tpu.memref_squeeze %dma_wait3A_206 : memref<1x112xi32, #tpu.memory_space<vmem>> -> memref<112xi32, #tpu.memory_space<vmem>>
    %dma_wait3A_208 = arith.constant 0 : i32
    %dma_wait3A_209 = arith.constant 0 : i32
    %dma_wait3A_210 = tpu.memref_slice %arg4[%dma_wait3A_208, %dma_wait3A_209] : memref<50176x16xf32, #tpu.memory_space<hbm>> -> memref<50176x16xf32, #tpu.memory_space<hbm>>
    tpu.wait_indirect_dma semaphore(%arg7 : memref<!tpu.dma_semaphore, #tpu.memory_space<semaphore_mem>>) src(%dma_wait3A_204 : memref<112x16xf32, #tpu.memory_space<vmem>>) dst(%dma_wait3A_210 : memref<50176x16xf32, #tpu.memory_space<hbm>>)
    %dma_wait3A_211 = arith.constant 7 : i32
    %dma_wait3A_212 = arith.constant 784 : i32
    %dma_wait3A_213 = arith.constant 0 : i32
    %dma_wait3A_214 = tpu.memref_slice %arg6[%dma_wait3A_212, %dma_wait3A_213] : memref<1568x16xf32, #tpu.memory_space<vmem>> -> memref<112x16xf32, #tpu.memory_space<vmem>>
    %dma_wait3A_215 = arith.constant 0 : i32
    %dma_wait3A_216 = tpu.memref_slice %arg5[%dma_wait3A_211, %dma_wait3A_215] : memref<14x112xi32, #tpu.memory_space<vmem>> -> memref<1x112xi32, #tpu.memory_space<vmem>>
    %dma_wait3A_217 = tpu.memref_squeeze %dma_wait3A_216 : memref<1x112xi32, #tpu.memory_space<vmem>> -> memref<112xi32, #tpu.memory_space<vmem>>
    %dma_wait3A_218 = arith.constant 0 : i32
    %dma_wait3A_219 = arith.constant 0 : i32
    %dma_wait3A_220 = tpu.memref_slice %arg4[%dma_wait3A_218, %dma_wait3A_219] : memref<50176x16xf32, #tpu.memory_space<hbm>> -> memref<50176x16xf32, #tpu.memory_space<hbm>>
    tpu.wait_indirect_dma semaphore(%arg7 : memref<!tpu.dma_semaphore, #tpu.memory_space<semaphore_mem>>) src(%dma_wait3A_214 : memref<112x16xf32, #tpu.memory_space<vmem>>) dst(%dma_wait3A_220 : memref<50176x16xf32, #tpu.memory_space<hbm>>)
    %dma_wait3A_221 = arith.constant 8 : i32
    %dma_wait3A_222 = arith.constant 896 : i32
    %dma_wait3A_223 = arith.constant 0 : i32
    %dma_wait3A_224 = tpu.memref_slice %arg6[%dma_wait3A_222, %dma_wait3A_223] : memref<1568x16xf32, #tpu.memory_space<vmem>> -> memref<112x16xf32, #tpu.memory_space<vmem>>
    %dma_wait3A_225 = arith.constant 0 : i32
    %dma_wait3A_226 = tpu.memref_slice %arg5[%dma_wait3A_221, %dma_wait3A_225] : memref<14x112xi32, #tpu.memory_space<vmem>> -> memref<1x112xi32, #tpu.memory_space<vmem>>
    %dma_wait3A_227 = tpu.memref_squeeze %dma_wait3A_226 : memref<1x112xi32, #tpu.memory_space<vmem>> -> memref<112xi32, #tpu.memory_space<vmem>>
    %dma_wait3A_228 = arith.constant 0 : i32
    %dma_wait3A_229 = arith.constant 0 : i32
    %dma_wait3A_230 = tpu.memref_slice %arg4[%dma_wait3A_228, %dma_wait3A_229] : memref<50176x16xf32, #tpu.memory_space<hbm>> -> memref<50176x16xf32, #tpu.memory_space<hbm>>
    tpu.wait_indirect_dma semaphore(%arg7 : memref<!tpu.dma_semaphore, #tpu.memory_space<semaphore_mem>>) src(%dma_wait3A_224 : memref<112x16xf32, #tpu.memory_space<vmem>>) dst(%dma_wait3A_230 : memref<50176x16xf32, #tpu.memory_space<hbm>>)
    %dma_wait3A_231 = arith.constant 9 : i32
    %dma_wait3A_232 = arith.constant 1008 : i32
    %dma_wait3A_233 = arith.constant 0 : i32
    %dma_wait3A_234 = tpu.memref_slice %arg6[%dma_wait3A_232, %dma_wait3A_233] : memref<1568x16xf32, #tpu.memory_space<vmem>> -> memref<112x16xf32, #tpu.memory_space<vmem>>
    %dma_wait3A_235 = arith.constant 0 : i32
    %dma_wait3A_236 = tpu.memref_slice %arg5[%dma_wait3A_231, %dma_wait3A_235] : memref<14x112xi32, #tpu.memory_space<vmem>> -> memref<1x112xi32, #tpu.memory_space<vmem>>
    %dma_wait3A_237 = tpu.memref_squeeze %dma_wait3A_236 : memref<1x112xi32, #tpu.memory_space<vmem>> -> memref<112xi32, #tpu.memory_space<vmem>>
    %dma_wait3A_238 = arith.constant 0 : i32
    %dma_wait3A_239 = arith.constant 0 : i32
    %dma_wait3A_240 = tpu.memref_slice %arg4[%dma_wait3A_238, %dma_wait3A_239] : memref<50176x16xf32, #tpu.memory_space<hbm>> -> memref<50176x16xf32, #tpu.memory_space<hbm>>
    tpu.wait_indirect_dma semaphore(%arg7 : memref<!tpu.dma_semaphore, #tpu.memory_space<semaphore_mem>>) src(%dma_wait3A_234 : memref<112x16xf32, #tpu.memory_space<vmem>>) dst(%dma_wait3A_240 : memref<50176x16xf32, #tpu.memory_space<hbm>>)
    %dma_wait3A_241 = arith.constant 10 : i32
    %dma_wait3A_242 = arith.constant 1120 : i32
    %dma_wait3A_243 = arith.constant 0 : i32
    %dma_wait3A_244 = tpu.memref_slice %arg6[%dma_wait3A_242, %dma_wait3A_243] : memref<1568x16xf32, #tpu.memory_space<vmem>> -> memref<112x16xf32, #tpu.memory_space<vmem>>
    %dma_wait3A_245 = arith.constant 0 : i32
    %dma_wait3A_246 = tpu.memref_slice %arg5[%dma_wait3A_241, %dma_wait3A_245] : memref<14x112xi32, #tpu.memory_space<vmem>> -> memref<1x112xi32, #tpu.memory_space<vmem>>
    %dma_wait3A_247 = tpu.memref_squeeze %dma_wait3A_246 : memref<1x112xi32, #tpu.memory_space<vmem>> -> memref<112xi32, #tpu.memory_space<vmem>>
    %dma_wait3A_248 = arith.constant 0 : i32
    %dma_wait3A_249 = arith.constant 0 : i32
    %dma_wait3A_250 = tpu.memref_slice %arg4[%dma_wait3A_248, %dma_wait3A_249] : memref<50176x16xf32, #tpu.memory_space<hbm>> -> memref<50176x16xf32, #tpu.memory_space<hbm>>
    tpu.wait_indirect_dma semaphore(%arg7 : memref<!tpu.dma_semaphore, #tpu.memory_space<semaphore_mem>>) src(%dma_wait3A_244 : memref<112x16xf32, #tpu.memory_space<vmem>>) dst(%dma_wait3A_250 : memref<50176x16xf32, #tpu.memory_space<hbm>>)
    %dma_wait3A_251 = arith.constant 11 : i32
    %dma_wait3A_252 = arith.constant 1232 : i32
    %dma_wait3A_253 = arith.constant 0 : i32
    %dma_wait3A_254 = tpu.memref_slice %arg6[%dma_wait3A_252, %dma_wait3A_253] : memref<1568x16xf32, #tpu.memory_space<vmem>> -> memref<112x16xf32, #tpu.memory_space<vmem>>
    %dma_wait3A_255 = arith.constant 0 : i32
    %dma_wait3A_256 = tpu.memref_slice %arg5[%dma_wait3A_251, %dma_wait3A_255] : memref<14x112xi32, #tpu.memory_space<vmem>> -> memref<1x112xi32, #tpu.memory_space<vmem>>
    %dma_wait3A_257 = tpu.memref_squeeze %dma_wait3A_256 : memref<1x112xi32, #tpu.memory_space<vmem>> -> memref<112xi32, #tpu.memory_space<vmem>>
    %dma_wait3A_258 = arith.constant 0 : i32
    %dma_wait3A_259 = arith.constant 0 : i32
    %dma_wait3A_260 = tpu.memref_slice %arg4[%dma_wait3A_258, %dma_wait3A_259] : memref<50176x16xf32, #tpu.memory_space<hbm>> -> memref<50176x16xf32, #tpu.memory_space<hbm>>
    tpu.wait_indirect_dma semaphore(%arg7 : memref<!tpu.dma_semaphore, #tpu.memory_space<semaphore_mem>>) src(%dma_wait3A_254 : memref<112x16xf32, #tpu.memory_space<vmem>>) dst(%dma_wait3A_260 : memref<50176x16xf32, #tpu.memory_space<hbm>>)
    %dma_wait3A_261 = arith.constant 12 : i32
    %dma_wait3A_262 = arith.constant 1344 : i32
    %dma_wait3A_263 = arith.constant 0 : i32
    %dma_wait3A_264 = tpu.memref_slice %arg6[%dma_wait3A_262, %dma_wait3A_263] : memref<1568x16xf32, #tpu.memory_space<vmem>> -> memref<112x16xf32, #tpu.memory_space<vmem>>
    %dma_wait3A_265 = arith.constant 0 : i32
    %dma_wait3A_266 = tpu.memref_slice %arg5[%dma_wait3A_261, %dma_wait3A_265] : memref<14x112xi32, #tpu.memory_space<vmem>> -> memref<1x112xi32, #tpu.memory_space<vmem>>
    %dma_wait3A_267 = tpu.memref_squeeze %dma_wait3A_266 : memref<1x112xi32, #tpu.memory_space<vmem>> -> memref<112xi32, #tpu.memory_space<vmem>>
    %dma_wait3A_268 = arith.constant 0 : i32
    %dma_wait3A_269 = arith.constant 0 : i32
    %dma_wait3A_270 = tpu.memref_slice %arg4[%dma_wait3A_268, %dma_wait3A_269] : memref<50176x16xf32, #tpu.memory_space<hbm>> -> memref<50176x16xf32, #tpu.memory_space<hbm>>
    tpu.wait_indirect_dma semaphore(%arg7 : memref<!tpu.dma_semaphore, #tpu.memory_space<semaphore_mem>>) src(%dma_wait3A_264 : memref<112x16xf32, #tpu.memory_space<vmem>>) dst(%dma_wait3A_270 : memref<50176x16xf32, #tpu.memory_space<hbm>>)
    %dma_wait3A_271 = arith.constant 13 : i32
    %dma_wait3A_272 = arith.constant 1456 : i32
    %dma_wait3A_273 = arith.constant 0 : i32
    %dma_wait3A_274 = tpu.memref_slice %arg6[%dma_wait3A_272, %dma_wait3A_273] : memref<1568x16xf32, #tpu.memory_space<vmem>> -> memref<112x16xf32, #tpu.memory_space<vmem>>
    %dma_wait3A_275 = arith.constant 0 : i32
    %dma_wait3A_276 = tpu.memref_slice %arg5[%dma_wait3A_271, %dma_wait3A_275] : memref<14x112xi32, #tpu.memory_space<vmem>> -> memref<1x112xi32, #tpu.memory_space<vmem>>
    %dma_wait3A_277 = tpu.memref_squeeze %dma_wait3A_276 : memref<1x112xi32, #tpu.memory_space<vmem>> -> memref<112xi32, #tpu.memory_space<vmem>>
    %dma_wait3A_278 = arith.constant 0 : i32
    %dma_wait3A_279 = arith.constant 0 : i32
    %dma_wait3A_280 = tpu.memref_slice %arg4[%dma_wait3A_278, %dma_wait3A_279] : memref<50176x16xf32, #tpu.memory_space<hbm>> -> memref<50176x16xf32, #tpu.memory_space<hbm>>
    tpu.wait_indirect_dma semaphore(%arg7 : memref<!tpu.dma_semaphore, #tpu.memory_space<semaphore_mem>>) src(%dma_wait3A_274 : memref<112x16xf32, #tpu.memory_space<vmem>>) dst(%dma_wait3A_280 : memref<50176x16xf32, #tpu.memory_space<hbm>>)
    return
  }
}

#map = affine_map<(d0, d1) -> (0, 0)>
#map1 = affine_map<(d0, d1) -> (0, 0, 0)>
module attributes {stable_mosaic.version = 14 : i64} {
  func.func @sc_gather(%arg0: i32, %arg1: i32, %arg2: memref<50176x16xf32, #tpu.memory_space<hbm>>, %arg3: memref<32x14x112xi32, #tpu.memory_space<hbm>>, %arg4: memref<50176x16xf32, #tpu.memory_space<hbm>>, %arg5: memref<14x112xi32, #tpu.memory_space<vmem>>, %arg6: memref<1568x16xf32, #tpu.memory_space<vmem>>, %arg7: memref<!tpu.dma_semaphore, #tpu.memory_space<semaphore_mem>>) attributes {dimension_semantics = [#tpu.dimension_semantics<core_parallel>, #tpu.dimension_semantics<subcore_parallel>], iteration_bounds = array<i64: 2, 16>, scalar_prefetch = 0 : i64, scratch_operands = 3 : i64, tpu.core_type = #tpu.core_type<sc_vector_subcore>, window_params = [{transform_indices = #map}, {transform_indices = #map1}, {transform_indices = #map}]} {
    %mul3A = arith.constant 2 : i32
    %mul3A_0 = arith.muli %arg1, %mul3A : i32
    %add3A = arith.addi %mul3A_0, %arg0 : i32
    %mul3A_1 = arith.constant 1568 : i32
    %mul3A_2 = arith.muli %add3A, %mul3A_1 : i32
    "tpu.region"() ({
      %run_scoped3A = tpu.sem_alloc : memref<!tpu.dma_semaphore, #tpu.memory_space<semaphore_mem>>
      %dma_start3A_281 = arith.constant 0 : i32
      %dma_start3A_282 = arith.constant 0 : i32
      %dma_start3A_283 = tpu.memref_slice %arg3[%add3A, %dma_start3A_281, %dma_start3A_282] : memref<32x14x112xi32, #tpu.memory_space<hbm>> -> memref<1x14x112xi32, #tpu.memory_space<hbm>>
      %dma_start3A_284 = tpu.memref_squeeze %dma_start3A_283 : memref<1x14x112xi32, #tpu.memory_space<hbm>> -> memref<14x112xi32, #tpu.memory_space<hbm>>
      %dma_start3A_285 = arith.constant 0 : i32
      %dma_start3A_286 = arith.constant 0 : i32
      %dma_start3A_287 = tpu.memref_slice %arg3[%add3A, %dma_start3A_285, %dma_start3A_286] : memref<32x14x112xi32, #tpu.memory_space<hbm>> -> memref<1x14x112xi32, #tpu.memory_space<hbm>>
      %dma_start3A_288 = tpu.memref_squeeze %dma_start3A_287 : memref<1x14x112xi32, #tpu.memory_space<hbm>> -> memref<14x112xi32, #tpu.memory_space<hbm>>
      tpu.enqueue_dma source(%dma_start3A_288 : memref<14x112xi32, #tpu.memory_space<hbm>>) target(%arg5 : memref<14x112xi32, #tpu.memory_space<vmem>>) target_semaphore(%run_scoped3A : memref<!tpu.dma_semaphore, #tpu.memory_space<semaphore_mem>>)
      %dma_wait3A_289 = arith.constant 0 : i32
      %dma_wait3A_290 = arith.constant 0 : i32
      %dma_wait3A_291 = tpu.memref_slice %arg3[%add3A, %dma_wait3A_289, %dma_wait3A_290] : memref<32x14x112xi32, #tpu.memory_space<hbm>> -> memref<1x14x112xi32, #tpu.memory_space<hbm>>
      %dma_wait3A_292 = tpu.memref_squeeze %dma_wait3A_291 : memref<1x14x112xi32, #tpu.memory_space<hbm>> -> memref<14x112xi32, #tpu.memory_space<hbm>>
      %dma_wait3A_293 = arith.constant 0 : i32
      %dma_wait3A_294 = arith.constant 0 : i32
      %dma_wait3A_295 = tpu.memref_slice %arg3[%add3A, %dma_wait3A_293, %dma_wait3A_294] : memref<32x14x112xi32, #tpu.memory_space<hbm>> -> memref<1x14x112xi32, #tpu.memory_space<hbm>>
      %dma_wait3A_296 = tpu.memref_squeeze %dma_wait3A_295 : memref<1x14x112xi32, #tpu.memory_space<hbm>> -> memref<14x112xi32, #tpu.memory_space<hbm>>
      tpu.wait_dma2 semaphore(%run_scoped3A : memref<!tpu.dma_semaphore, #tpu.memory_space<semaphore_mem>>) src(%dma_wait3A_296 : memref<14x112xi32, #tpu.memory_space<hbm>>) dst(%arg5 : memref<14x112xi32, #tpu.memory_space<vmem>>)
      tpu.yield
    }) : () -> ()
    %dma_start3A = arith.constant 0 : i32
    %dma_start3A_3 = arith.constant 0 : i32
    %dma_start3A_4 = arith.constant 0 : i32
    %dma_start3A_5 = tpu.memref_slice %arg6[%dma_start3A_3, %dma_start3A_4] : memref<1568x16xf32, #tpu.memory_space<vmem>> -> memref<112x16xf32, #tpu.memory_space<vmem>>
    %dma_start3A_6 = arith.constant 0 : i32
    %dma_start3A_7 = tpu.memref_slice %arg5[%dma_start3A, %dma_start3A_6] : memref<14x112xi32, #tpu.memory_space<vmem>> -> memref<1x112xi32, #tpu.memory_space<vmem>>
    %dma_start3A_8 = tpu.memref_squeeze %dma_start3A_7 : memref<1x112xi32, #tpu.memory_space<vmem>> -> memref<112xi32, #tpu.memory_space<vmem>>
    %dma_start3A_9 = arith.constant 0 : i32
    %dma_start3A_10 = arith.constant 0 : i32
    %dma_start3A_11 = tpu.memref_slice %arg2[%dma_start3A_9, %dma_start3A_10] : memref<50176x16xf32, #tpu.memory_space<hbm>> -> memref<50176x16xf32, #tpu.memory_space<hbm>>
    tpu.enqueue_indirect_dma source(%dma_start3A_11 : memref<50176x16xf32, #tpu.memory_space<hbm>>) target(%dma_start3A_5 : memref<112x16xf32, #tpu.memory_space<vmem>>) offsets(%dma_start3A_8 : memref<112xi32, #tpu.memory_space<vmem>>) semaphore(%arg7 : memref<!tpu.dma_semaphore, #tpu.memory_space<semaphore_mem>>)
    %dma_start3A_12 = arith.constant 1 : i32
    %dma_start3A_13 = arith.constant 112 : i32
    %dma_start3A_14 = arith.constant 0 : i32
    %dma_start3A_15 = tpu.memref_slice %arg6[%dma_start3A_13, %dma_start3A_14] : memref<1568x16xf32, #tpu.memory_space<vmem>> -> memref<112x16xf32, #tpu.memory_space<vmem>>
    %dma_start3A_16 = arith.constant 0 : i32
    %dma_start3A_17 = tpu.memref_slice %arg5[%dma_start3A_12, %dma_start3A_16] : memref<14x112xi32, #tpu.memory_space<vmem>> -> memref<1x112xi32, #tpu.memory_space<vmem>>
    %dma_start3A_18 = tpu.memref_squeeze %dma_start3A_17 : memref<1x112xi32, #tpu.memory_space<vmem>> -> memref<112xi32, #tpu.memory_space<vmem>>
    %dma_start3A_19 = arith.constant 0 : i32
    %dma_start3A_20 = arith.constant 0 : i32
    %dma_start3A_21 = tpu.memref_slice %arg2[%dma_start3A_19, %dma_start3A_20] : memref<50176x16xf32, #tpu.memory_space<hbm>> -> memref<50176x16xf32, #tpu.memory_space<hbm>>
    tpu.enqueue_indirect_dma source(%dma_start3A_21 : memref<50176x16xf32, #tpu.memory_space<hbm>>) target(%dma_start3A_15 : memref<112x16xf32, #tpu.memory_space<vmem>>) offsets(%dma_start3A_18 : memref<112xi32, #tpu.memory_space<vmem>>) semaphore(%arg7 : memref<!tpu.dma_semaphore, #tpu.memory_space<semaphore_mem>>)
    %dma_start3A_22 = arith.constant 2 : i32
    %dma_start3A_23 = arith.constant 224 : i32
    %dma_start3A_24 = arith.constant 0 : i32
    %dma_start3A_25 = tpu.memref_slice %arg6[%dma_start3A_23, %dma_start3A_24] : memref<1568x16xf32, #tpu.memory_space<vmem>> -> memref<112x16xf32, #tpu.memory_space<vmem>>
    %dma_start3A_26 = arith.constant 0 : i32
    %dma_start3A_27 = tpu.memref_slice %arg5[%dma_start3A_22, %dma_start3A_26] : memref<14x112xi32, #tpu.memory_space<vmem>> -> memref<1x112xi32, #tpu.memory_space<vmem>>
    %dma_start3A_28 = tpu.memref_squeeze %dma_start3A_27 : memref<1x112xi32, #tpu.memory_space<vmem>> -> memref<112xi32, #tpu.memory_space<vmem>>
    %dma_start3A_29 = arith.constant 0 : i32
    %dma_start3A_30 = arith.constant 0 : i32
    %dma_start3A_31 = tpu.memref_slice %arg2[%dma_start3A_29, %dma_start3A_30] : memref<50176x16xf32, #tpu.memory_space<hbm>> -> memref<50176x16xf32, #tpu.memory_space<hbm>>
    tpu.enqueue_indirect_dma source(%dma_start3A_31 : memref<50176x16xf32, #tpu.memory_space<hbm>>) target(%dma_start3A_25 : memref<112x16xf32, #tpu.memory_space<vmem>>) offsets(%dma_start3A_28 : memref<112xi32, #tpu.memory_space<vmem>>) semaphore(%arg7 : memref<!tpu.dma_semaphore, #tpu.memory_space<semaphore_mem>>)
    %dma_start3A_32 = arith.constant 3 : i32
    %dma_start3A_33 = arith.constant 336 : i32
    %dma_start3A_34 = arith.constant 0 : i32
    %dma_start3A_35 = tpu.memref_slice %arg6[%dma_start3A_33, %dma_start3A_34] : memref<1568x16xf32, #tpu.memory_space<vmem>> -> memref<112x16xf32, #tpu.memory_space<vmem>>
    %dma_start3A_36 = arith.constant 0 : i32
    %dma_start3A_37 = tpu.memref_slice %arg5[%dma_start3A_32, %dma_start3A_36] : memref<14x112xi32, #tpu.memory_space<vmem>> -> memref<1x112xi32, #tpu.memory_space<vmem>>
    %dma_start3A_38 = tpu.memref_squeeze %dma_start3A_37 : memref<1x112xi32, #tpu.memory_space<vmem>> -> memref<112xi32, #tpu.memory_space<vmem>>
    %dma_start3A_39 = arith.constant 0 : i32
    %dma_start3A_40 = arith.constant 0 : i32
    %dma_start3A_41 = tpu.memref_slice %arg2[%dma_start3A_39, %dma_start3A_40] : memref<50176x16xf32, #tpu.memory_space<hbm>> -> memref<50176x16xf32, #tpu.memory_space<hbm>>
    tpu.enqueue_indirect_dma source(%dma_start3A_41 : memref<50176x16xf32, #tpu.memory_space<hbm>>) target(%dma_start3A_35 : memref<112x16xf32, #tpu.memory_space<vmem>>) offsets(%dma_start3A_38 : memref<112xi32, #tpu.memory_space<vmem>>) semaphore(%arg7 : memref<!tpu.dma_semaphore, #tpu.memory_space<semaphore_mem>>)
    %dma_start3A_42 = arith.constant 4 : i32
    %dma_start3A_43 = arith.constant 448 : i32
    %dma_start3A_44 = arith.constant 0 : i32
    %dma_start3A_45 = tpu.memref_slice %arg6[%dma_start3A_43, %dma_start3A_44] : memref<1568x16xf32, #tpu.memory_space<vmem>> -> memref<112x16xf32, #tpu.memory_space<vmem>>
    %dma_start3A_46 = arith.constant 0 : i32
    %dma_start3A_47 = tpu.memref_slice %arg5[%dma_start3A_42, %dma_start3A_46] : memref<14x112xi32, #tpu.memory_space<vmem>> -> memref<1x112xi32, #tpu.memory_space<vmem>>
    %dma_start3A_48 = tpu.memref_squeeze %dma_start3A_47 : memref<1x112xi32, #tpu.memory_space<vmem>> -> memref<112xi32, #tpu.memory_space<vmem>>
    %dma_start3A_49 = arith.constant 0 : i32
    %dma_start3A_50 = arith.constant 0 : i32
    %dma_start3A_51 = tpu.memref_slice %arg2[%dma_start3A_49, %dma_start3A_50] : memref<50176x16xf32, #tpu.memory_space<hbm>> -> memref<50176x16xf32, #tpu.memory_space<hbm>>
    tpu.enqueue_indirect_dma source(%dma_start3A_51 : memref<50176x16xf32, #tpu.memory_space<hbm>>) target(%dma_start3A_45 : memref<112x16xf32, #tpu.memory_space<vmem>>) offsets(%dma_start3A_48 : memref<112xi32, #tpu.memory_space<vmem>>) semaphore(%arg7 : memref<!tpu.dma_semaphore, #tpu.memory_space<semaphore_mem>>)
    %dma_start3A_52 = arith.constant 5 : i32
    %dma_start3A_53 = arith.constant 560 : i32
    %dma_start3A_54 = arith.constant 0 : i32
    %dma_start3A_55 = tpu.memref_slice %arg6[%dma_start3A_53, %dma_start3A_54] : memref<1568x16xf32, #tpu.memory_space<vmem>> -> memref<112x16xf32, #tpu.memory_space<vmem>>
    %dma_start3A_56 = arith.constant 0 : i32
    %dma_start3A_57 = tpu.memref_slice %arg5[%dma_start3A_52, %dma_start3A_56] : memref<14x112xi32, #tpu.memory_space<vmem>> -> memref<1x112xi32, #tpu.memory_space<vmem>>
    %dma_start3A_58 = tpu.memref_squeeze %dma_start3A_57 : memref<1x112xi32, #tpu.memory_space<vmem>> -> memref<112xi32, #tpu.memory_space<vmem>>
    %dma_start3A_59 = arith.constant 0 : i32
    %dma_start3A_60 = arith.constant 0 : i32
    %dma_start3A_61 = tpu.memref_slice %arg2[%dma_start3A_59, %dma_start3A_60] : memref<50176x16xf32, #tpu.memory_space<hbm>> -> memref<50176x16xf32, #tpu.memory_space<hbm>>
    tpu.enqueue_indirect_dma source(%dma_start3A_61 : memref<50176x16xf32, #tpu.memory_space<hbm>>) target(%dma_start3A_55 : memref<112x16xf32, #tpu.memory_space<vmem>>) offsets(%dma_start3A_58 : memref<112xi32, #tpu.memory_space<vmem>>) semaphore(%arg7 : memref<!tpu.dma_semaphore, #tpu.memory_space<semaphore_mem>>)
    %dma_start3A_62 = arith.constant 6 : i32
    %dma_start3A_63 = arith.constant 672 : i32
    %dma_start3A_64 = arith.constant 0 : i32
    %dma_start3A_65 = tpu.memref_slice %arg6[%dma_start3A_63, %dma_start3A_64] : memref<1568x16xf32, #tpu.memory_space<vmem>> -> memref<112x16xf32, #tpu.memory_space<vmem>>
    %dma_start3A_66 = arith.constant 0 : i32
    %dma_start3A_67 = tpu.memref_slice %arg5[%dma_start3A_62, %dma_start3A_66] : memref<14x112xi32, #tpu.memory_space<vmem>> -> memref<1x112xi32, #tpu.memory_space<vmem>>
    %dma_start3A_68 = tpu.memref_squeeze %dma_start3A_67 : memref<1x112xi32, #tpu.memory_space<vmem>> -> memref<112xi32, #tpu.memory_space<vmem>>
    %dma_start3A_69 = arith.constant 0 : i32
    %dma_start3A_70 = arith.constant 0 : i32
    %dma_start3A_71 = tpu.memref_slice %arg2[%dma_start3A_69, %dma_start3A_70] : memref<50176x16xf32, #tpu.memory_space<hbm>> -> memref<50176x16xf32, #tpu.memory_space<hbm>>
    tpu.enqueue_indirect_dma source(%dma_start3A_71 : memref<50176x16xf32, #tpu.memory_space<hbm>>) target(%dma_start3A_65 : memref<112x16xf32, #tpu.memory_space<vmem>>) offsets(%dma_start3A_68 : memref<112xi32, #tpu.memory_space<vmem>>) semaphore(%arg7 : memref<!tpu.dma_semaphore, #tpu.memory_space<semaphore_mem>>)
    %dma_start3A_72 = arith.constant 7 : i32
    %dma_start3A_73 = arith.constant 784 : i32
    %dma_start3A_74 = arith.constant 0 : i32
    %dma_start3A_75 = tpu.memref_slice %arg6[%dma_start3A_73, %dma_start3A_74] : memref<1568x16xf32, #tpu.memory_space<vmem>> -> memref<112x16xf32, #tpu.memory_space<vmem>>
    %dma_start3A_76 = arith.constant 0 : i32
    %dma_start3A_77 = tpu.memref_slice %arg5[%dma_start3A_72, %dma_start3A_76] : memref<14x112xi32, #tpu.memory_space<vmem>> -> memref<1x112xi32, #tpu.memory_space<vmem>>
    %dma_start3A_78 = tpu.memref_squeeze %dma_start3A_77 : memref<1x112xi32, #tpu.memory_space<vmem>> -> memref<112xi32, #tpu.memory_space<vmem>>
    %dma_start3A_79 = arith.constant 0 : i32
    %dma_start3A_80 = arith.constant 0 : i32
    %dma_start3A_81 = tpu.memref_slice %arg2[%dma_start3A_79, %dma_start3A_80] : memref<50176x16xf32, #tpu.memory_space<hbm>> -> memref<50176x16xf32, #tpu.memory_space<hbm>>
    tpu.enqueue_indirect_dma source(%dma_start3A_81 : memref<50176x16xf32, #tpu.memory_space<hbm>>) target(%dma_start3A_75 : memref<112x16xf32, #tpu.memory_space<vmem>>) offsets(%dma_start3A_78 : memref<112xi32, #tpu.memory_space<vmem>>) semaphore(%arg7 : memref<!tpu.dma_semaphore, #tpu.memory_space<semaphore_mem>>)
    %dma_start3A_82 = arith.constant 8 : i32
    %dma_start3A_83 = arith.constant 896 : i32
    %dma_start3A_84 = arith.constant 0 : i32
    %dma_start3A_85 = tpu.memref_slice %arg6[%dma_start3A_83, %dma_start3A_84] : memref<1568x16xf32, #tpu.memory_space<vmem>> -> memref<112x16xf32, #tpu.memory_space<vmem>>
    %dma_start3A_86 = arith.constant 0 : i32
    %dma_start3A_87 = tpu.memref_slice %arg5[%dma_start3A_82, %dma_start3A_86] : memref<14x112xi32, #tpu.memory_space<vmem>> -> memref<1x112xi32, #tpu.memory_space<vmem>>
    %dma_start3A_88 = tpu.memref_squeeze %dma_start3A_87 : memref<1x112xi32, #tpu.memory_space<vmem>> -> memref<112xi32, #tpu.memory_space<vmem>>
    %dma_start3A_89 = arith.constant 0 : i32
    %dma_start3A_90 = arith.constant 0 : i32
    %dma_start3A_91 = tpu.memref_slice %arg2[%dma_start3A_89, %dma_start3A_90] : memref<50176x16xf32, #tpu.memory_space<hbm>> -> memref<50176x16xf32, #tpu.memory_space<hbm>>
    tpu.enqueue_indirect_dma source(%dma_start3A_91 : memref<50176x16xf32, #tpu.memory_space<hbm>>) target(%dma_start3A_85 : memref<112x16xf32, #tpu.memory_space<vmem>>) offsets(%dma_start3A_88 : memref<112xi32, #tpu.memory_space<vmem>>) semaphore(%arg7 : memref<!tpu.dma_semaphore, #tpu.memory_space<semaphore_mem>>)
    %dma_start3A_92 = arith.constant 9 : i32
    %dma_start3A_93 = arith.constant 1008 : i32
    %dma_start3A_94 = arith.constant 0 : i32
    %dma_start3A_95 = tpu.memref_slice %arg6[%dma_start3A_93, %dma_start3A_94] : memref<1568x16xf32, #tpu.memory_space<vmem>> -> memref<112x16xf32, #tpu.memory_space<vmem>>
    %dma_start3A_96 = arith.constant 0 : i32
    %dma_start3A_97 = tpu.memref_slice %arg5[%dma_start3A_92, %dma_start3A_96] : memref<14x112xi32, #tpu.memory_space<vmem>> -> memref<1x112xi32, #tpu.memory_space<vmem>>
    %dma_start3A_98 = tpu.memref_squeeze %dma_start3A_97 : memref<1x112xi32, #tpu.memory_space<vmem>> -> memref<112xi32, #tpu.memory_space<vmem>>
    %dma_start3A_99 = arith.constant 0 : i32
    %dma_start3A_100 = arith.constant 0 : i32
    %dma_start3A_101 = tpu.memref_slice %arg2[%dma_start3A_99, %dma_start3A_100] : memref<50176x16xf32, #tpu.memory_space<hbm>> -> memref<50176x16xf32, #tpu.memory_space<hbm>>
    tpu.enqueue_indirect_dma source(%dma_start3A_101 : memref<50176x16xf32, #tpu.memory_space<hbm>>) target(%dma_start3A_95 : memref<112x16xf32, #tpu.memory_space<vmem>>) offsets(%dma_start3A_98 : memref<112xi32, #tpu.memory_space<vmem>>) semaphore(%arg7 : memref<!tpu.dma_semaphore, #tpu.memory_space<semaphore_mem>>)
    %dma_start3A_102 = arith.constant 10 : i32
    %dma_start3A_103 = arith.constant 1120 : i32
    %dma_start3A_104 = arith.constant 0 : i32
    %dma_start3A_105 = tpu.memref_slice %arg6[%dma_start3A_103, %dma_start3A_104] : memref<1568x16xf32, #tpu.memory_space<vmem>> -> memref<112x16xf32, #tpu.memory_space<vmem>>
    %dma_start3A_106 = arith.constant 0 : i32
    %dma_start3A_107 = tpu.memref_slice %arg5[%dma_start3A_102, %dma_start3A_106] : memref<14x112xi32, #tpu.memory_space<vmem>> -> memref<1x112xi32, #tpu.memory_space<vmem>>
    %dma_start3A_108 = tpu.memref_squeeze %dma_start3A_107 : memref<1x112xi32, #tpu.memory_space<vmem>> -> memref<112xi32, #tpu.memory_space<vmem>>
    %dma_start3A_109 = arith.constant 0 : i32
    %dma_start3A_110 = arith.constant 0 : i32
    %dma_start3A_111 = tpu.memref_slice %arg2[%dma_start3A_109, %dma_start3A_110] : memref<50176x16xf32, #tpu.memory_space<hbm>> -> memref<50176x16xf32, #tpu.memory_space<hbm>>
    tpu.enqueue_indirect_dma source(%dma_start3A_111 : memref<50176x16xf32, #tpu.memory_space<hbm>>) target(%dma_start3A_105 : memref<112x16xf32, #tpu.memory_space<vmem>>) offsets(%dma_start3A_108 : memref<112xi32, #tpu.memory_space<vmem>>) semaphore(%arg7 : memref<!tpu.dma_semaphore, #tpu.memory_space<semaphore_mem>>)
    %dma_start3A_112 = arith.constant 11 : i32
    %dma_start3A_113 = arith.constant 1232 : i32
    %dma_start3A_114 = arith.constant 0 : i32
    %dma_start3A_115 = tpu.memref_slice %arg6[%dma_start3A_113, %dma_start3A_114] : memref<1568x16xf32, #tpu.memory_space<vmem>> -> memref<112x16xf32, #tpu.memory_space<vmem>>
    %dma_start3A_116 = arith.constant 0 : i32
    %dma_start3A_117 = tpu.memref_slice %arg5[%dma_start3A_112, %dma_start3A_116] : memref<14x112xi32, #tpu.memory_space<vmem>> -> memref<1x112xi32, #tpu.memory_space<vmem>>
    %dma_start3A_118 = tpu.memref_squeeze %dma_start3A_117 : memref<1x112xi32, #tpu.memory_space<vmem>> -> memref<112xi32, #tpu.memory_space<vmem>>
    %dma_start3A_119 = arith.constant 0 : i32
    %dma_start3A_120 = arith.constant 0 : i32
    %dma_start3A_121 = tpu.memref_slice %arg2[%dma_start3A_119, %dma_start3A_120] : memref<50176x16xf32, #tpu.memory_space<hbm>> -> memref<50176x16xf32, #tpu.memory_space<hbm>>
    tpu.enqueue_indirect_dma source(%dma_start3A_121 : memref<50176x16xf32, #tpu.memory_space<hbm>>) target(%dma_start3A_115 : memref<112x16xf32, #tpu.memory_space<vmem>>) offsets(%dma_start3A_118 : memref<112xi32, #tpu.memory_space<vmem>>) semaphore(%arg7 : memref<!tpu.dma_semaphore, #tpu.memory_space<semaphore_mem>>)
    %dma_start3A_122 = arith.constant 12 : i32
    %dma_start3A_123 = arith.constant 1344 : i32
    %dma_start3A_124 = arith.constant 0 : i32
    %dma_start3A_125 = tpu.memref_slice %arg6[%dma_start3A_123, %dma_start3A_124] : memref<1568x16xf32, #tpu.memory_space<vmem>> -> memref<112x16xf32, #tpu.memory_space<vmem>>
    %dma_start3A_126 = arith.constant 0 : i32
    %dma_start3A_127 = tpu.memref_slice %arg5[%dma_start3A_122, %dma_start3A_126] : memref<14x112xi32, #tpu.memory_space<vmem>> -> memref<1x112xi32, #tpu.memory_space<vmem>>
    %dma_start3A_128 = tpu.memref_squeeze %dma_start3A_127 : memref<1x112xi32, #tpu.memory_space<vmem>> -> memref<112xi32, #tpu.memory_space<vmem>>
    %dma_start3A_129 = arith.constant 0 : i32
    %dma_start3A_130 = arith.constant 0 : i32
    %dma_start3A_131 = tpu.memref_slice %arg2[%dma_start3A_129, %dma_start3A_130] : memref<50176x16xf32, #tpu.memory_space<hbm>> -> memref<50176x16xf32, #tpu.memory_space<hbm>>
    tpu.enqueue_indirect_dma source(%dma_start3A_131 : memref<50176x16xf32, #tpu.memory_space<hbm>>) target(%dma_start3A_125 : memref<112x16xf32, #tpu.memory_space<vmem>>) offsets(%dma_start3A_128 : memref<112xi32, #tpu.memory_space<vmem>>) semaphore(%arg7 : memref<!tpu.dma_semaphore, #tpu.memory_space<semaphore_mem>>)
    %dma_start3A_132 = arith.constant 13 : i32
    %dma_start3A_133 = arith.constant 1456 : i32
    %dma_start3A_134 = arith.constant 0 : i32
    %dma_start3A_135 = tpu.memref_slice %arg6[%dma_start3A_133, %dma_start3A_134] : memref<1568x16xf32, #tpu.memory_space<vmem>> -> memref<112x16xf32, #tpu.memory_space<vmem>>
    %dma_start3A_136 = arith.constant 0 : i32
    %dma_start3A_137 = tpu.memref_slice %arg5[%dma_start3A_132, %dma_start3A_136] : memref<14x112xi32, #tpu.memory_space<vmem>> -> memref<1x112xi32, #tpu.memory_space<vmem>>
    %dma_start3A_138 = tpu.memref_squeeze %dma_start3A_137 : memref<1x112xi32, #tpu.memory_space<vmem>> -> memref<112xi32, #tpu.memory_space<vmem>>
    %dma_start3A_139 = arith.constant 0 : i32
    %dma_start3A_140 = arith.constant 0 : i32
    %dma_start3A_141 = tpu.memref_slice %arg2[%dma_start3A_139, %dma_start3A_140] : memref<50176x16xf32, #tpu.memory_space<hbm>> -> memref<50176x16xf32, #tpu.memory_space<hbm>>
    tpu.enqueue_indirect_dma source(%dma_start3A_141 : memref<50176x16xf32, #tpu.memory_space<hbm>>) target(%dma_start3A_135 : memref<112x16xf32, #tpu.memory_space<vmem>>) offsets(%dma_start3A_138 : memref<112xi32, #tpu.memory_space<vmem>>) semaphore(%arg7 : memref<!tpu.dma_semaphore, #tpu.memory_space<semaphore_mem>>)
    %dma_wait3A = arith.constant 0 : i32
    %dma_wait3A_142 = arith.constant 0 : i32
    %dma_wait3A_143 = arith.constant 0 : i32
    %dma_wait3A_144 = tpu.memref_slice %arg6[%dma_wait3A_142, %dma_wait3A_143] : memref<1568x16xf32, #tpu.memory_space<vmem>> -> memref<112x16xf32, #tpu.memory_space<vmem>>
    %dma_wait3A_145 = arith.constant 0 : i32
    %dma_wait3A_146 = tpu.memref_slice %arg5[%dma_wait3A, %dma_wait3A_145] : memref<14x112xi32, #tpu.memory_space<vmem>> -> memref<1x112xi32, #tpu.memory_space<vmem>>
    %dma_wait3A_147 = tpu.memref_squeeze %dma_wait3A_146 : memref<1x112xi32, #tpu.memory_space<vmem>> -> memref<112xi32, #tpu.memory_space<vmem>>
    %dma_wait3A_148 = arith.constant 0 : i32
    %dma_wait3A_149 = arith.constant 0 : i32
    %dma_wait3A_150 = tpu.memref_slice %arg2[%dma_wait3A_148, %dma_wait3A_149] : memref<50176x16xf32, #tpu.memory_space<hbm>> -> memref<50176x16xf32, #tpu.memory_space<hbm>>
    tpu.wait_indirect_dma semaphore(%arg7 : memref<!tpu.dma_semaphore, #tpu.memory_space<semaphore_mem>>) src(%dma_wait3A_150 : memref<50176x16xf32, #tpu.memory_space<hbm>>) dst(%dma_wait3A_144 : memref<112x16xf32, #tpu.memory_space<vmem>>)
    %dma_wait3A_151 = arith.constant 1 : i32
    %dma_wait3A_152 = arith.constant 112 : i32
    %dma_wait3A_153 = arith.constant 0 : i32
    %dma_wait3A_154 = tpu.memref_slice %arg6[%dma_wait3A_152, %dma_wait3A_153] : memref<1568x16xf32, #tpu.memory_space<vmem>> -> memref<112x16xf32, #tpu.memory_space<vmem>>
    %dma_wait3A_155 = arith.constant 0 : i32
    %dma_wait3A_156 = tpu.memref_slice %arg5[%dma_wait3A_151, %dma_wait3A_155] : memref<14x112xi32, #tpu.memory_space<vmem>> -> memref<1x112xi32, #tpu.memory_space<vmem>>
    %dma_wait3A_157 = tpu.memref_squeeze %dma_wait3A_156 : memref<1x112xi32, #tpu.memory_space<vmem>> -> memref<112xi32, #tpu.memory_space<vmem>>
    %dma_wait3A_158 = arith.constant 0 : i32
    %dma_wait3A_159 = arith.constant 0 : i32
    %dma_wait3A_160 = tpu.memref_slice %arg2[%dma_wait3A_158, %dma_wait3A_159] : memref<50176x16xf32, #tpu.memory_space<hbm>> -> memref<50176x16xf32, #tpu.memory_space<hbm>>
    tpu.wait_indirect_dma semaphore(%arg7 : memref<!tpu.dma_semaphore, #tpu.memory_space<semaphore_mem>>) src(%dma_wait3A_160 : memref<50176x16xf32, #tpu.memory_space<hbm>>) dst(%dma_wait3A_154 : memref<112x16xf32, #tpu.memory_space<vmem>>)
    %dma_wait3A_161 = arith.constant 2 : i32
    %dma_wait3A_162 = arith.constant 224 : i32
    %dma_wait3A_163 = arith.constant 0 : i32
    %dma_wait3A_164 = tpu.memref_slice %arg6[%dma_wait3A_162, %dma_wait3A_163] : memref<1568x16xf32, #tpu.memory_space<vmem>> -> memref<112x16xf32, #tpu.memory_space<vmem>>
    %dma_wait3A_165 = arith.constant 0 : i32
    %dma_wait3A_166 = tpu.memref_slice %arg5[%dma_wait3A_161, %dma_wait3A_165] : memref<14x112xi32, #tpu.memory_space<vmem>> -> memref<1x112xi32, #tpu.memory_space<vmem>>
    %dma_wait3A_167 = tpu.memref_squeeze %dma_wait3A_166 : memref<1x112xi32, #tpu.memory_space<vmem>> -> memref<112xi32, #tpu.memory_space<vmem>>
    %dma_wait3A_168 = arith.constant 0 : i32
    %dma_wait3A_169 = arith.constant 0 : i32
    %dma_wait3A_170 = tpu.memref_slice %arg2[%dma_wait3A_168, %dma_wait3A_169] : memref<50176x16xf32, #tpu.memory_space<hbm>> -> memref<50176x16xf32, #tpu.memory_space<hbm>>
    tpu.wait_indirect_dma semaphore(%arg7 : memref<!tpu.dma_semaphore, #tpu.memory_space<semaphore_mem>>) src(%dma_wait3A_170 : memref<50176x16xf32, #tpu.memory_space<hbm>>) dst(%dma_wait3A_164 : memref<112x16xf32, #tpu.memory_space<vmem>>)
    %dma_wait3A_171 = arith.constant 3 : i32
    %dma_wait3A_172 = arith.constant 336 : i32
    %dma_wait3A_173 = arith.constant 0 : i32
    %dma_wait3A_174 = tpu.memref_slice %arg6[%dma_wait3A_172, %dma_wait3A_173] : memref<1568x16xf32, #tpu.memory_space<vmem>> -> memref<112x16xf32, #tpu.memory_space<vmem>>
    %dma_wait3A_175 = arith.constant 0 : i32
    %dma_wait3A_176 = tpu.memref_slice %arg5[%dma_wait3A_171, %dma_wait3A_175] : memref<14x112xi32, #tpu.memory_space<vmem>> -> memref<1x112xi32, #tpu.memory_space<vmem>>
    %dma_wait3A_177 = tpu.memref_squeeze %dma_wait3A_176 : memref<1x112xi32, #tpu.memory_space<vmem>> -> memref<112xi32, #tpu.memory_space<vmem>>
    %dma_wait3A_178 = arith.constant 0 : i32
    %dma_wait3A_179 = arith.constant 0 : i32
    %dma_wait3A_180 = tpu.memref_slice %arg2[%dma_wait3A_178, %dma_wait3A_179] : memref<50176x16xf32, #tpu.memory_space<hbm>> -> memref<50176x16xf32, #tpu.memory_space<hbm>>
    tpu.wait_indirect_dma semaphore(%arg7 : memref<!tpu.dma_semaphore, #tpu.memory_space<semaphore_mem>>) src(%dma_wait3A_180 : memref<50176x16xf32, #tpu.memory_space<hbm>>) dst(%dma_wait3A_174 : memref<112x16xf32, #tpu.memory_space<vmem>>)
    %dma_wait3A_181 = arith.constant 4 : i32
    %dma_wait3A_182 = arith.constant 448 : i32
    %dma_wait3A_183 = arith.constant 0 : i32
    %dma_wait3A_184 = tpu.memref_slice %arg6[%dma_wait3A_182, %dma_wait3A_183] : memref<1568x16xf32, #tpu.memory_space<vmem>> -> memref<112x16xf32, #tpu.memory_space<vmem>>
    %dma_wait3A_185 = arith.constant 0 : i32
    %dma_wait3A_186 = tpu.memref_slice %arg5[%dma_wait3A_181, %dma_wait3A_185] : memref<14x112xi32, #tpu.memory_space<vmem>> -> memref<1x112xi32, #tpu.memory_space<vmem>>
    %dma_wait3A_187 = tpu.memref_squeeze %dma_wait3A_186 : memref<1x112xi32, #tpu.memory_space<vmem>> -> memref<112xi32, #tpu.memory_space<vmem>>
    %dma_wait3A_188 = arith.constant 0 : i32
    %dma_wait3A_189 = arith.constant 0 : i32
    %dma_wait3A_190 = tpu.memref_slice %arg2[%dma_wait3A_188, %dma_wait3A_189] : memref<50176x16xf32, #tpu.memory_space<hbm>> -> memref<50176x16xf32, #tpu.memory_space<hbm>>
    tpu.wait_indirect_dma semaphore(%arg7 : memref<!tpu.dma_semaphore, #tpu.memory_space<semaphore_mem>>) src(%dma_wait3A_190 : memref<50176x16xf32, #tpu.memory_space<hbm>>) dst(%dma_wait3A_184 : memref<112x16xf32, #tpu.memory_space<vmem>>)
    %dma_wait3A_191 = arith.constant 5 : i32
    %dma_wait3A_192 = arith.constant 560 : i32
    %dma_wait3A_193 = arith.constant 0 : i32
    %dma_wait3A_194 = tpu.memref_slice %arg6[%dma_wait3A_192, %dma_wait3A_193] : memref<1568x16xf32, #tpu.memory_space<vmem>> -> memref<112x16xf32, #tpu.memory_space<vmem>>
    %dma_wait3A_195 = arith.constant 0 : i32
    %dma_wait3A_196 = tpu.memref_slice %arg5[%dma_wait3A_191, %dma_wait3A_195] : memref<14x112xi32, #tpu.memory_space<vmem>> -> memref<1x112xi32, #tpu.memory_space<vmem>>
    %dma_wait3A_197 = tpu.memref_squeeze %dma_wait3A_196 : memref<1x112xi32, #tpu.memory_space<vmem>> -> memref<112xi32, #tpu.memory_space<vmem>>
    %dma_wait3A_198 = arith.constant 0 : i32
    %dma_wait3A_199 = arith.constant 0 : i32
    %dma_wait3A_200 = tpu.memref_slice %arg2[%dma_wait3A_198, %dma_wait3A_199] : memref<50176x16xf32, #tpu.memory_space<hbm>> -> memref<50176x16xf32, #tpu.memory_space<hbm>>
    tpu.wait_indirect_dma semaphore(%arg7 : memref<!tpu.dma_semaphore, #tpu.memory_space<semaphore_mem>>) src(%dma_wait3A_200 : memref<50176x16xf32, #tpu.memory_space<hbm>>) dst(%dma_wait3A_194 : memref<112x16xf32, #tpu.memory_space<vmem>>)
    %dma_wait3A_201 = arith.constant 6 : i32
    %dma_wait3A_202 = arith.constant 672 : i32
    %dma_wait3A_203 = arith.constant 0 : i32
    %dma_wait3A_204 = tpu.memref_slice %arg6[%dma_wait3A_202, %dma_wait3A_203] : memref<1568x16xf32, #tpu.memory_space<vmem>> -> memref<112x16xf32, #tpu.memory_space<vmem>>
    %dma_wait3A_205 = arith.constant 0 : i32
    %dma_wait3A_206 = tpu.memref_slice %arg5[%dma_wait3A_201, %dma_wait3A_205] : memref<14x112xi32, #tpu.memory_space<vmem>> -> memref<1x112xi32, #tpu.memory_space<vmem>>
    %dma_wait3A_207 = tpu.memref_squeeze %dma_wait3A_206 : memref<1x112xi32, #tpu.memory_space<vmem>> -> memref<112xi32, #tpu.memory_space<vmem>>
    %dma_wait3A_208 = arith.constant 0 : i32
    %dma_wait3A_209 = arith.constant 0 : i32
    %dma_wait3A_210 = tpu.memref_slice %arg2[%dma_wait3A_208, %dma_wait3A_209] : memref<50176x16xf32, #tpu.memory_space<hbm>> -> memref<50176x16xf32, #tpu.memory_space<hbm>>
    tpu.wait_indirect_dma semaphore(%arg7 : memref<!tpu.dma_semaphore, #tpu.memory_space<semaphore_mem>>) src(%dma_wait3A_210 : memref<50176x16xf32, #tpu.memory_space<hbm>>) dst(%dma_wait3A_204 : memref<112x16xf32, #tpu.memory_space<vmem>>)
    %dma_wait3A_211 = arith.constant 7 : i32
    %dma_wait3A_212 = arith.constant 784 : i32
    %dma_wait3A_213 = arith.constant 0 : i32
    %dma_wait3A_214 = tpu.memref_slice %arg6[%dma_wait3A_212, %dma_wait3A_213] : memref<1568x16xf32, #tpu.memory_space<vmem>> -> memref<112x16xf32, #tpu.memory_space<vmem>>
    %dma_wait3A_215 = arith.constant 0 : i32
    %dma_wait3A_216 = tpu.memref_slice %arg5[%dma_wait3A_211, %dma_wait3A_215] : memref<14x112xi32, #tpu.memory_space<vmem>> -> memref<1x112xi32, #tpu.memory_space<vmem>>
    %dma_wait3A_217 = tpu.memref_squeeze %dma_wait3A_216 : memref<1x112xi32, #tpu.memory_space<vmem>> -> memref<112xi32, #tpu.memory_space<vmem>>
    %dma_wait3A_218 = arith.constant 0 : i32
    %dma_wait3A_219 = arith.constant 0 : i32
    %dma_wait3A_220 = tpu.memref_slice %arg2[%dma_wait3A_218, %dma_wait3A_219] : memref<50176x16xf32, #tpu.memory_space<hbm>> -> memref<50176x16xf32, #tpu.memory_space<hbm>>
    tpu.wait_indirect_dma semaphore(%arg7 : memref<!tpu.dma_semaphore, #tpu.memory_space<semaphore_mem>>) src(%dma_wait3A_220 : memref<50176x16xf32, #tpu.memory_space<hbm>>) dst(%dma_wait3A_214 : memref<112x16xf32, #tpu.memory_space<vmem>>)
    %dma_wait3A_221 = arith.constant 8 : i32
    %dma_wait3A_222 = arith.constant 896 : i32
    %dma_wait3A_223 = arith.constant 0 : i32
    %dma_wait3A_224 = tpu.memref_slice %arg6[%dma_wait3A_222, %dma_wait3A_223] : memref<1568x16xf32, #tpu.memory_space<vmem>> -> memref<112x16xf32, #tpu.memory_space<vmem>>
    %dma_wait3A_225 = arith.constant 0 : i32
    %dma_wait3A_226 = tpu.memref_slice %arg5[%dma_wait3A_221, %dma_wait3A_225] : memref<14x112xi32, #tpu.memory_space<vmem>> -> memref<1x112xi32, #tpu.memory_space<vmem>>
    %dma_wait3A_227 = tpu.memref_squeeze %dma_wait3A_226 : memref<1x112xi32, #tpu.memory_space<vmem>> -> memref<112xi32, #tpu.memory_space<vmem>>
    %dma_wait3A_228 = arith.constant 0 : i32
    %dma_wait3A_229 = arith.constant 0 : i32
    %dma_wait3A_230 = tpu.memref_slice %arg2[%dma_wait3A_228, %dma_wait3A_229] : memref<50176x16xf32, #tpu.memory_space<hbm>> -> memref<50176x16xf32, #tpu.memory_space<hbm>>
    tpu.wait_indirect_dma semaphore(%arg7 : memref<!tpu.dma_semaphore, #tpu.memory_space<semaphore_mem>>) src(%dma_wait3A_230 : memref<50176x16xf32, #tpu.memory_space<hbm>>) dst(%dma_wait3A_224 : memref<112x16xf32, #tpu.memory_space<vmem>>)
    %dma_wait3A_231 = arith.constant 9 : i32
    %dma_wait3A_232 = arith.constant 1008 : i32
    %dma_wait3A_233 = arith.constant 0 : i32
    %dma_wait3A_234 = tpu.memref_slice %arg6[%dma_wait3A_232, %dma_wait3A_233] : memref<1568x16xf32, #tpu.memory_space<vmem>> -> memref<112x16xf32, #tpu.memory_space<vmem>>
    %dma_wait3A_235 = arith.constant 0 : i32
    %dma_wait3A_236 = tpu.memref_slice %arg5[%dma_wait3A_231, %dma_wait3A_235] : memref<14x112xi32, #tpu.memory_space<vmem>> -> memref<1x112xi32, #tpu.memory_space<vmem>>
    %dma_wait3A_237 = tpu.memref_squeeze %dma_wait3A_236 : memref<1x112xi32, #tpu.memory_space<vmem>> -> memref<112xi32, #tpu.memory_space<vmem>>
    %dma_wait3A_238 = arith.constant 0 : i32
    %dma_wait3A_239 = arith.constant 0 : i32
    %dma_wait3A_240 = tpu.memref_slice %arg2[%dma_wait3A_238, %dma_wait3A_239] : memref<50176x16xf32, #tpu.memory_space<hbm>> -> memref<50176x16xf32, #tpu.memory_space<hbm>>
    tpu.wait_indirect_dma semaphore(%arg7 : memref<!tpu.dma_semaphore, #tpu.memory_space<semaphore_mem>>) src(%dma_wait3A_240 : memref<50176x16xf32, #tpu.memory_space<hbm>>) dst(%dma_wait3A_234 : memref<112x16xf32, #tpu.memory_space<vmem>>)
    %dma_wait3A_241 = arith.constant 10 : i32
    %dma_wait3A_242 = arith.constant 1120 : i32
    %dma_wait3A_243 = arith.constant 0 : i32
    %dma_wait3A_244 = tpu.memref_slice %arg6[%dma_wait3A_242, %dma_wait3A_243] : memref<1568x16xf32, #tpu.memory_space<vmem>> -> memref<112x16xf32, #tpu.memory_space<vmem>>
    %dma_wait3A_245 = arith.constant 0 : i32
    %dma_wait3A_246 = tpu.memref_slice %arg5[%dma_wait3A_241, %dma_wait3A_245] : memref<14x112xi32, #tpu.memory_space<vmem>> -> memref<1x112xi32, #tpu.memory_space<vmem>>
    %dma_wait3A_247 = tpu.memref_squeeze %dma_wait3A_246 : memref<1x112xi32, #tpu.memory_space<vmem>> -> memref<112xi32, #tpu.memory_space<vmem>>
    %dma_wait3A_248 = arith.constant 0 : i32
    %dma_wait3A_249 = arith.constant 0 : i32
    %dma_wait3A_250 = tpu.memref_slice %arg2[%dma_wait3A_248, %dma_wait3A_249] : memref<50176x16xf32, #tpu.memory_space<hbm>> -> memref<50176x16xf32, #tpu.memory_space<hbm>>
    tpu.wait_indirect_dma semaphore(%arg7 : memref<!tpu.dma_semaphore, #tpu.memory_space<semaphore_mem>>) src(%dma_wait3A_250 : memref<50176x16xf32, #tpu.memory_space<hbm>>) dst(%dma_wait3A_244 : memref<112x16xf32, #tpu.memory_space<vmem>>)
    %dma_wait3A_251 = arith.constant 11 : i32
    %dma_wait3A_252 = arith.constant 1232 : i32
    %dma_wait3A_253 = arith.constant 0 : i32
    %dma_wait3A_254 = tpu.memref_slice %arg6[%dma_wait3A_252, %dma_wait3A_253] : memref<1568x16xf32, #tpu.memory_space<vmem>> -> memref<112x16xf32, #tpu.memory_space<vmem>>
    %dma_wait3A_255 = arith.constant 0 : i32
    %dma_wait3A_256 = tpu.memref_slice %arg5[%dma_wait3A_251, %dma_wait3A_255] : memref<14x112xi32, #tpu.memory_space<vmem>> -> memref<1x112xi32, #tpu.memory_space<vmem>>
    %dma_wait3A_257 = tpu.memref_squeeze %dma_wait3A_256 : memref<1x112xi32, #tpu.memory_space<vmem>> -> memref<112xi32, #tpu.memory_space<vmem>>
    %dma_wait3A_258 = arith.constant 0 : i32
    %dma_wait3A_259 = arith.constant 0 : i32
    %dma_wait3A_260 = tpu.memref_slice %arg2[%dma_wait3A_258, %dma_wait3A_259] : memref<50176x16xf32, #tpu.memory_space<hbm>> -> memref<50176x16xf32, #tpu.memory_space<hbm>>
    tpu.wait_indirect_dma semaphore(%arg7 : memref<!tpu.dma_semaphore, #tpu.memory_space<semaphore_mem>>) src(%dma_wait3A_260 : memref<50176x16xf32, #tpu.memory_space<hbm>>) dst(%dma_wait3A_254 : memref<112x16xf32, #tpu.memory_space<vmem>>)
    %dma_wait3A_261 = arith.constant 12 : i32
    %dma_wait3A_262 = arith.constant 1344 : i32
    %dma_wait3A_263 = arith.constant 0 : i32
    %dma_wait3A_264 = tpu.memref_slice %arg6[%dma_wait3A_262, %dma_wait3A_263] : memref<1568x16xf32, #tpu.memory_space<vmem>> -> memref<112x16xf32, #tpu.memory_space<vmem>>
    %dma_wait3A_265 = arith.constant 0 : i32
    %dma_wait3A_266 = tpu.memref_slice %arg5[%dma_wait3A_261, %dma_wait3A_265] : memref<14x112xi32, #tpu.memory_space<vmem>> -> memref<1x112xi32, #tpu.memory_space<vmem>>
    %dma_wait3A_267 = tpu.memref_squeeze %dma_wait3A_266 : memref<1x112xi32, #tpu.memory_space<vmem>> -> memref<112xi32, #tpu.memory_space<vmem>>
    %dma_wait3A_268 = arith.constant 0 : i32
    %dma_wait3A_269 = arith.constant 0 : i32
    %dma_wait3A_270 = tpu.memref_slice %arg2[%dma_wait3A_268, %dma_wait3A_269] : memref<50176x16xf32, #tpu.memory_space<hbm>> -> memref<50176x16xf32, #tpu.memory_space<hbm>>
    tpu.wait_indirect_dma semaphore(%arg7 : memref<!tpu.dma_semaphore, #tpu.memory_space<semaphore_mem>>) src(%dma_wait3A_270 : memref<50176x16xf32, #tpu.memory_space<hbm>>) dst(%dma_wait3A_264 : memref<112x16xf32, #tpu.memory_space<vmem>>)
    %dma_wait3A_271 = arith.constant 13 : i32
    %dma_wait3A_272 = arith.constant 1456 : i32
    %dma_wait3A_273 = arith.constant 0 : i32
    %dma_wait3A_274 = tpu.memref_slice %arg6[%dma_wait3A_272, %dma_wait3A_273] : memref<1568x16xf32, #tpu.memory_space<vmem>> -> memref<112x16xf32, #tpu.memory_space<vmem>>
    %dma_wait3A_275 = arith.constant 0 : i32
    %dma_wait3A_276 = tpu.memref_slice %arg5[%dma_wait3A_271, %dma_wait3A_275] : memref<14x112xi32, #tpu.memory_space<vmem>> -> memref<1x112xi32, #tpu.memory_space<vmem>>
    %dma_wait3A_277 = tpu.memref_squeeze %dma_wait3A_276 : memref<1x112xi32, #tpu.memory_space<vmem>> -> memref<112xi32, #tpu.memory_space<vmem>>
    %dma_wait3A_278 = arith.constant 0 : i32
    %dma_wait3A_279 = arith.constant 0 : i32
    %dma_wait3A_280 = tpu.memref_slice %arg2[%dma_wait3A_278, %dma_wait3A_279] : memref<50176x16xf32, #tpu.memory_space<hbm>> -> memref<50176x16xf32, #tpu.memory_space<hbm>>
    tpu.wait_indirect_dma semaphore(%arg7 : memref<!tpu.dma_semaphore, #tpu.memory_space<semaphore_mem>>) src(%dma_wait3A_280 : memref<50176x16xf32, #tpu.memory_space<hbm>>) dst(%dma_wait3A_274 : memref<112x16xf32, #tpu.memory_space<vmem>>)
    "tpu.region"() ({
      %run_scoped3A = tpu.sem_alloc : memref<!tpu.dma_semaphore, #tpu.memory_space<semaphore_mem>>
      %dma_start3A_281 = arith.constant 0 : i32
      %dma_start3A_282 = tpu.memref_slice %arg4[%mul3A_2, %dma_start3A_281] : memref<50176x16xf32, #tpu.memory_space<hbm>> -> memref<1568x16xf32, #tpu.memory_space<hbm>>
      %dma_start3A_283 = arith.constant 0 : i32
      %dma_start3A_284 = tpu.memref_slice %arg4[%mul3A_2, %dma_start3A_283] : memref<50176x16xf32, #tpu.memory_space<hbm>> -> memref<1568x16xf32, #tpu.memory_space<hbm>>
      tpu.enqueue_dma source(%arg6 : memref<1568x16xf32, #tpu.memory_space<vmem>>) target(%dma_start3A_284 : memref<1568x16xf32, #tpu.memory_space<hbm>>) target_semaphore(%run_scoped3A : memref<!tpu.dma_semaphore, #tpu.memory_space<semaphore_mem>>)
      %dma_wait3A_285 = arith.constant 0 : i32
      %dma_wait3A_286 = tpu.memref_slice %arg4[%mul3A_2, %dma_wait3A_285] : memref<50176x16xf32, #tpu.memory_space<hbm>> -> memref<1568x16xf32, #tpu.memory_space<hbm>>
      %dma_wait3A_287 = arith.constant 0 : i32
      %dma_wait3A_288 = tpu.memref_slice %arg4[%mul3A_2, %dma_wait3A_287] : memref<50176x16xf32, #tpu.memory_space<hbm>> -> memref<1568x16xf32, #tpu.memory_space<hbm>>
      tpu.wait_dma2 semaphore(%run_scoped3A : memref<!tpu.dma_semaphore, #tpu.memory_space<semaphore_mem>>) src(%arg6 : memref<1568x16xf32, #tpu.memory_space<vmem>>) dst(%dma_wait3A_288 : memref<1568x16xf32, #tpu.memory_space<hbm>>)
      tpu.yield
    }) : () -> ()
    return
  }
}

module attributes {stable_mosaic.version = 14 : i64} {
  func.func @_rank_kernel(%arg0: i32, %arg1: memref<1x5000x16xf32, #tpu.memory_space<vmem>>, %arg2: memref<26x256xf32, #tpu.memory_space<vmem>>, %arg3: memref<1x256xf32, #tpu.memory_space<vmem>>, %arg4: memref<256x5xf32, #tpu.memory_space<vmem>>, %arg5: memref<1x5000x1xi32, #tpu.memory_space<vmem>>) attributes {dimension_semantics = [#tpu.dimension_semantics<parallel>], iteration_bounds = array<i64: 10>, scalar_prefetch = 0 : i64, scratch_operands = 0 : i64, tpu.core_type = #tpu.core_type<tc>, window_params = [{transform_indices = @transform_0, window_bounds = array<i64: 1, 5000, 16>}, {pipeline_mode = #tpu.pipeline_mode<synchronous>, transform_indices = @transform_1, window_bounds = array<i64: 26, 256>}, {pipeline_mode = #tpu.pipeline_mode<synchronous>, transform_indices = @transform_2, window_bounds = array<i64: 1, 256>}, {pipeline_mode = #tpu.pipeline_mode<synchronous>, transform_indices = @transform_3, window_bounds = array<i64: 256, 5>}, {transform_indices = @transform_4, window_bounds = array<i64: 1, 5000, 1>}]} {
    %get3A = arith.constant 0 : index
    %get3A_0 = arith.constant 0 : index
    %get3A_1 = arith.constant 0 : index
    %get3A_2 = vector.load %arg1[%get3A, %get3A_0, %get3A_1] : memref<1x5000x16xf32, #tpu.memory_space<vmem>>, vector<1x5000x16xf32>
    %get3A_3 = vector.shape_cast %get3A_2 : vector<1x5000x16xf32> to vector<5000x16xf32>
    %slice3A = vector.extract_strided_slice %get3A_3 {offsets = [0, 0], sizes = [5000, 1], strides = [1, 1]} : vector<5000x16xf32> to vector<5000x1xf32>
    %convert_element_type3A = arith.fptosi %slice3A : vector<5000x1xf32> to vector<5000x1xi32>
    %iota3A = tpu.iota {dimensions = array<i32: 1>} : vector<5000x12xi32>
    %eq3A = vector.broadcast %convert_element_type3A : vector<5000x1xi32> to vector<5000x12xi32>
    %eq3A_4 = arith.cmpi eq, %eq3A, %iota3A : vector<5000x12xi32>
    %convert_element_type3A_5 = arith.extui %eq3A_4 : vector<5000x12xi1> to vector<5000x12xi32>
    %convert_element_type3A_6 = arith.sitofp %convert_element_type3A_5 : vector<5000x12xi32> to vector<5000x12xf32>
    %slice3A_7 = vector.extract_strided_slice %get3A_3 {offsets = [0, 1], sizes = [5000, 14], strides = [1, 1]} : vector<5000x16xf32> to vector<5000x14xf32>
    %concatenate3A = tpu.concatenate %convert_element_type3A_6, %slice3A_7 in 1 : vector<5000x12xf32>, vector<5000x14xf32> -> vector<5000x26xf32>
    %get3A_8 = arith.constant 0 : index
    %get3A_9 = arith.constant 0 : index
    %get3A_10 = vector.load %arg2[%get3A_8, %get3A_9] : memref<26x256xf32, #tpu.memory_space<vmem>>, vector<26x256xf32>
    %dot_general3A = arith.constant dense<0.000000e+00> : vector<5000x256xf32>
    %dot_general3A_11 = tpu.matmul %concatenate3A, %get3A_10, %dot_general3A {dimension_numbers = #tpu.dot_dimension_numbers<[1], [0], [0], [1], [0, 0, 1, 1], [], []>, transpose_lhs_hint = false} : vector<5000x26xf32>, vector<26x256xf32>, vector<5000x256xf32> -> vector<5000x256xf32>
    %get3A_12 = arith.constant 0 : index
    %get3A_13 = arith.constant 0 : index
    %get3A_14 = vector.load %arg3[%get3A_12, %get3A_13] : memref<1x256xf32, #tpu.memory_space<vmem>>, vector<1x256xf32>
    %add3A = vector.broadcast %get3A_14 : vector<1x256xf32> to vector<5000x256xf32>
    %add3A_15 = arith.addf %dot_general3A_11, %add3A : vector<5000x256xf32>
    %gt3A = arith.constant 0.000000e+00 : f32
    %gt3A_16 = vector.broadcast %gt3A : f32 to vector<5000x256xf32>
    %gt3A_17 = arith.cmpf ogt, %add3A_15, %gt3A_16 : vector<5000x256xf32>
    %exp3A = math.exp %add3A_15 : vector<5000x256xf32>
    %sub3A = arith.constant 1.000000e+00 : f32
    %sub3A_18 = vector.broadcast %sub3A : f32 to vector<5000x256xf32>
    %sub3A_19 = arith.subf %exp3A, %sub3A_18 : vector<5000x256xf32>
    %mul3A = arith.constant 1.67326319 : f32
    %mul3A_20 = vector.broadcast %mul3A : f32 to vector<5000x256xf32>
    %mul3A_21 = arith.mulf %mul3A_20, %sub3A_19 : vector<5000x256xf32>
    %select_n3A = arith.select %gt3A_17, %add3A_15, %mul3A_21 : vector<5000x256xi1>, vector<5000x256xf32>
    %mul3A_22 = arith.constant 1.05070102 : f32
    %mul3A_23 = vector.broadcast %mul3A_22 : f32 to vector<5000x256xf32>
    %mul3A_24 = arith.mulf %mul3A_23, %select_n3A : vector<5000x256xf32>
    %get3A_25 = arith.constant 0 : index
    %get3A_26 = arith.constant 0 : index
    %get3A_27 = vector.load %arg4[%get3A_25, %get3A_26] : memref<256x5xf32, #tpu.memory_space<vmem>>, vector<256x5xf32>
    %dot_general3A_28 = arith.constant dense<0.000000e+00> : vector<5000x5xf32>
    %dot_general3A_29 = tpu.matmul %mul3A_24, %get3A_27, %dot_general3A_28 {dimension_numbers = #tpu.dot_dimension_numbers<[1], [0], [0], [1], [0, 0, 1, 1], [], []>, transpose_lhs_hint = false} : vector<5000x256xf32>, vector<256x5xf32>, vector<5000x5xf32> -> vector<5000x5xf32>
    %neg3A = arith.constant 0.000000e+00 : f32
    %neg3A_30 = vector.broadcast %neg3A : f32 to vector<5000x5xf32>
    %neg3A_31 = arith.subf %neg3A_30, %dot_general3A_29 : vector<5000x5xf32>
    %concatenate3A_32 = tpu.concatenate %dot_general3A_29, %neg3A_31 in 1 : vector<5000x5xf32>, vector<5000x5xf32> -> vector<5000x10xf32>
    %reduce_max3A = arith.constant dense<0xFF800000> : vector<5000xf32>
    %reduce_max3A_33 = vector.multi_reduction <maximumf>, %concatenate3A_32, %reduce_max3A [1] : vector<5000x10xf32> to vector<5000xf32>
    %broadcast_in_dim3A = vector.shape_cast %reduce_max3A_33 : vector<5000xf32> to vector<5000x1xf32>
    %iota3A_34 = tpu.iota {dimensions = array<i32: 1>} : vector<5000x10xi32>
    %eq3A_35 = vector.broadcast %broadcast_in_dim3A : vector<5000x1xf32> to vector<5000x10xf32>
    %eq3A_36 = arith.cmpf oeq, %concatenate3A_32, %eq3A_35 : vector<5000x10xf32>
    %jit3A = arith.constant 127 : i32
    %broadcast_in_dim3A_37 = vector.broadcast %jit3A : i32 to vector<5000x10xi32>
    %select_n3A_38 = arith.select %eq3A_36, %iota3A_34, %broadcast_in_dim3A_37 : vector<5000x10xi1>, vector<5000x10xi32>
    %reduce_min3A = arith.constant dense<2147483647> : vector<5000xi32>
    %reduce_min3A_39 = vector.multi_reduction <minsi>, %select_n3A_38, %reduce_min3A [1] : vector<5000x10xi32> to vector<5000xi32>
    %broadcast_in_dim3A_40 = vector.shape_cast %reduce_min3A_39 : vector<5000xi32> to vector<5000x1xi32>
    %iota3A_41 = tpu.iota {dimensions = array<i32: 1>} : vector<5000x16xi32>
    %eq3A_42 = vector.broadcast %broadcast_in_dim3A_40 : vector<5000x1xi32> to vector<5000x16xi32>
    %eq3A_43 = arith.cmpi eq, %iota3A_41, %eq3A_42 : vector<5000x16xi32>
    %convert_element_type3A_44 = arith.extui %eq3A_43 : vector<5000x16xi1> to vector<5000x16xi32>
    %convert_element_type3A_45 = arith.sitofp %convert_element_type3A_44 : vector<5000x16xi32> to vector<5000x16xf32>
    %reduce_sum3A = arith.constant dense<0.000000e+00> : vector<16xf32>
    %reduce_sum3A_46 = vector.multi_reduction <add>, %convert_element_type3A_45, %reduce_sum3A [0] : vector<5000x16xf32> to vector<16xf32>
    %broadcast_in_dim3A_47 = vector.shape_cast %reduce_sum3A_46 : vector<16xf32> to vector<1x16xf32>
    %lt3A = vector.broadcast %broadcast_in_dim3A_40 : vector<5000x1xi32> to vector<5000x16xi32>
    %lt3A_48 = arith.cmpi slt, %iota3A_41, %lt3A : vector<5000x16xi32>
    %convert_element_type3A_49 = arith.extui %lt3A_48 : vector<5000x16xi1> to vector<5000x16xi32>
    %convert_element_type3A_50 = arith.sitofp %convert_element_type3A_49 : vector<5000x16xi32> to vector<5000x16xf32>
    %mul3A_51 = vector.broadcast %broadcast_in_dim3A_47 : vector<1x16xf32> to vector<5000x16xf32>
    %mul3A_52 = arith.mulf %convert_element_type3A_50, %mul3A_51 : vector<5000x16xf32>
    %reduce_sum3A_53 = arith.constant dense<0.000000e+00> : vector<5000xf32>
    %reduce_sum3A_54 = vector.multi_reduction <add>, %mul3A_52, %reduce_sum3A_53 [1] : vector<5000x16xf32> to vector<5000xf32>
    %broadcast_in_dim3A_55 = vector.shape_cast %reduce_sum3A_54 : vector<5000xf32> to vector<5000x1xf32>
    %iota3A_56 = tpu.iota {dimensions = array<i32: 0>} : vector<1000x1000xi32>
    %iota3A_57 = tpu.iota {dimensions = array<i32: 1>} : vector<1000x1000xi32>
    %gt3A_58 = arith.cmpi sgt, %iota3A_56, %iota3A_57 : vector<1000x1000xi32>
    %convert_element_type3A_59 = arith.extui %gt3A_58 : vector<1000x1000xi1> to vector<1000x1000xi32>
    %convert_element_type3A_60 = arith.sitofp %convert_element_type3A_59 : vector<1000x1000xi32> to vector<1000x1000xf32>
    %convert_element_type3A_61 = arith.truncf %convert_element_type3A_60 : vector<1000x1000xf32> to vector<1000x1000xbf16>
    %broadcast_in_dim3A_62 = arith.constant 0.000000e+00 : f32
    %broadcast_in_dim3A_63 = vector.broadcast %broadcast_in_dim3A_62 : f32 to vector<1x16xf32>
    %slice3A_64 = vector.extract_strided_slice %convert_element_type3A_45 {offsets = [0, 0], sizes = [1000, 16], strides = [1, 1]} : vector<5000x16xf32> to vector<1000x16xf32>
    %convert_element_type3A_65 = arith.truncf %slice3A_64 : vector<1000x16xf32> to vector<1000x16xbf16>
    %dot_general3A_66 = arith.constant dense<0.000000e+00> : vector<1000x16xf32>
    %dot_general3A_67 = tpu.matmul %convert_element_type3A_61, %convert_element_type3A_65, %dot_general3A_66 {dimension_numbers = #tpu.dot_dimension_numbers<[1], [0], [0], [1], [0, 0, 1, 1], [], []>, transpose_lhs_hint = false} : vector<1000x1000xbf16>, vector<1000x16xbf16>, vector<1000x16xf32> -> vector<1000x16xf32>
    %add3A_68 = vector.broadcast %broadcast_in_dim3A_63 : vector<1x16xf32> to vector<1000x16xf32>
    %add3A_69 = arith.addf %add3A_68, %dot_general3A_67 : vector<1000x16xf32>
    %mul3A_70 = arith.mulf %slice3A_64, %add3A_69 : vector<1000x16xf32>
    %reduce_sum3A_71 = arith.constant dense<0.000000e+00> : vector<1000xf32>
    %reduce_sum3A_72 = vector.multi_reduction <add>, %mul3A_70, %reduce_sum3A_71 [1] : vector<1000x16xf32> to vector<1000xf32>
    %broadcast_in_dim3A_73 = vector.shape_cast %reduce_sum3A_72 : vector<1000xf32> to vector<1000x1xf32>
    %slice3A_74 = vector.extract_strided_slice %broadcast_in_dim3A_55 {offsets = [0, 0], sizes = [1000, 1], strides = [1, 1]} : vector<5000x1xf32> to vector<1000x1xf32>
    %add3A_75 = arith.addf %broadcast_in_dim3A_73, %slice3A_74 : vector<1000x1xf32>
    %reduce_sum3A_76 = arith.constant dense<0.000000e+00> : vector<16xf32>
    %reduce_sum3A_77 = vector.multi_reduction <add>, %slice3A_64, %reduce_sum3A_76 [0] : vector<1000x16xf32> to vector<16xf32>
    %broadcast_in_dim3A_78 = vector.shape_cast %reduce_sum3A_77 : vector<16xf32> to vector<1x16xf32>
    %add3A_79 = arith.addf %broadcast_in_dim3A_63, %broadcast_in_dim3A_78 : vector<1x16xf32>
    %slice3A_80 = vector.extract_strided_slice %convert_element_type3A_45 {offsets = [1000, 0], sizes = [1000, 16], strides = [1, 1]} : vector<5000x16xf32> to vector<1000x16xf32>
    %convert_element_type3A_81 = arith.truncf %slice3A_80 : vector<1000x16xf32> to vector<1000x16xbf16>
    %dot_general3A_82 = arith.constant dense<0.000000e+00> : vector<1000x16xf32>
    %dot_general3A_83 = tpu.matmul %convert_element_type3A_61, %convert_element_type3A_81, %dot_general3A_82 {dimension_numbers = #tpu.dot_dimension_numbers<[1], [0], [0], [1], [0, 0, 1, 1], [], []>, transpose_lhs_hint = false} : vector<1000x1000xbf16>, vector<1000x16xbf16>, vector<1000x16xf32> -> vector<1000x16xf32>
    %add3A_84 = vector.broadcast %add3A_79 : vector<1x16xf32> to vector<1000x16xf32>
    %add3A_85 = arith.addf %add3A_84, %dot_general3A_83 : vector<1000x16xf32>
    %mul3A_86 = arith.mulf %slice3A_80, %add3A_85 : vector<1000x16xf32>
    %reduce_sum3A_87 = arith.constant dense<0.000000e+00> : vector<1000xf32>
    %reduce_sum3A_88 = vector.multi_reduction <add>, %mul3A_86, %reduce_sum3A_87 [1] : vector<1000x16xf32> to vector<1000xf32>
    %broadcast_in_dim3A_89 = vector.shape_cast %reduce_sum3A_88 : vector<1000xf32> to vector<1000x1xf32>
    %slice3A_90 = vector.extract_strided_slice %broadcast_in_dim3A_55 {offsets = [1000, 0], sizes = [1000, 1], strides = [1, 1]} : vector<5000x1xf32> to vector<1000x1xf32>
    %add3A_91 = arith.addf %broadcast_in_dim3A_89, %slice3A_90 : vector<1000x1xf32>
    %reduce_sum3A_92 = arith.constant dense<0.000000e+00> : vector<16xf32>
    %reduce_sum3A_93 = vector.multi_reduction <add>, %slice3A_80, %reduce_sum3A_92 [0] : vector<1000x16xf32> to vector<16xf32>
    %broadcast_in_dim3A_94 = vector.shape_cast %reduce_sum3A_93 : vector<16xf32> to vector<1x16xf32>
    %add3A_95 = arith.addf %add3A_79, %broadcast_in_dim3A_94 : vector<1x16xf32>
    %slice3A_96 = vector.extract_strided_slice %convert_element_type3A_45 {offsets = [2000, 0], sizes = [1000, 16], strides = [1, 1]} : vector<5000x16xf32> to vector<1000x16xf32>
    %convert_element_type3A_97 = arith.truncf %slice3A_96 : vector<1000x16xf32> to vector<1000x16xbf16>
    %dot_general3A_98 = arith.constant dense<0.000000e+00> : vector<1000x16xf32>
    %dot_general3A_99 = tpu.matmul %convert_element_type3A_61, %convert_element_type3A_97, %dot_general3A_98 {dimension_numbers = #tpu.dot_dimension_numbers<[1], [0], [0], [1], [0, 0, 1, 1], [], []>, transpose_lhs_hint = false} : vector<1000x1000xbf16>, vector<1000x16xbf16>, vector<1000x16xf32> -> vector<1000x16xf32>
    %add3A_100 = vector.broadcast %add3A_95 : vector<1x16xf32> to vector<1000x16xf32>
    %add3A_101 = arith.addf %add3A_100, %dot_general3A_99 : vector<1000x16xf32>
    %mul3A_102 = arith.mulf %slice3A_96, %add3A_101 : vector<1000x16xf32>
    %reduce_sum3A_103 = arith.constant dense<0.000000e+00> : vector<1000xf32>
    %reduce_sum3A_104 = vector.multi_reduction <add>, %mul3A_102, %reduce_sum3A_103 [1] : vector<1000x16xf32> to vector<1000xf32>
    %broadcast_in_dim3A_105 = vector.shape_cast %reduce_sum3A_104 : vector<1000xf32> to vector<1000x1xf32>
    %slice3A_106 = vector.extract_strided_slice %broadcast_in_dim3A_55 {offsets = [2000, 0], sizes = [1000, 1], strides = [1, 1]} : vector<5000x1xf32> to vector<1000x1xf32>
    %add3A_107 = arith.addf %broadcast_in_dim3A_105, %slice3A_106 : vector<1000x1xf32>
    %reduce_sum3A_108 = arith.constant dense<0.000000e+00> : vector<16xf32>
    %reduce_sum3A_109 = vector.multi_reduction <add>, %slice3A_96, %reduce_sum3A_108 [0] : vector<1000x16xf32> to vector<16xf32>
    %broadcast_in_dim3A_110 = vector.shape_cast %reduce_sum3A_109 : vector<16xf32> to vector<1x16xf32>
    %add3A_111 = arith.addf %add3A_95, %broadcast_in_dim3A_110 : vector<1x16xf32>
    %slice3A_112 = vector.extract_strided_slice %convert_element_type3A_45 {offsets = [3000, 0], sizes = [1000, 16], strides = [1, 1]} : vector<5000x16xf32> to vector<1000x16xf32>
    %convert_element_type3A_113 = arith.truncf %slice3A_112 : vector<1000x16xf32> to vector<1000x16xbf16>
    %dot_general3A_114 = arith.constant dense<0.000000e+00> : vector<1000x16xf32>
    %dot_general3A_115 = tpu.matmul %convert_element_type3A_61, %convert_element_type3A_113, %dot_general3A_114 {dimension_numbers = #tpu.dot_dimension_numbers<[1], [0], [0], [1], [0, 0, 1, 1], [], []>, transpose_lhs_hint = false} : vector<1000x1000xbf16>, vector<1000x16xbf16>, vector<1000x16xf32> -> vector<1000x16xf32>
    %add3A_116 = vector.broadcast %add3A_111 : vector<1x16xf32> to vector<1000x16xf32>
    %add3A_117 = arith.addf %add3A_116, %dot_general3A_115 : vector<1000x16xf32>
    %mul3A_118 = arith.mulf %slice3A_112, %add3A_117 : vector<1000x16xf32>
    %reduce_sum3A_119 = arith.constant dense<0.000000e+00> : vector<1000xf32>
    %reduce_sum3A_120 = vector.multi_reduction <add>, %mul3A_118, %reduce_sum3A_119 [1] : vector<1000x16xf32> to vector<1000xf32>
    %broadcast_in_dim3A_121 = vector.shape_cast %reduce_sum3A_120 : vector<1000xf32> to vector<1000x1xf32>
    %slice3A_122 = vector.extract_strided_slice %broadcast_in_dim3A_55 {offsets = [3000, 0], sizes = [1000, 1], strides = [1, 1]} : vector<5000x1xf32> to vector<1000x1xf32>
    %add3A_123 = arith.addf %broadcast_in_dim3A_121, %slice3A_122 : vector<1000x1xf32>
    %reduce_sum3A_124 = arith.constant dense<0.000000e+00> : vector<16xf32>
    %reduce_sum3A_125 = vector.multi_reduction <add>, %slice3A_112, %reduce_sum3A_124 [0] : vector<1000x16xf32> to vector<16xf32>
    %broadcast_in_dim3A_126 = vector.shape_cast %reduce_sum3A_125 : vector<16xf32> to vector<1x16xf32>
    %add3A_127 = arith.addf %add3A_111, %broadcast_in_dim3A_126 : vector<1x16xf32>
    %slice3A_128 = vector.extract_strided_slice %convert_element_type3A_45 {offsets = [4000, 0], sizes = [1000, 16], strides = [1, 1]} : vector<5000x16xf32> to vector<1000x16xf32>
    %convert_element_type3A_129 = arith.truncf %slice3A_128 : vector<1000x16xf32> to vector<1000x16xbf16>
    %dot_general3A_130 = arith.constant dense<0.000000e+00> : vector<1000x16xf32>
    %dot_general3A_131 = tpu.matmul %convert_element_type3A_61, %convert_element_type3A_129, %dot_general3A_130 {dimension_numbers = #tpu.dot_dimension_numbers<[1], [0], [0], [1], [0, 0, 1, 1], [], []>, transpose_lhs_hint = false} : vector<1000x1000xbf16>, vector<1000x16xbf16>, vector<1000x16xf32> -> vector<1000x16xf32>
    %add3A_132 = vector.broadcast %add3A_127 : vector<1x16xf32> to vector<1000x16xf32>
    %add3A_133 = arith.addf %add3A_132, %dot_general3A_131 : vector<1000x16xf32>
    %mul3A_134 = arith.mulf %slice3A_128, %add3A_133 : vector<1000x16xf32>
    %reduce_sum3A_135 = arith.constant dense<0.000000e+00> : vector<1000xf32>
    %reduce_sum3A_136 = vector.multi_reduction <add>, %mul3A_134, %reduce_sum3A_135 [1] : vector<1000x16xf32> to vector<1000xf32>
    %broadcast_in_dim3A_137 = vector.shape_cast %reduce_sum3A_136 : vector<1000xf32> to vector<1000x1xf32>
    %slice3A_138 = vector.extract_strided_slice %broadcast_in_dim3A_55 {offsets = [4000, 0], sizes = [1000, 1], strides = [1, 1]} : vector<5000x1xf32> to vector<1000x1xf32>
    %add3A_139 = arith.addf %broadcast_in_dim3A_137, %slice3A_138 : vector<1000x1xf32>
    %concatenate3A_140 = tpu.concatenate %add3A_75, %add3A_91, %add3A_107, %add3A_123, %add3A_139 in 0 : vector<1000x1xf32>, vector<1000x1xf32>, vector<1000x1xf32>, vector<1000x1xf32>, vector<1000x1xf32> -> vector<5000x1xf32>
    %convert_element_type3A_141 = arith.fptosi %concatenate3A_140 : vector<5000x1xf32> to vector<5000x1xi32>
    %mul3A_142 = arith.constant 5000 : i32
    %mul3A_143 = arith.muli %arg0, %mul3A_142 : i32
    %add3A_144 = vector.broadcast %mul3A_143 : i32 to vector<5000x1xi32>
    %add3A_145 = arith.addi %convert_element_type3A_141, %add3A_144 : vector<5000x1xi32>
    %swap3A = arith.constant 0 : index
    %swap3A_146 = arith.constant 0 : index
    %swap3A_147 = arith.constant 0 : index
    %swap3A_148 = vector.load %arg5[%swap3A, %swap3A_146, %swap3A_147] : memref<1x5000x1xi32, #tpu.memory_space<vmem>>, vector<1x5000x1xi32>
    %swap3A_149 = vector.shape_cast %swap3A_148 : vector<1x5000x1xi32> to vector<5000x1xi32>
    %swap3A_150 = vector.shape_cast %add3A_145 : vector<5000x1xi32> to vector<1x5000x1xi32>
    tpu.vector_store %arg5[%swap3A, %swap3A_146, %swap3A_147], %swap3A_150 {strides = array<i32>} : memref<1x5000x1xi32, #tpu.memory_space<vmem>>, vector<1x5000x1xi32>,
    return
  }
  func.func @transform_0(%arg0: i32) -> (i32, i32, i32) {
    %c0_i32 = arith.constant 0 : i32
    %c0_i32_0 = arith.constant 0 : i32
    %c0_i32_1 = arith.constant 0 : i32
    return %arg0, %c0_i32, %c0_i32_0 : i32, i32, i32
  }
  func.func @transform_1(%arg0: i32) -> (i32, i32) {
    %c0_i32 = arith.constant 0 : i32
    %c0_i32_0 = arith.constant 0 : i32
    %c0_i32_1 = arith.constant 0 : i32
    return %c0_i32, %c0_i32_0 : i32, i32
  }
  func.func @transform_2(%arg0: i32) -> (i32, i32) {
    %c0_i32 = arith.constant 0 : i32
    %c0_i32_0 = arith.constant 0 : i32
    %c0_i32_1 = arith.constant 0 : i32
    return %c0_i32, %c0_i32_0 : i32, i32
  }
  func.func @transform_3(%arg0: i32) -> (i32, i32) {
    %c0_i32 = arith.constant 0 : i32
    %c0_i32_0 = arith.constant 0 : i32
    %c0_i32_1 = arith.constant 0 : i32
    return %c0_i32, %c0_i32_0 : i32, i32
  }
  func.func @transform_4(%arg0: i32) -> (i32, i32, i32) {
    %c0_i32 = arith.constant 0 : i32
    %c0_i32_0 = arith.constant 0 : i32
    %c0_i32_1 = arith.constant 0 : i32
    return %arg0, %c0_i32, %c0_i32_0 : i32, i32, i32
  }
}

module attributes {stable_mosaic.version = 14 : i64} {
  func.func @_main_kernel(%arg0: i32, %arg1: memref<1x500x16xf32, #tpu.memory_space<vmem>>, %arg2: memref<26x256xf32, #tpu.memory_space<vmem>>, %arg3: memref<1x256xf32, #tpu.memory_space<vmem>>, %arg4: memref<26x256xf32, #tpu.memory_space<vmem>>, %arg5: memref<1x256xf32, #tpu.memory_space<vmem>>, %arg6: memref<256x256xbf16, #tpu.memory_space<vmem>>, %arg7: memref<1x256xf32, #tpu.memory_space<vmem>>, %arg8: memref<256x256xbf16, #tpu.memory_space<vmem>>, %arg9: memref<256x256xbf16, #tpu.memory_space<vmem>>, %arg10: memref<256x256xbf16, #tpu.memory_space<vmem>>, %arg11: memref<1x256xf32, #tpu.memory_space<vmem>>, %arg12: memref<256x8xbf16, #tpu.memory_space<vmem>>, %arg13: memref<1x8xf32, #tpu.memory_space<vmem>>, %arg14: memref<26x256xf32, #tpu.memory_space<vmem>>, %arg15: memref<1x256xf32, #tpu.memory_space<vmem>>, %arg16: memref<256x256xbf16, #tpu.memory_space<vmem>>, %arg17: memref<1x256xf32, #tpu.memory_space<vmem>>, %arg18: memref<256x256xbf16, #tpu.memory_space<vmem>>, %arg19: memref<256x256xbf16, #tpu.memory_space<vmem>>, %arg20: memref<256x256xbf16, #tpu.memory_space<vmem>>, %arg21: memref<1x256xf32, #tpu.memory_space<vmem>>, %arg22: memref<256x4xbf16, #tpu.memory_space<vmem>>, %arg23: memref<1x4xf32, #tpu.memory_space<vmem>>, %arg24: memref<1x500x16xf32, #tpu.memory_space<vmem>>) attributes {dimension_semantics = [#tpu.dimension_semantics<parallel>], iteration_bounds = array<i64: 100>, scalar_prefetch = 0 : i64, scratch_operands = 0 : i64, tpu.core_type = #tpu.core_type<tc>, window_params = [{transform_indices = @transform_0, window_bounds = array<i64: 1, 500, 16>}, {pipeline_mode = #tpu.pipeline_mode<synchronous>, transform_indices = @transform_1, window_bounds = array<i64: 26, 256>}, {pipeline_mode = #tpu.pipeline_mode<synchronous>, transform_indices = @transform_2, window_bounds = array<i64: 1, 256>}, {pipeline_mode = #tpu.pipeline_mode<synchronous>, transform_indices = @transform_3, window_bounds = array<i64: 26, 256>}, {pipeline_mode = #tpu.pipeline_mode<synchronous>, transform_indices = @transform_4, window_bounds = array<i64: 1, 256>}, {pipeline_mode = #tpu.pipeline_mode<synchronous>, transform_indices = @transform_5, window_bounds = array<i64: 256, 256>}, {pipeline_mode = #tpu.pipeline_mode<synchronous>, transform_indices = @transform_6, window_bounds = array<i64: 1, 256>}, {pipeline_mode = #tpu.pipeline_mode<synchronous>, transform_indices = @transform_7, window_bounds = array<i64: 256, 256>}, {pipeline_mode = #tpu.pipeline_mode<synchronous>, transform_indices = @transform_8, window_bounds = array<i64: 256, 256>}, {pipeline_mode = #tpu.pipeline_mode<synchronous>, transform_indices = @transform_9, window_bounds = array<i64: 256, 256>}, {pipeline_mode = #tpu.pipeline_mode<synchronous>, transform_indices = @transform_10, window_bounds = array<i64: 1, 256>}, {pipeline_mode = #tpu.pipeline_mode<synchronous>, transform_indices = @transform_11, window_bounds = array<i64: 256, 8>}, {pipeline_mode = #tpu.pipeline_mode<synchronous>, transform_indices = @transform_12, window_bounds = array<i64: 1, 8>}, {pipeline_mode = #tpu.pipeline_mode<synchronous>, transform_indices = @transform_13, window_bounds = array<i64: 26, 256>}, {pipeline_mode = #tpu.pipeline_mode<synchronous>, transform_indices = @transform_14, window_bounds = array<i64: 1, 256>}, {pipeline_mode = #tpu.pipeline_mode<synchronous>, transform_indices = @transform_15, window_bounds = array<i64: 256, 256>}, {pipeline_mode = #tpu.pipeline_mode<synchronous>, transform_indices = @transform_16, window_bounds = array<i64: 1, 256>}, {pipeline_mode = #tpu.pipeline_mode<synchronous>, transform_indices = @transform_17, window_bounds = array<i64: 256, 256>}, {pipeline_mode = #tpu.pipeline_mode<synchronous>, transform_indices = @transform_18, window_bounds = array<i64: 256, 256>}, {pipeline_mode = #tpu.pipeline_mode<synchronous>, transform_indices = @transform_19, window_bounds = array<i64: 256, 256>}, {pipeline_mode = #tpu.pipeline_mode<synchronous>, transform_indices = @transform_20, window_bounds = array<i64: 1, 256>}, {pipeline_mode = #tpu.pipeline_mode<synchronous>, transform_indices = @transform_21, window_bounds = array<i64: 256, 4>}, {pipeline_mode = #tpu.pipeline_mode<synchronous>, transform_indices = @transform_22, window_bounds = array<i64: 1, 4>}, {transform_indices = @transform_23, window_bounds = array<i64: 1, 500, 16>}]} {
    %get3A = arith.constant 0 : index
    %get3A_0 = arith.constant 0 : index
    %get3A_1 = arith.constant 0 : index
    %get3A_2 = vector.load %arg1[%get3A, %get3A_0, %get3A_1] : memref<1x500x16xf32, #tpu.memory_space<vmem>>, vector<1x500x16xf32>
    %get3A_3 = vector.shape_cast %get3A_2 : vector<1x500x16xf32> to vector<500x16xf32>
    %slice3A = vector.extract_strided_slice %get3A_3 {offsets = [0, 0], sizes = [500, 1], strides = [1, 1]} : vector<500x16xf32> to vector<500x1xf32>
    %convert_element_type3A = arith.fptosi %slice3A : vector<500x1xf32> to vector<500x1xi32>
    %iota3A = tpu.iota {dimensions = array<i32: 1>} : vector<500x12xi32>
    %eq3A = vector.broadcast %convert_element_type3A : vector<500x1xi32> to vector<500x12xi32>
    %eq3A_4 = arith.cmpi eq, %eq3A, %iota3A : vector<500x12xi32>
    %convert_element_type3A_5 = arith.extui %eq3A_4 : vector<500x12xi1> to vector<500x12xi32>
    %convert_element_type3A_6 = arith.sitofp %convert_element_type3A_5 : vector<500x12xi32> to vector<500x12xf32>
    %slice3A_7 = vector.extract_strided_slice %get3A_3 {offsets = [0, 1], sizes = [500, 14], strides = [1, 1]} : vector<500x16xf32> to vector<500x14xf32>
    %concatenate3A = tpu.concatenate %convert_element_type3A_6, %slice3A_7 in 1 : vector<500x12xf32>, vector<500x14xf32> -> vector<500x26xf32>
    %get3A_8 = arith.constant 0 : index
    %get3A_9 = arith.constant 0 : index
    %get3A_10 = vector.load %arg2[%get3A_8, %get3A_9] : memref<26x256xf32, #tpu.memory_space<vmem>>, vector<26x256xf32>
    %dot_general3A = arith.constant dense<0.000000e+00> : vector<500x256xf32>
    %dot_general3A_11 = tpu.matmul %concatenate3A, %get3A_10, %dot_general3A {dimension_numbers = #tpu.dot_dimension_numbers<[1], [0], [0], [1], [0, 0, 1, 1], [], []>, transpose_lhs_hint = false} : vector<500x26xf32>, vector<26x256xf32>, vector<500x256xf32> -> vector<500x256xf32>
    %get3A_12 = arith.constant 0 : index
    %get3A_13 = arith.constant 0 : index
    %get3A_14 = vector.load %arg3[%get3A_12, %get3A_13] : memref<1x256xf32, #tpu.memory_space<vmem>>, vector<1x256xf32>
    %add3A = vector.broadcast %get3A_14 : vector<1x256xf32> to vector<500x256xf32>
    %add3A_15 = arith.addf %dot_general3A_11, %add3A : vector<500x256xf32>
    %gt3A = arith.constant 0.000000e+00 : f32
    %gt3A_16 = vector.broadcast %gt3A : f32 to vector<500x256xf32>
    %gt3A_17 = arith.cmpf ogt, %add3A_15, %gt3A_16 : vector<500x256xf32>
    %exp3A = math.exp %add3A_15 : vector<500x256xf32>
    %sub3A = arith.constant 1.000000e+00 : f32
    %sub3A_18 = vector.broadcast %sub3A : f32 to vector<500x256xf32>
    %sub3A_19 = arith.subf %exp3A, %sub3A_18 : vector<500x256xf32>
    %mul3A = arith.constant 1.67326319 : f32
    %mul3A_20 = vector.broadcast %mul3A : f32 to vector<500x256xf32>
    %mul3A_21 = arith.mulf %mul3A_20, %sub3A_19 : vector<500x256xf32>
    %select_n3A = arith.select %gt3A_17, %add3A_15, %mul3A_21 : vector<500x256xi1>, vector<500x256xf32>
    %mul3A_22 = arith.constant 1.05070102 : f32
    %mul3A_23 = vector.broadcast %mul3A_22 : f32 to vector<500x256xf32>
    %mul3A_24 = arith.mulf %mul3A_23, %select_n3A : vector<500x256xf32>
    %mul3A_25 = arith.mulf %mul3A_24, %mul3A_24 : vector<500x256xf32>
    %reduce_sum3A = arith.constant dense<0.000000e+00> : vector<500xf32>
    %reduce_sum3A_26 = vector.multi_reduction <add>, %mul3A_25, %reduce_sum3A [1] : vector<500x256xf32> to vector<500xf32>
    %broadcast_in_dim3A = vector.shape_cast %reduce_sum3A_26 : vector<500xf32> to vector<500x1xf32>
    %max3A = arith.constant 9.99999996E-13 : f32
    %max3A_27 = vector.broadcast %max3A : f32 to vector<500x1xf32>
    %max3A_28 = arith.maximumf %broadcast_in_dim3A, %max3A_27 : vector<500x1xf32>
    %rsqrt3A = math.rsqrt %max3A_28 : vector<500x1xf32>
    %mul3A_29 = vector.broadcast %rsqrt3A : vector<500x1xf32> to vector<500x256xf32>
    %mul3A_30 = arith.mulf %mul3A_24, %mul3A_29 : vector<500x256xf32>
    %dot_general3A_31 = arith.constant dense<0.000000e+00> : vector<500x500xf32>
    %dot_general3A_32 = tpu.matmul %mul3A_30, %mul3A_30, %dot_general3A_31 {dimension_numbers = #tpu.dot_dimension_numbers<[1], [1], [0], [0], [0, 0, 1, 0], [], []>, transpose_lhs_hint = false} : vector<500x256xf32>, vector<500x256xf32>, vector<500x500xf32> -> vector<500x500xf32>
    %exp3A_33 = math.exp %dot_general3A_32 : vector<500x500xf32>
    %reduce_sum3A_34 = arith.constant dense<0.000000e+00> : vector<500xf32>
    %reduce_sum3A_35 = vector.multi_reduction <add>, %exp3A_33, %reduce_sum3A_34 [1] : vector<500x500xf32> to vector<500xf32>
    %broadcast_in_dim3A_36 = vector.shape_cast %reduce_sum3A_35 : vector<500xf32> to vector<500x1xf32>
    %div3A = arith.constant 1.000000e+00 : f32
    %div3A_37 = vector.broadcast %div3A : f32 to vector<500x1xf32>
    %div3A_38 = arith.divf %div3A_37, %broadcast_in_dim3A_36 : vector<500x1xf32>
    %reduce_max3A = arith.constant dense<0xFF800000> : vector<500xf32>
    %reduce_max3A_39 = vector.multi_reduction <maximumf>, %exp3A_33, %reduce_max3A [1] : vector<500x500xf32> to vector<500xf32>
    %broadcast_in_dim3A_40 = vector.shape_cast %reduce_max3A_39 : vector<500xf32> to vector<500x1xf32>
    %lt3A = vector.broadcast %broadcast_in_dim3A_40 : vector<500x1xf32> to vector<500x500xf32>
    %lt3A_41 = arith.cmpf olt, %exp3A_33, %lt3A : vector<500x500xf32>
    %jit3A = arith.constant -1.000000e+00 : f32
    %broadcast_in_dim3A_42 = vector.broadcast %jit3A : f32 to vector<500x500xf32>
    %select_n3A_43 = arith.select %lt3A_41, %exp3A_33, %broadcast_in_dim3A_42 : vector<500x500xi1>, vector<500x500xf32>
    %reduce_max3A_44 = arith.constant dense<0xFF800000> : vector<500xf32>
    %reduce_max3A_45 = vector.multi_reduction <maximumf>, %select_n3A_43, %reduce_max3A_44 [1] : vector<500x500xf32> to vector<500xf32>
    %broadcast_in_dim3A_46 = vector.shape_cast %reduce_max3A_45 : vector<500xf32> to vector<500x1xf32>
    %lt3A_47 = vector.broadcast %broadcast_in_dim3A_46 : vector<500x1xf32> to vector<500x500xf32>
    %lt3A_48 = arith.cmpf olt, %exp3A_33, %lt3A_47 : vector<500x500xf32>
    %jit3A_49 = arith.constant -1.000000e+00 : f32
    %broadcast_in_dim3A_50 = vector.broadcast %jit3A_49 : f32 to vector<500x500xf32>
    %select_n3A_51 = arith.select %lt3A_48, %exp3A_33, %broadcast_in_dim3A_50 : vector<500x500xi1>, vector<500x500xf32>
    %reduce_max3A_52 = arith.constant dense<0xFF800000> : vector<500xf32>
    %reduce_max3A_53 = vector.multi_reduction <maximumf>, %select_n3A_51, %reduce_max3A_52 [1] : vector<500x500xf32> to vector<500xf32>
    %broadcast_in_dim3A_54 = vector.shape_cast %reduce_max3A_53 : vector<500xf32> to vector<500x1xf32>
    %lt3A_55 = vector.broadcast %broadcast_in_dim3A_54 : vector<500x1xf32> to vector<500x500xf32>
    %lt3A_56 = arith.cmpf olt, %exp3A_33, %lt3A_55 : vector<500x500xf32>
    %jit3A_57 = arith.constant -1.000000e+00 : f32
    %broadcast_in_dim3A_58 = vector.broadcast %jit3A_57 : f32 to vector<500x500xf32>
    %select_n3A_59 = arith.select %lt3A_56, %exp3A_33, %broadcast_in_dim3A_58 : vector<500x500xi1>, vector<500x500xf32>
    %reduce_max3A_60 = arith.constant dense<0xFF800000> : vector<500xf32>
    %reduce_max3A_61 = vector.multi_reduction <maximumf>, %select_n3A_59, %reduce_max3A_60 [1] : vector<500x500xf32> to vector<500xf32>
    %broadcast_in_dim3A_62 = vector.shape_cast %reduce_max3A_61 : vector<500xf32> to vector<500x1xf32>
    %lt3A_63 = vector.broadcast %broadcast_in_dim3A_62 : vector<500x1xf32> to vector<500x500xf32>
    %lt3A_64 = arith.cmpf olt, %exp3A_33, %lt3A_63 : vector<500x500xf32>
    %jit3A_65 = arith.constant -1.000000e+00 : f32
    %broadcast_in_dim3A_66 = vector.broadcast %jit3A_65 : f32 to vector<500x500xf32>
    %select_n3A_67 = arith.select %lt3A_64, %exp3A_33, %broadcast_in_dim3A_66 : vector<500x500xi1>, vector<500x500xf32>
    %reduce_max3A_68 = arith.constant dense<0xFF800000> : vector<500xf32>
    %reduce_max3A_69 = vector.multi_reduction <maximumf>, %select_n3A_67, %reduce_max3A_68 [1] : vector<500x500xf32> to vector<500xf32>
    %broadcast_in_dim3A_70 = vector.shape_cast %reduce_max3A_69 : vector<500xf32> to vector<500x1xf32>
    %ge3A = vector.broadcast %broadcast_in_dim3A_70 : vector<500x1xf32> to vector<500x500xf32>
    %ge3A_71 = arith.cmpf oge, %exp3A_33, %ge3A : vector<500x500xf32>
    %jit3A_72 = arith.constant 0.000000e+00 : f32
    %broadcast_in_dim3A_73 = vector.broadcast %jit3A_72 : f32 to vector<500x500xf32>
    %select_n3A_74 = arith.select %ge3A_71, %exp3A_33, %broadcast_in_dim3A_73 : vector<500x500xi1>, vector<500x500xf32>
    %reduce_sum3A_75 = arith.constant dense<0.000000e+00> : vector<500xf32>
    %reduce_sum3A_76 = vector.multi_reduction <add>, %select_n3A_74, %reduce_sum3A_75 [1] : vector<500x500xf32> to vector<500xf32>
    %broadcast_in_dim3A_77 = vector.shape_cast %reduce_sum3A_76 : vector<500xf32> to vector<500x1xf32>
    %mul3A_78 = arith.mulf %broadcast_in_dim3A_77, %div3A_38 : vector<500x1xf32>
    %add3A_79 = arith.constant 9.99999997E-7 : f32
    %add3A_80 = vector.broadcast %add3A_79 : f32 to vector<500x1xf32>
    %add3A_81 = arith.addf %mul3A_78, %add3A_80 : vector<500x1xf32>
    %rsqrt3A_82 = math.rsqrt %add3A_81 : vector<500x1xf32>
    %mul3A_83 = arith.mulf %rsqrt3A_82, %div3A_38 : vector<500x1xf32>
    %convert_element_type3A_84 = arith.truncf %select_n3A_74 : vector<500x500xf32> to vector<500x500xbf16>
    %get3A_85 = arith.constant 0 : index
    %get3A_86 = arith.constant 0 : index
    %get3A_87 = vector.load %arg4[%get3A_85, %get3A_86] : memref<26x256xf32, #tpu.memory_space<vmem>>, vector<26x256xf32>
    %get3A_88 = arith.constant 0 : index
    %get3A_89 = arith.constant 0 : index
    %get3A_90 = vector.load %arg5[%get3A_88, %get3A_89] : memref<1x256xf32, #tpu.memory_space<vmem>>, vector<1x256xf32>
    %get3A_91 = arith.constant 0 : index
    %get3A_92 = arith.constant 0 : index
    %get3A_93 = vector.load %arg6[%get3A_91, %get3A_92] : memref<256x256xbf16, #tpu.memory_space<vmem>>, vector<256x256xbf16>
    %get3A_94 = arith.constant 0 : index
    %get3A_95 = arith.constant 0 : index
    %get3A_96 = vector.load %arg7[%get3A_94, %get3A_95] : memref<1x256xf32, #tpu.memory_space<vmem>>, vector<1x256xf32>
    %get3A_97 = arith.constant 0 : index
    %get3A_98 = arith.constant 0 : index
    %get3A_99 = vector.load %arg8[%get3A_97, %get3A_98] : memref<256x256xbf16, #tpu.memory_space<vmem>>, vector<256x256xbf16>
    %get3A_100 = arith.constant 0 : index
    %get3A_101 = arith.constant 0 : index
    %get3A_102 = vector.load %arg9[%get3A_100, %get3A_101] : memref<256x256xbf16, #tpu.memory_space<vmem>>, vector<256x256xbf16>
    %get3A_103 = arith.constant 0 : index
    %get3A_104 = arith.constant 0 : index
    %get3A_105 = vector.load %arg10[%get3A_103, %get3A_104] : memref<256x256xbf16, #tpu.memory_space<vmem>>, vector<256x256xbf16>
    %get3A_106 = arith.constant 0 : index
    %get3A_107 = arith.constant 0 : index
    %get3A_108 = vector.load %arg11[%get3A_106, %get3A_107] : memref<1x256xf32, #tpu.memory_space<vmem>>, vector<1x256xf32>
    %get3A_109 = arith.constant 0 : index
    %get3A_110 = arith.constant 0 : index
    %get3A_111 = vector.load %arg12[%get3A_109, %get3A_110] : memref<256x8xbf16, #tpu.memory_space<vmem>>, vector<256x8xbf16>
    %get3A_112 = arith.constant 0 : index
    %get3A_113 = arith.constant 0 : index
    %get3A_114 = vector.load %arg13[%get3A_112, %get3A_113] : memref<1x8xf32, #tpu.memory_space<vmem>>, vector<1x8xf32>
    %dot_general3A_115 = arith.constant dense<0.000000e+00> : vector<500x256xf32>
    %dot_general3A_116 = tpu.matmul %concatenate3A, %get3A_87, %dot_general3A_115 {dimension_numbers = #tpu.dot_dimension_numbers<[1], [0], [0], [1], [0, 0, 1, 1], [], []>, transpose_lhs_hint = false} : vector<500x26xf32>, vector<26x256xf32>, vector<500x256xf32> -> vector<500x256xf32>
    %add3A_117 = vector.broadcast %get3A_90 : vector<1x256xf32> to vector<500x256xf32>
    %add3A_118 = arith.addf %dot_general3A_116, %add3A_117 : vector<500x256xf32>
    %gt3A_119 = arith.constant 0.000000e+00 : f32
    %gt3A_120 = vector.broadcast %gt3A_119 : f32 to vector<500x256xf32>
    %gt3A_121 = arith.cmpf ogt, %add3A_118, %gt3A_120 : vector<500x256xf32>
    %exp3A_122 = math.exp %add3A_118 : vector<500x256xf32>
    %sub3A_123 = arith.constant 1.000000e+00 : f32
    %sub3A_124 = vector.broadcast %sub3A_123 : f32 to vector<500x256xf32>
    %sub3A_125 = arith.subf %exp3A_122, %sub3A_124 : vector<500x256xf32>
    %mul3A_126 = arith.constant 1.67326319 : f32
    %mul3A_127 = vector.broadcast %mul3A_126 : f32 to vector<500x256xf32>
    %mul3A_128 = arith.mulf %mul3A_127, %sub3A_125 : vector<500x256xf32>
    %select_n3A_129 = arith.select %gt3A_121, %add3A_118, %mul3A_128 : vector<500x256xi1>, vector<500x256xf32>
    %mul3A_130 = arith.constant 1.05070102 : f32
    %mul3A_131 = vector.broadcast %mul3A_130 : f32 to vector<500x256xf32>
    %mul3A_132 = arith.mulf %mul3A_131, %select_n3A_129 : vector<500x256xf32>
    %convert_element_type3A_133 = arith.truncf %mul3A_132 : vector<500x256xf32> to vector<500x256xbf16>
    %dot_general3A_134 = arith.constant dense<0.000000e+00> : vector<500x256xf32>
    %dot_general3A_135 = tpu.matmul %convert_element_type3A_133, %get3A_102, %dot_general3A_134 {dimension_numbers = #tpu.dot_dimension_numbers<[1], [0], [0], [1], [0, 0, 1, 1], [], []>, transpose_lhs_hint = false} : vector<500x256xbf16>, vector<256x256xbf16>, vector<500x256xf32> -> vector<500x256xf32>
    %mul3A_136 = vector.broadcast %rsqrt3A_82 : vector<500x1xf32> to vector<500x256xf32>
    %mul3A_137 = arith.mulf %dot_general3A_135, %mul3A_136 : vector<500x256xf32>
    %convert_element_type3A_138 = arith.truncf %mul3A_137 : vector<500x256xf32> to vector<500x256xbf16>
    %dot_general3A_139 = arith.constant dense<0.000000e+00> : vector<500x256xf32>
    %dot_general3A_140 = tpu.matmul %convert_element_type3A_84, %convert_element_type3A_138, %dot_general3A_139 {dimension_numbers = #tpu.dot_dimension_numbers<[1], [0], [0], [1], [0, 0, 1, 1], [], []>, transpose_lhs_hint = false} : vector<500x500xbf16>, vector<500x256xbf16>, vector<500x256xf32> -> vector<500x256xf32>
    %mul3A_141 = vector.broadcast %mul3A_83 : vector<500x1xf32> to vector<500x256xf32>
    %mul3A_142 = arith.mulf %dot_general3A_140, %mul3A_141 : vector<500x256xf32>
    %dot_general3A_143 = arith.constant dense<0.000000e+00> : vector<500x256xf32>
    %dot_general3A_144 = tpu.matmul %convert_element_type3A_133, %get3A_93, %dot_general3A_143 {dimension_numbers = #tpu.dot_dimension_numbers<[1], [0], [0], [1], [0, 0, 1, 1], [], []>, transpose_lhs_hint = false} : vector<500x256xbf16>, vector<256x256xbf16>, vector<500x256xf32> -> vector<500x256xf32>
    %add3A_145 = vector.broadcast %get3A_96 : vector<1x256xf32> to vector<500x256xf32>
    %add3A_146 = arith.addf %dot_general3A_144, %add3A_145 : vector<500x256xf32>
    %logistic3A = arith.negf %add3A_146 : vector<500x256xf32>
    %logistic3A_147 = math.exp %logistic3A : vector<500x256xf32>
    %logistic3A_148 = arith.constant 1.000000e+00 : f32
    %logistic3A_149 = vector.broadcast %logistic3A_148 : f32 to vector<500x256xf32>
    %logistic3A_150 = arith.addf %logistic3A_149, %logistic3A_147 : vector<500x256xf32>
    %logistic3A_151 = arith.divf %logistic3A_149, %logistic3A_150 : vector<500x256xf32>
    %dot_general3A_152 = arith.constant dense<0.000000e+00> : vector<500x256xf32>
    %dot_general3A_153 = tpu.matmul %convert_element_type3A_133, %get3A_99, %dot_general3A_152 {dimension_numbers = #tpu.dot_dimension_numbers<[1], [0], [0], [1], [0, 0, 1, 1], [], []>, transpose_lhs_hint = false} : vector<500x256xbf16>, vector<256x256xbf16>, vector<500x256xf32> -> vector<500x256xf32>
    %mul3A_154 = arith.mulf %logistic3A_151, %mul3A_142 : vector<500x256xf32>
    %sub3A_155 = arith.constant 1.000000e+00 : f32
    %sub3A_156 = vector.broadcast %sub3A_155 : f32 to vector<500x256xf32>
    %sub3A_157 = arith.subf %sub3A_156, %logistic3A_151 : vector<500x256xf32>
    %mul3A_158 = arith.mulf %sub3A_157, %dot_general3A_153 : vector<500x256xf32>
    %add3A_159 = arith.addf %mul3A_154, %mul3A_158 : vector<500x256xf32>
    %gt3A_160 = arith.constant 0.000000e+00 : f32
    %gt3A_161 = vector.broadcast %gt3A_160 : f32 to vector<500x256xf32>
    %gt3A_162 = arith.cmpf ogt, %add3A_159, %gt3A_161 : vector<500x256xf32>
    %exp3A_163 = math.exp %add3A_159 : vector<500x256xf32>
    %sub3A_164 = arith.constant 1.000000e+00 : f32
    %sub3A_165 = vector.broadcast %sub3A_164 : f32 to vector<500x256xf32>
    %sub3A_166 = arith.subf %exp3A_163, %sub3A_165 : vector<500x256xf32>
    %mul3A_167 = arith.constant 1.67326319 : f32
    %mul3A_168 = vector.broadcast %mul3A_167 : f32 to vector<500x256xf32>
    %mul3A_169 = arith.mulf %mul3A_168, %sub3A_166 : vector<500x256xf32>
    %select_n3A_170 = arith.select %gt3A_162, %add3A_159, %mul3A_169 : vector<500x256xi1>, vector<500x256xf32>
    %mul3A_171 = arith.constant 1.05070102 : f32
    %mul3A_172 = vector.broadcast %mul3A_171 : f32 to vector<500x256xf32>
    %mul3A_173 = arith.mulf %mul3A_172, %select_n3A_170 : vector<500x256xf32>
    %convert_element_type3A_174 = arith.truncf %mul3A_173 : vector<500x256xf32> to vector<500x256xbf16>
    %dot_general3A_175 = arith.constant dense<0.000000e+00> : vector<500x256xf32>
    %dot_general3A_176 = tpu.matmul %convert_element_type3A_174, %get3A_105, %dot_general3A_175 {dimension_numbers = #tpu.dot_dimension_numbers<[1], [0], [0], [1], [0, 0, 1, 1], [], []>, transpose_lhs_hint = false} : vector<500x256xbf16>, vector<256x256xbf16>, vector<500x256xf32> -> vector<500x256xf32>
    %add3A_177 = vector.broadcast %get3A_108 : vector<1x256xf32> to vector<500x256xf32>
    %add3A_178 = arith.addf %dot_general3A_176, %add3A_177 : vector<500x256xf32>
    %gt3A_179 = arith.constant 0.000000e+00 : f32
    %gt3A_180 = vector.broadcast %gt3A_179 : f32 to vector<500x256xf32>
    %gt3A_181 = arith.cmpf ogt, %add3A_178, %gt3A_180 : vector<500x256xf32>
    %exp3A_182 = math.exp %add3A_178 : vector<500x256xf32>
    %sub3A_183 = arith.constant 1.000000e+00 : f32
    %sub3A_184 = vector.broadcast %sub3A_183 : f32 to vector<500x256xf32>
    %sub3A_185 = arith.subf %exp3A_182, %sub3A_184 : vector<500x256xf32>
    %mul3A_186 = arith.constant 1.67326319 : f32
    %mul3A_187 = vector.broadcast %mul3A_186 : f32 to vector<500x256xf32>
    %mul3A_188 = arith.mulf %mul3A_187, %sub3A_185 : vector<500x256xf32>
    %select_n3A_189 = arith.select %gt3A_181, %add3A_178, %mul3A_188 : vector<500x256xi1>, vector<500x256xf32>
    %mul3A_190 = arith.constant 1.05070102 : f32
    %mul3A_191 = vector.broadcast %mul3A_190 : f32 to vector<500x256xf32>
    %mul3A_192 = arith.mulf %mul3A_191, %select_n3A_189 : vector<500x256xf32>
    %convert_element_type3A_193 = arith.truncf %mul3A_192 : vector<500x256xf32> to vector<500x256xbf16>
    %dot_general3A_194 = arith.constant dense<0.000000e+00> : vector<500x8xf32>
    %dot_general3A_195 = tpu.matmul %convert_element_type3A_193, %get3A_111, %dot_general3A_194 {dimension_numbers = #tpu.dot_dimension_numbers<[1], [0], [0], [1], [0, 0, 1, 1], [], []>, transpose_lhs_hint = false} : vector<500x256xbf16>, vector<256x8xbf16>, vector<500x8xf32> -> vector<500x8xf32>
    %add3A_196 = vector.broadcast %get3A_114 : vector<1x8xf32> to vector<500x8xf32>
    %add3A_197 = arith.addf %dot_general3A_195, %add3A_196 : vector<500x8xf32>
    %get3A_198 = arith.constant 0 : index
    %get3A_199 = arith.constant 0 : index
    %get3A_200 = vector.load %arg14[%get3A_198, %get3A_199] : memref<26x256xf32, #tpu.memory_space<vmem>>, vector<26x256xf32>
    %get3A_201 = arith.constant 0 : index
    %get3A_202 = arith.constant 0 : index
    %get3A_203 = vector.load %arg15[%get3A_201, %get3A_202] : memref<1x256xf32, #tpu.memory_space<vmem>>, vector<1x256xf32>
    %get3A_204 = arith.constant 0 : index
    %get3A_205 = arith.constant 0 : index
    %get3A_206 = vector.load %arg16[%get3A_204, %get3A_205] : memref<256x256xbf16, #tpu.memory_space<vmem>>, vector<256x256xbf16>
    %get3A_207 = arith.constant 0 : index
    %get3A_208 = arith.constant 0 : index
    %get3A_209 = vector.load %arg17[%get3A_207, %get3A_208] : memref<1x256xf32, #tpu.memory_space<vmem>>, vector<1x256xf32>
    %get3A_210 = arith.constant 0 : index
    %get3A_211 = arith.constant 0 : index
    %get3A_212 = vector.load %arg18[%get3A_210, %get3A_211] : memref<256x256xbf16, #tpu.memory_space<vmem>>, vector<256x256xbf16>
    %get3A_213 = arith.constant 0 : index
    %get3A_214 = arith.constant 0 : index
    %get3A_215 = vector.load %arg19[%get3A_213, %get3A_214] : memref<256x256xbf16, #tpu.memory_space<vmem>>, vector<256x256xbf16>
    %get3A_216 = arith.constant 0 : index
    %get3A_217 = arith.constant 0 : index
    %get3A_218 = vector.load %arg20[%get3A_216, %get3A_217] : memref<256x256xbf16, #tpu.memory_space<vmem>>, vector<256x256xbf16>
    %get3A_219 = arith.constant 0 : index
    %get3A_220 = arith.constant 0 : index
    %get3A_221 = vector.load %arg21[%get3A_219, %get3A_220] : memref<1x256xf32, #tpu.memory_space<vmem>>, vector<1x256xf32>
    %get3A_222 = arith.constant 0 : index
    %get3A_223 = arith.constant 0 : index
    %get3A_224 = vector.load %arg22[%get3A_222, %get3A_223] : memref<256x4xbf16, #tpu.memory_space<vmem>>, vector<256x4xbf16>
    %get3A_225 = arith.constant 0 : index
    %get3A_226 = arith.constant 0 : index
    %get3A_227 = vector.load %arg23[%get3A_225, %get3A_226] : memref<1x4xf32, #tpu.memory_space<vmem>>, vector<1x4xf32>
    %dot_general3A_228 = arith.constant dense<0.000000e+00> : vector<500x256xf32>
    %dot_general3A_229 = tpu.matmul %concatenate3A, %get3A_200, %dot_general3A_228 {dimension_numbers = #tpu.dot_dimension_numbers<[1], [0], [0], [1], [0, 0, 1, 1], [], []>, transpose_lhs_hint = false} : vector<500x26xf32>, vector<26x256xf32>, vector<500x256xf32> -> vector<500x256xf32>
    %add3A_230 = vector.broadcast %get3A_203 : vector<1x256xf32> to vector<500x256xf32>
    %add3A_231 = arith.addf %dot_general3A_229, %add3A_230 : vector<500x256xf32>
    %gt3A_232 = arith.constant 0.000000e+00 : f32
    %gt3A_233 = vector.broadcast %gt3A_232 : f32 to vector<500x256xf32>
    %gt3A_234 = arith.cmpf ogt, %add3A_231, %gt3A_233 : vector<500x256xf32>
    %exp3A_235 = math.exp %add3A_231 : vector<500x256xf32>
    %sub3A_236 = arith.constant 1.000000e+00 : f32
    %sub3A_237 = vector.broadcast %sub3A_236 : f32 to vector<500x256xf32>
    %sub3A_238 = arith.subf %exp3A_235, %sub3A_237 : vector<500x256xf32>
    %mul3A_239 = arith.constant 1.67326319 : f32
    %mul3A_240 = vector.broadcast %mul3A_239 : f32 to vector<500x256xf32>
    %mul3A_241 = arith.mulf %mul3A_240, %sub3A_238 : vector<500x256xf32>
    %select_n3A_242 = arith.select %gt3A_234, %add3A_231, %mul3A_241 : vector<500x256xi1>, vector<500x256xf32>
    %mul3A_243 = arith.constant 1.05070102 : f32
    %mul3A_244 = vector.broadcast %mul3A_243 : f32 to vector<500x256xf32>
    %mul3A_245 = arith.mulf %mul3A_244, %select_n3A_242 : vector<500x256xf32>
    %convert_element_type3A_246 = arith.truncf %mul3A_245 : vector<500x256xf32> to vector<500x256xbf16>
    %dot_general3A_247 = arith.constant dense<0.000000e+00> : vector<500x256xf32>
    %dot_general3A_248 = tpu.matmul %convert_element_type3A_246, %get3A_215, %dot_general3A_247 {dimension_numbers = #tpu.dot_dimension_numbers<[1], [0], [0], [1], [0, 0, 1, 1], [], []>, transpose_lhs_hint = false} : vector<500x256xbf16>, vector<256x256xbf16>, vector<500x256xf32> -> vector<500x256xf32>
    %mul3A_249 = vector.broadcast %rsqrt3A_82 : vector<500x1xf32> to vector<500x256xf32>
    %mul3A_250 = arith.mulf %dot_general3A_248, %mul3A_249 : vector<500x256xf32>
    %convert_element_type3A_251 = arith.truncf %mul3A_250 : vector<500x256xf32> to vector<500x256xbf16>
    %dot_general3A_252 = arith.constant dense<0.000000e+00> : vector<500x256xf32>
    %dot_general3A_253 = tpu.matmul %convert_element_type3A_84, %convert_element_type3A_251, %dot_general3A_252 {dimension_numbers = #tpu.dot_dimension_numbers<[1], [0], [0], [1], [0, 0, 1, 1], [], []>, transpose_lhs_hint = false} : vector<500x500xbf16>, vector<500x256xbf16>, vector<500x256xf32> -> vector<500x256xf32>
    %mul3A_254 = vector.broadcast %mul3A_83 : vector<500x1xf32> to vector<500x256xf32>
    %mul3A_255 = arith.mulf %dot_general3A_253, %mul3A_254 : vector<500x256xf32>
    %dot_general3A_256 = arith.constant dense<0.000000e+00> : vector<500x256xf32>
    %dot_general3A_257 = tpu.matmul %convert_element_type3A_246, %get3A_206, %dot_general3A_256 {dimension_numbers = #tpu.dot_dimension_numbers<[1], [0], [0], [1], [0, 0, 1, 1], [], []>, transpose_lhs_hint = false} : vector<500x256xbf16>, vector<256x256xbf16>, vector<500x256xf32> -> vector<500x256xf32>
    %add3A_258 = vector.broadcast %get3A_209 : vector<1x256xf32> to vector<500x256xf32>
    %add3A_259 = arith.addf %dot_general3A_257, %add3A_258 : vector<500x256xf32>
    %logistic3A_260 = arith.negf %add3A_259 : vector<500x256xf32>
    %logistic3A_261 = math.exp %logistic3A_260 : vector<500x256xf32>
    %logistic3A_262 = arith.constant 1.000000e+00 : f32
    %logistic3A_263 = vector.broadcast %logistic3A_262 : f32 to vector<500x256xf32>
    %logistic3A_264 = arith.addf %logistic3A_263, %logistic3A_261 : vector<500x256xf32>
    %logistic3A_265 = arith.divf %logistic3A_263, %logistic3A_264 : vector<500x256xf32>
    %dot_general3A_266 = arith.constant dense<0.000000e+00> : vector<500x256xf32>
    %dot_general3A_267 = tpu.matmul %convert_element_type3A_246, %get3A_212, %dot_general3A_266 {dimension_numbers = #tpu.dot_dimension_numbers<[1], [0], [0], [1], [0, 0, 1, 1], [], []>, transpose_lhs_hint = false} : vector<500x256xbf16>, vector<256x256xbf16>, vector<500x256xf32> -> vector<500x256xf32>
    %mul3A_268 = arith.mulf %logistic3A_265, %mul3A_255 : vector<500x256xf32>
    %sub3A_269 = arith.constant 1.000000e+00 : f32
    %sub3A_270 = vector.broadcast %sub3A_269 : f32 to vector<500x256xf32>
    %sub3A_271 = arith.subf %sub3A_270, %logistic3A_265 : vector<500x256xf32>
    %mul3A_272 = arith.mulf %sub3A_271, %dot_general3A_267 : vector<500x256xf32>
    %add3A_273 = arith.addf %mul3A_268, %mul3A_272 : vector<500x256xf32>
    %gt3A_274 = arith.constant 0.000000e+00 : f32
    %gt3A_275 = vector.broadcast %gt3A_274 : f32 to vector<500x256xf32>
    %gt3A_276 = arith.cmpf ogt, %add3A_273, %gt3A_275 : vector<500x256xf32>
    %exp3A_277 = math.exp %add3A_273 : vector<500x256xf32>
    %sub3A_278 = arith.constant 1.000000e+00 : f32
    %sub3A_279 = vector.broadcast %sub3A_278 : f32 to vector<500x256xf32>
    %sub3A_280 = arith.subf %exp3A_277, %sub3A_279 : vector<500x256xf32>
    %mul3A_281 = arith.constant 1.67326319 : f32
    %mul3A_282 = vector.broadcast %mul3A_281 : f32 to vector<500x256xf32>
    %mul3A_283 = arith.mulf %mul3A_282, %sub3A_280 : vector<500x256xf32>
    %select_n3A_284 = arith.select %gt3A_276, %add3A_273, %mul3A_283 : vector<500x256xi1>, vector<500x256xf32>
    %mul3A_285 = arith.constant 1.05070102 : f32
    %mul3A_286 = vector.broadcast %mul3A_285 : f32 to vector<500x256xf32>
    %mul3A_287 = arith.mulf %mul3A_286, %select_n3A_284 : vector<500x256xf32>
    %convert_element_type3A_288 = arith.truncf %mul3A_287 : vector<500x256xf32> to vector<500x256xbf16>
    %dot_general3A_289 = arith.constant dense<0.000000e+00> : vector<500x256xf32>
    %dot_general3A_290 = tpu.matmul %convert_element_type3A_288, %get3A_218, %dot_general3A_289 {dimension_numbers = #tpu.dot_dimension_numbers<[1], [0], [0], [1], [0, 0, 1, 1], [], []>, transpose_lhs_hint = false} : vector<500x256xbf16>, vector<256x256xbf16>, vector<500x256xf32> -> vector<500x256xf32>
    %add3A_291 = vector.broadcast %get3A_221 : vector<1x256xf32> to vector<500x256xf32>
    %add3A_292 = arith.addf %dot_general3A_290, %add3A_291 : vector<500x256xf32>
    %gt3A_293 = arith.constant 0.000000e+00 : f32
    %gt3A_294 = vector.broadcast %gt3A_293 : f32 to vector<500x256xf32>
    %gt3A_295 = arith.cmpf ogt, %add3A_292, %gt3A_294 : vector<500x256xf32>
    %exp3A_296 = math.exp %add3A_292 : vector<500x256xf32>
    %sub3A_297 = arith.constant 1.000000e+00 : f32
    %sub3A_298 = vector.broadcast %sub3A_297 : f32 to vector<500x256xf32>
    %sub3A_299 = arith.subf %exp3A_296, %sub3A_298 : vector<500x256xf32>
    %mul3A_300 = arith.constant 1.67326319 : f32
    %mul3A_301 = vector.broadcast %mul3A_300 : f32 to vector<500x256xf32>
    %mul3A_302 = arith.mulf %mul3A_301, %sub3A_299 : vector<500x256xf32>
    %select_n3A_303 = arith.select %gt3A_295, %add3A_292, %mul3A_302 : vector<500x256xi1>, vector<500x256xf32>
    %mul3A_304 = arith.constant 1.05070102 : f32
    %mul3A_305 = vector.broadcast %mul3A_304 : f32 to vector<500x256xf32>
    %mul3A_306 = arith.mulf %mul3A_305, %select_n3A_303 : vector<500x256xf32>
    %convert_element_type3A_307 = arith.truncf %mul3A_306 : vector<500x256xf32> to vector<500x256xbf16>
    %dot_general3A_308 = arith.constant dense<0.000000e+00> : vector<500x4xf32>
    %dot_general3A_309 = tpu.matmul %convert_element_type3A_307, %get3A_224, %dot_general3A_308 {dimension_numbers = #tpu.dot_dimension_numbers<[1], [0], [0], [1], [0, 0, 1, 1], [], []>, transpose_lhs_hint = false} : vector<500x256xbf16>, vector<256x4xbf16>, vector<500x4xf32> -> vector<500x4xf32>
    %add3A_310 = vector.broadcast %get3A_227 : vector<1x4xf32> to vector<500x4xf32>
    %add3A_311 = arith.addf %dot_general3A_309, %add3A_310 : vector<500x4xf32>
    %broadcast_in_dim3A_312 = arith.constant 0.000000e+00 : f32
    %broadcast_in_dim3A_313 = vector.broadcast %broadcast_in_dim3A_312 : f32 to vector<500x4xf32>
    %concatenate3A_314 = tpu.concatenate %add3A_197, %add3A_311, %broadcast_in_dim3A_313 in 1 : vector<500x8xf32>, vector<500x4xf32>, vector<500x4xf32> -> vector<500x16xf32>
    %swap3A = arith.constant 0 : index
    %swap3A_315 = arith.constant 0 : index
    %swap3A_316 = arith.constant 0 : index
    %swap3A_317 = vector.load %arg24[%swap3A, %swap3A_315, %swap3A_316] : memref<1x500x16xf32, #tpu.memory_space<vmem>>, vector<1x500x16xf32>
    %swap3A_318 = vector.shape_cast %swap3A_317 : vector<1x500x16xf32> to vector<500x16xf32>
    %swap3A_319 = vector.shape_cast %concatenate3A_314 : vector<500x16xf32> to vector<1x500x16xf32>
    tpu.vector_store %arg24[%swap3A, %swap3A_315, %swap3A_316], %swap3A_319 {strides = array<i32>} : memref<1x500x16xf32, #tpu.memory_space<vmem>>, vector<1x500x16xf32>,
    return
  }
  func.func @transform_0(%arg0: i32) -> (i32, i32, i32) {
    %c0_i32 = arith.constant 0 : i32
    %c0_i32_0 = arith.constant 0 : i32
    %c0_i32_1 = arith.constant 0 : i32
    return %arg0, %c0_i32, %c0_i32_0 : i32, i32, i32
  }
  func.func @transform_1(%arg0: i32) -> (i32, i32) {
    %c0_i32 = arith.constant 0 : i32
    %c0_i32_0 = arith.constant 0 : i32
    %c0_i32_1 = arith.constant 0 : i32
    return %c0_i32, %c0_i32_0 : i32, i32
  }
  func.func @transform_2(%arg0: i32) -> (i32, i32) {
    %c0_i32 = arith.constant 0 : i32
    %c0_i32_0 = arith.constant 0 : i32
    %c0_i32_1 = arith.constant 0 : i32
    return %c0_i32, %c0_i32_0 : i32, i32
  }
  func.func @transform_3(%arg0: i32) -> (i32, i32) {
    %c0_i32 = arith.constant 0 : i32
    %c0_i32_0 = arith.constant 0 : i32
    %c0_i32_1 = arith.constant 0 : i32
    return %c0_i32, %c0_i32_0 : i32, i32
  }
  func.func @transform_4(%arg0: i32) -> (i32, i32) {
    %c0_i32 = arith.constant 0 : i32
    %c0_i32_0 = arith.constant 0 : i32
    %c0_i32_1 = arith.constant 0 : i32
    return %c0_i32, %c0_i32_0 : i32, i32
  }
  func.func @transform_5(%arg0: i32) -> (i32, i32) {
    %c0_i32 = arith.constant 0 : i32
    %c0_i32_0 = arith.constant 0 : i32
    %c0_i32_1 = arith.constant 0 : i32
    return %c0_i32, %c0_i32_0 : i32, i32
  }
  func.func @transform_6(%arg0: i32) -> (i32, i32) {
    %c0_i32 = arith.constant 0 : i32
    %c0_i32_0 = arith.constant 0 : i32
    %c0_i32_1 = arith.constant 0 : i32
    return %c0_i32, %c0_i32_0 : i32, i32
  }
  func.func @transform_7(%arg0: i32) -> (i32, i32) {
    %c0_i32 = arith.constant 0 : i32
    %c0_i32_0 = arith.constant 0 : i32
    %c0_i32_1 = arith.constant 0 : i32
    return %c0_i32, %c0_i32_0 : i32, i32
  }
  func.func @transform_8(%arg0: i32) -> (i32, i32) {
    %c0_i32 = arith.constant 0 : i32
    %c0_i32_0 = arith.constant 0 : i32
    %c0_i32_1 = arith.constant 0 : i32
    return %c0_i32, %c0_i32_0 : i32, i32
  }
  func.func @transform_9(%arg0: i32) -> (i32, i32) {
    %c0_i32 = arith.constant 0 : i32
    %c0_i32_0 = arith.constant 0 : i32
    %c0_i32_1 = arith.constant 0 : i32
    return %c0_i32, %c0_i32_0 : i32, i32
  }
  func.func @transform_10(%arg0: i32) -> (i32, i32) {
    %c0_i32 = arith.constant 0 : i32
    %c0_i32_0 = arith.constant 0 : i32
    %c0_i32_1 = arith.constant 0 : i32
    return %c0_i32, %c0_i32_0 : i32, i32
  }
  func.func @transform_11(%arg0: i32) -> (i32, i32) {
    %c0_i32 = arith.constant 0 : i32
    %c0_i32_0 = arith.constant 0 : i32
    %c0_i32_1 = arith.constant 0 : i32
    return %c0_i32, %c0_i32_0 : i32, i32
  }
  func.func @transform_12(%arg0: i32) -> (i32, i32) {
    %c0_i32 = arith.constant 0 : i32
    %c0_i32_0 = arith.constant 0 : i32
    %c0_i32_1 = arith.constant 0 : i32
    return %c0_i32, %c0_i32_0 : i32, i32
  }
  func.func @transform_13(%arg0: i32) -> (i32, i32) {
    %c0_i32 = arith.constant 0 : i32
    %c0_i32_0 = arith.constant 0 : i32
    %c0_i32_1 = arith.constant 0 : i32
    return %c0_i32, %c0_i32_0 : i32, i32
  }
  func.func @transform_14(%arg0: i32) -> (i32, i32) {
    %c0_i32 = arith.constant 0 : i32
    %c0_i32_0 = arith.constant 0 : i32
    %c0_i32_1 = arith.constant 0 : i32
    return %c0_i32, %c0_i32_0 : i32, i32
  }
  func.func @transform_15(%arg0: i32) -> (i32, i32) {
    %c0_i32 = arith.constant 0 : i32
    %c0_i32_0 = arith.constant 0 : i32
    %c0_i32_1 = arith.constant 0 : i32
    return %c0_i32, %c0_i32_0 : i32, i32
  }
  func.func @transform_16(%arg0: i32) -> (i32, i32) {
    %c0_i32 = arith.constant 0 : i32
    %c0_i32_0 = arith.constant 0 : i32
    %c0_i32_1 = arith.constant 0 : i32
    return %c0_i32, %c0_i32_0 : i32, i32
  }
  func.func @transform_17(%arg0: i32) -> (i32, i32) {
    %c0_i32 = arith.constant 0 : i32
    %c0_i32_0 = arith.constant 0 : i32
    %c0_i32_1 = arith.constant 0 : i32
    return %c0_i32, %c0_i32_0 : i32, i32
  }
  func.func @transform_18(%arg0: i32) -> (i32, i32) {
    %c0_i32 = arith.constant 0 : i32
    %c0_i32_0 = arith.constant 0 : i32
    %c0_i32_1 = arith.constant 0 : i32
    return %c0_i32, %c0_i32_0 : i32, i32
  }
  func.func @transform_19(%arg0: i32) -> (i32, i32) {
    %c0_i32 = arith.constant 0 : i32
    %c0_i32_0 = arith.constant 0 : i32
    %c0_i32_1 = arith.constant 0 : i32
    return %c0_i32, %c0_i32_0 : i32, i32
  }
  func.func @transform_20(%arg0: i32) -> (i32, i32) {
    %c0_i32 = arith.constant 0 : i32
    %c0_i32_0 = arith.constant 0 : i32
    %c0_i32_1 = arith.constant 0 : i32
    return %c0_i32, %c0_i32_0 : i32, i32
  }
  func.func @transform_21(%arg0: i32) -> (i32, i32) {
    %c0_i32 = arith.constant 0 : i32
    %c0_i32_0 = arith.constant 0 : i32
    %c0_i32_1 = arith.constant 0 : i32
    return %c0_i32, %c0_i32_0 : i32, i32
  }
  func.func @transform_22(%arg0: i32) -> (i32, i32) {
    %c0_i32 = arith.constant 0 : i32
    %c0_i32_0 = arith.constant 0 : i32
    %c0_i32_1 = arith.constant 0 : i32
    return %c0_i32, %c0_i32_0 : i32, i32
  }
  func.func @transform_23(%arg0: i32) -> (i32, i32, i32) {
    %c0_i32 = arith.constant 0 : i32
    %c0_i32_0 = arith.constant 0 : i32
    %c0_i32_1 = arith.constant 0 : i32
    return %arg0, %c0_i32, %c0_i32_0 : i32, i32, i32
  }
}

</mosaic_0001>

<sc_bundles>
// kernel: kernel.6.cloned.1.call-start
scs
__scs_entry_jumppad:
0x0: {  	(pc) =	sbr.rel $0x88, $3  }
0x1: {  	(tag) =	ssettag $0x0;
	lr =	simm.s32 $0x1  }
0x2: {  	[smem:$0x3F89] =	sst lr;
	_ =	strace $0xD0000000  }
0x3: {  	_ = 	snop  }
0x4: {  	_ = 	snop  }
0x5: {  	_ = 	snop  }
0x6: {  	_ = 	snop  }
0x7: {  	_ = 	snop  }
__scs_overlays_trampoline_lowered:
0x8: {  	[smem:$0x3F98] =	sst s0  }
0x9: {  	[smem:$0x3F99] =	sst s1  }
0xa: {  	[smem:$0x3F9A] =	sst s2  }
0xb: {  	[smem:$0x3F9B] =	sst s3  }
0xc: {  	[smem:$0x3F9C] =	sst s4  }
0xd: {  	[smem:$0x3F9D] =	sst s5  }
0xe: {  	[smem:$0x3F9E] =	sst s6  }
0xf: {  	[smem:$0x3F9F] =	sst s7  }
0x10: {  	[smem:$0x3FA0] =	sst s8  }
0x11: {  	[smem:$0x3FA1] =	sst s9;
	s0 =	simm.s32 @!p0 $0x0  }
0x12: {  	s1 =	sld [smem:$0x3F87];
	s0 =	simm.s32 @p0 $0x1  }
0x13: {  	[smem:$0x3FA2] =	sst s0;
	s0 =	simm.s32 @!p1 $0x0  }
0x14: {  	s2 =	sld [smem:$0x3F86];
	s0 =	simm.s32 @p1 $0x1  }
0x15: {  	[smem:$0x3FA3] =	sst s0;
	s0 =	simm.s32 @!p2 $0x0  }
0x16: {  	s3 =	sld [smem:$0x3FDB];
	s0 =	simm.s32 @p2 $0x1  }
0x17: {  	s4 =	simm.s32 $0x1BF5;
	[smem:$0x3FA5] =	sst s0  }
0x18: {  	s0 =	sld [smem:$0x3F88];
	_ =	swait.ge [sflag:s4], $0x0  }
0x19: {  	s7 =	sld [smem:$0x3F89]  }
0x1a: {  	s8 =	sadd.s32 $0xFFFFE003, lr  }
0x1b: {  	s9 =	sadd.s32 $0xFFFFFEF7, lr;
	s5 =	simm.s32 $0xFFFFFFFF;
	p2 =	slt.u32 s8, $0xFFFFF086  }
0x1c: {  	p1 =	slt.u32 s9, $0xF7A;
	s5 =	simm.s32 @!p2 $0x0  }
0x1d: {  	s5 =	simm.s32 @p1 $0x1;
	p0 =	seq.s32 s7, s2  }
0x1e: {  	s7 =	smul.u32 @!p0 $0xF7A, s2;
	p2 =	seq.s32 @!p0 s5, $0x0  }
0x1f: {  	s9 =	smul.u32 $0xF7A, s1;
	s8 =	simm.s32 @!p0 $0x1BF5;
	p2 =	por !p2, p0  }
0x20: {  	[sflag:s8] =	ssyncset.s32 @!p0 $0xFFFFF086;
	s6 =	sadd.s32 @!p0 s3, s7;
	s7 =	simm.s32 @!p0 $0x108  }
0x21: {  	s3 =	sadd.s32 s3, s9;
	s6 =	sadd.s32 @!p0 $0x88, s6;
	s7 =	simm.s32 @p2 $0x1082  }
0x22: {  	[simem:s7], [sflag:s8] =	dma.local @!p0 [hbm:s6], $0xF7A  }
0x23: {  	s9 =	sor.u32 $0xD0000000, s2;
	s6 =	simm.s32 $0x108;
	_ =	swait.ge @!p0 [sflag:s8], $0x0  }
0x24: {  	s3 =	sadd.s32 $0x88, s3;
	s6 =	simm.s32 @!p1 $0x1082;
	[sflag:s4] =	ssyncset.s32 $0xFFFFF086  }
0x25: {  	[simem:s6], [sflag:s4] =	dma.local [hbm:s3], $0xF7A  }
0x26: {  	[smem:$0x3F89] =	sst s1;
	(tag) =	ssettag s2;
	_ =	strace s9  }
0x27: {  	s1 =	sld [smem:$0x3F99]  }
0x28: {  	s2 =	sld [smem:$0x3F9A]  }
0x29: {  	s4 =	sld [smem:$0x3F9C]  }
0x2a: {  	p0 =	seq.s32 s5, $0x0;
	s5 =	sld [smem:$0x3F9D]  }
0x2b: {  	s6 =	sld [smem:$0x3F9E]  }
0x2c: {  	s7 =	sld [smem:$0x3F9F]  }
0x2d: {  	s3 =	simm.s32 $0x108;
	s8 =	sld [smem:$0x3FA0]  }
0x2e: {  	s3 =	simm.s32 @!p0 $0x1082;
	s9 =	sld [smem:$0x3FA1]  }
0x2f: {  	lr =	sadd.s32 s0, s3;
	s0 =	sld [smem:$0x3F98]  }
0x30: {  	s3 =	sld [smem:$0x3F9B]  }
0x31: {  	[smem:$0x3FA4] =	sst s10  }
0x32: {  	s10 =	sld [smem:$0x3FA2];
	_ =	sdelay $0x3  }
0x33: {  	p0 =	seq.s32 s10, $0x1;
	s10 =	sld [smem:$0x3FA4];
	_ =	sdelay $0x3  }
0x34: {  	[smem:$0x3FA4] =	sst s10  }
0x35: {  	s10 =	sld [smem:$0x3FA3];
	_ =	sdelay $0x3  }
0x36: {  	p1 =	seq.s32 s10, $0x1;
	s10 =	sld [smem:$0x3FA4];
	_ =	sdelay $0x3  }
0x37: {  	[smem:$0x3FA4] =	sst s10  }
0x38: {  	s10 =	sld [smem:$0x3FA5]  }
0x39: {  	_ = 	snop;
	(pc) =	sbr.ind lr, $3  }
0x3a: {  	_ = 	snop  }
0x3b: {  	_ = 	snop  }
0x3c: {  	p2 =	seq.s32 s10, $0x1;
	s10 =	sld [smem:$0x3FA4]  }
0x3d: {  	_ =	shalt  }
0x3e: {  	_ =	shalt  }
0x3f: {  	_ =	shalt  }
0x40: {  	_ =	shalt  }
0x41: {  	_ =	shalt  }
0x42: {  	_ =	shalt  }
0x43: {  	_ =	shalt  }
0x44: {  	_ =	shalt  }
0x45: {  	_ =	shalt  }
0x46: {  	_ =	shalt  }
0x47: {  	_ =	shalt  }
0x48: {  	_ =	shalt  }
0x49: {  	_ =	shalt  }
0x4a: {  	_ =	shalt  }
0x4b: {  	_ =	shalt  }
0x4c: {  	_ =	shalt  }
0x4d: {  	_ =	shalt  }
0x4e: {  	_ =	shalt  }
0x4f: {  	_ =	shalt  }
0x50: {  	_ =	shalt  }
0x51: {  	_ =	shalt  }
0x52: {  	_ =	shalt  }
0x53: {  	_ =	shalt  }
0x54: {  	_ =	shalt  }
0x55: {  	_ =	shalt  }
0x56: {  	_ =	shalt  }
0x57: {  	_ =	shalt  }
0x58: {  	_ =	shalt  }
0x59: {  	_ =	shalt  }
0x5a: {  	_ =	shalt  }
0x5b: {  	_ =	shalt  }
0x5c: {  	_ =	shalt  }
0x5d: {  	_ =	shalt  }
0x5e: {  	_ =	shalt  }
0x5f: {  	_ =	shalt  }
0x60: {  	_ =	shalt  }
0x61: {  	_ =	shalt  }
0x62: {  	_ =	shalt  }
0x63: {  	_ =	shalt  }
0x64: {  	_ =	shalt  }
0x65: {  	_ =	shalt  }
0x66: {  	_ =	shalt  }
0x67: {  	_ =	shalt  }
0x68: {  	_ =	shalt  }
0x69: {  	_ =	shalt  }
0x6a: {  	_ =	shalt  }
0x6b: {  	_ =	shalt  }
0x6c: {  	_ =	shalt  }
0x6d: {  	_ =	shalt  }
0x6e: {  	_ =	shalt  }
0x6f: {  	_ =	shalt  }
0x70: {  	_ =	shalt  }
0x71: {  	_ =	shalt  }
0x72: {  	_ =	shalt  }
0x73: {  	_ =	shalt  }
0x74: {  	_ =	shalt  }
0x75: {  	_ =	shalt  }
0x76: {  	_ =	shalt  }
0x77: {  	_ =	shalt  }
0x78: {  	_ =	shalt  }
0x79: {  	_ =	shalt  }
0x7a: {  	_ =	shalt  }
0x7b: {  	_ =	shalt  }
0x7c: {  	_ =	shalt  }
0x7d: {  	_ =	shalt  }
0x7e: {  	_ =	shalt  }
0x7f: {  	_ =	shalt  }
0x80: {  	_ =	shalt  }
0x81: {  	_ =	shalt  }
0x82: {  	_ =	shalt  }
0x83: {  	_ =	shalt  }
0x84: {  	_ =	shalt  }
0x85: {  	_ =	shalt  }
0x86: {  	_ =	shalt  }
0x87: {  	_ =	shalt  }
.Lfunc_end0:
.L_simem_size_0:
called_computation_lowered:
.L_overlay_start_0:
0x88: {  	s2 =	sld [smem:$0x3FD9]  }
0x89: {  	s3 =	sld [smem:$0x3FFE];
	_ =	sdelay $0x1  }
0x8a: {  	s1 =	srdreg.scid  }
0x8b: {  	s0 =	sand.u32 $0x1, s1  }
0x8c: {  	s17 =	sshll.u32 s0, $0xA;
	s2 =	sadd.s32 s3, s2  }
0x8d: {  	s2 =	sadd.s32 s2, s17  }
0x8e: {  	[smem:$0x3FB0] =	sst s2  }
0x8f: {  	_ = 	snop  }
0x90: {  	s2 =	sld [smem:$0x3FD0];
	(tm) =	ssettm $0x1  }
0x91: {  	s18 =	sld [smem:$0x3FFB];
	_ =	sdelay $0x3  }
0x92: {  	_ =	strace s18  }
0x93: {  	s3 =	sld [smem:$0x3FFC];
	_ =	sdelay $0x3  }
0x94: {  	_ =	strace s3  }
0x95: {  	s3 =	sld [smem:$0x3FFD];
	_ =	sdelay $0x3  }
0x96: {  	_ =	strace s3  }
0x97: {  	_ =	strace $0x8FFFFFFF  }
0x98: {  	s19 =	sld [smem:$0x3FDB];
	_ =	sdelay $0x1  }
0x99: {  	s4 =	simm.s32 $_scs_section_size  }
0x9a: {  	s5 =	simm.s32 $_size__tile_overlayer_lowered;
	s6 =	simm.s32 $_tile_overlayer_lowered  }
0x9b: {  	s22 =	simm.s32 $0x1BFF;
	s21 =	sshll.u32 s6, $0x1;
	s3 =	sadd.s32 s4, s19  }
0x9c: {  	s7 =	simm.s32 $0x0;
	s20 =	sshll.u32 s5, $0x1;
	s5 =	sadd.s32 s21, s3  }
0x9d: {  	[timem:s7], [sflag:s22] =	dma.local [hbm:s5], s20  }
0x9e: {  	_ =	swait.ge [sflag:s22], s20  }
0x9f: {  	s4 =	ssub.s32 $0x0, s20;
	[sflag:s22] =	ssyncset.done $0x0  }
0xa0: {  	[sflag:s22] =	ssyncadd.s32 s4;
	_ =	sdelay $0x1  }
0xa1: {  	s23 =	simm.s32 $0x1B8B  }
0xa2: {  	_ =	swait.ge [sflag:s23], $0x1  }
0xa3: {  	[sflag:s23] =	ssyncset.done $0x0  }
0xa4: {  	s25 =	simm.s32 $0x1B8E;
	s24 =	sld [smem:$0x3FFE];
	[sflag:s23] =	ssyncadd.s32 $0xFFFFFFFF  }
0xa5: {  	s26 =	simm.s32 $execute0_lowered;
	[smem:$0x3FD2] =	sst s25  }
0xa6: {  	s5 =	sshll.u32 s26, $0x1;
	_ =	strace $0x80000046;
	[dreg:$0x1] =	wrdreg $0xFFFFFFFF  }
0xa7: {  	s28 =	simm.s32 $_size_execute0_lowered;
	s3 =	sadd.s32 s3, s5;
	[dreg:$0x0] =	wrdreg $0x0  }
0xa8: {  	s5 =	sshll.u32 s28, $0x1;
	[dreg:$0x2] =	wrdreg s3  }
0xa9: {  	[dreg:$0x3] =	wrdreg s5  }
0xaa: {  	[dreg:$0x4] =	wrdreg $0xC0  }
0xab: {  	_ =	task [dreg:s7], $0x5FFFF  }
0xac: {  	[dreg:$0x1] =	wrdreg $0xFFFFFFFF  }
0xad: {  	[dreg:$0x0] =	wrdreg $0x60  }
0xae: {  	[dreg:$0x2] =	wrdreg s2  }
0xaf: {  	[dreg:$0x3] =	wrdreg s24  }
0xb0: {  	[dreg:$0x4] =	wrdreg $0x9  }
0xb1: {  	_ =	task.clear_ibuf [dreg:s7], $0x5FFFF;
	_ =	strace $0x90000046  }
0xb2: {  	s29 =	simm.s32 $0x9;
	_ =	strace $0x80000048  }
0xb3: {  	_ =	swait.ge [sflag:s29], $0x1  }
0xb4: {  	[sflag:s29] =	ssyncadd.s32 $0xFFFFFFFF  }
0xb5: {  	_ =	strace $0x90000048  }
0xb6: {  	_ =	sfence  }
0xb7: {  	s30 =	sld [smem:$0x0];
	_ =	sdelay $0x2  }
0xb8: {  	s31 =	sshll.u32 s1, $0xD;
	s1 =	sshrl.u32 s1, $0x2  }
0xb9: {  	s3 =	sand.u32 $0x4000, s31;
	s1 =	sadd.s32 s1, s30  }
0xba: {  	s0 =	sor.u32 s3, s0;
	s1 =	sshll.u32 s1, $0x11  }
0xbb: {  	s0 =	sor.u32 s1, s0  }
0xbc: {  	s0 =	sadd.s32 $0x8F2B, s0  }
0xbd: {  	[sflag:s0] =	ssyncadd.remote.s32 $0x1  }
0xbe: {  	_ =	sfence.sel $0xFFFF  }
0xbf: {  	[dreg:$0x0] =	wrdreg $0xFFFFFFFF;
	(pc) =	sbr.abs _section_cstart, $3  }
0xc0: {  	[dreg:$0x1] =	wrdreg $0xFFFFFFFF  }
0xc1: {  	_ =	task.clear_ibuf [dreg:s7], $0x2FFFF;
	_ =	strace $0x9FFFFFFF  }
0xc2: {  	(tm) =	ssettm $0x7FFFFFFF  }
0xc3: {  	_ =	shalt  }
tec
execute0_lowered:
.L_overlay_start_1:
0x0: {  	(tag) =	ssettag $0x1  }
0x1: {  	s0 =	srdreg.scid  }
0x2: {  	s1 =	stileid.u32;
	s2 =	rddreg [dreg:$0x0]  }
0x3: {  	s3 =	rddreg [dreg:$0x1];
	s4 =	simm.s32 $0x0;
	s25 =	simm.s32 $0xD20  }
0x4: {  	s7 =	simm.s32 $0x620;
	s26 =	simm.s32 $0xE0;
	s10 =	simm.s32 $0x150  }
0x5: {  	s11 =	simm.s32 $0x1B20;
	s12 =	simm.s32 $0x1C0;
	s13 =	simm.s32 $0x2220  }
0x6: {  	s14 =	simm.s32 $0x230;
	s15 =	simm.s32 $0x2920;
	s16 =	simm.s32 $0x2A0  }
0x7: {  	s17 =	simm.s32 $0x3020;
	s18 =	simm.s32 $0x310;
	s19 =	simm.s32 $0x3720  }
0x8: {  	s20 =	simm.s32 $0x380;
	s21 =	simm.s32 $0x3E20;
	s22 =	simm.s32 $0x3F0  }
0x9: {  	s23 =	simm.s32 $0x4520;
	s24 =	simm.s32 $0x460;
	p0 =	por $0x0, $0x0  }
0xa: {  	s28 =	simm.s32 $0x5320;
	s0 =	sand.u32 $0x1, s0;
	s1 =	sshll.u32 s1, $0x1  }
0xb: {  	s29 =	simm.s32 $0x540;
	s1 =	sor.u32 s0, s1;
	s0 =	ssub.s32 $0x2, s0  }
0xc: {  	s30 =	simm.s32 $0x5A20;
	s31 =	simm.s32 $0x5B0;
	s6 =	sshrl.u32 s0, $0x1  }
0xd: {  	s9 =	simm.s32 $0x6120;
	[smem:$0x7FF] =	sst s4;
	s0 =	ssub.s32 s0, s6  }
0xe: {  	_ =	strace $0x80000047;
	s5 =	smul.u32 $0xC4, s1;
	s0 =	smax.u32 s0, $0x1  }
0xf: {  	[dreg:$0x5] =	wrdreg s25;
	s1 =	smul.u32 $0xC40, s1;
	p1 =	sne.s32 s0, $0x1  }
.Ltmp0:
0x10: {  	[dreg:$0x6] =	wrdreg s26;
	s25 =	simm.s32 $0x4C20;
	(pc) =	sbr.rel @!p1 .LBB2_1-.Ltmp0, $4  }
0x11: {  	s26 =	simm.s32 $0x4D0;
	s5 =	sadd.s32 s5, s3;
	s1 =	sadd.s32 s2, s1  }
0x12: {  	s6 =	simm.s32 $0x2;
	s5 =	sadd.s32 $0x4E00, s5;
	[dreg:$0x4] =	wrdreg s1  }
0x13: {  	s3 =	sadd.s32 $0x8200, s3;
	s2 =	simm.s32 $0x1;
	[dreg:$0x3] =	wrdreg s5  }
0x14: {  	s8 =	sadd.s32 $0xFFFFFFFF, s0;
	s5 =	simm.s32 $0x70;
	s0 =	rddreg [dreg:$0x3]  }
0x15: {  	[tilespmem:s4], [sflag:$0x2] =	stream.linear.gather [hbm4b:s0+s4], $0x620, $0x38;
	[tilespmem:$0x6820] =	vst v63  }
0x16: {  	_ =	swait.ge [sflag:s6], $0x620  }
0x17: {  	[sflag:s6] =	ssyncset.done $0x0  }
0x18: {  	s1 =	rddreg [dreg:$0x4];
	[sflag:s6] =	ssyncadd.s32 $0xFFFFF9E0  }
0x19: {  	[tilespmem:s7], [sflag:$0x2] =	stream.linear.gather [hbm4b:s1+s4], $0x6200, $0x38;
	[tilespmem:$0x6820] =	vst v63  }
0x1a: {  	_ =	swait.ge [sflag:s6], $0x6200  }
0x1b: {  	[sflag:s6] =	ssyncset.done $0x0  }
0x1c: {  	[sflag:s6] =	ssyncadd.s32 $0xFFFF9E00  }
0x1d: {  	[hbm4b:s3+s5] =	stream.indirect.scatter [tilespmem:s7], [sflag:$0x1], $0x10, s4, s5, $0xb8;
	[tilespmem:$0x6820] =	vst v63  }
0x1e: {  	s0 =	rddreg [dreg:$0x5]  }
0x1f: {  	[hbm4b:s3+s5] =	stream.indirect.scatter [tilespmem:s0], [sflag:$0x1], $0x10, s5, s5, $0xb8;
	[tilespmem:$0x6820] =	vst v63  }
0x20: {  	s1 =	rddreg [dreg:$0x6];
	s0 =	simm.s32 $0x1420  }
0x21: {  	[hbm4b:s3+s5] =	stream.indirect.scatter [tilespmem:s0], [sflag:$0x1], $0x10, s1, s5, $0xb8;
	[tilespmem:$0x6820] =	vst v63  }
0x22: {  	_ = 	snop  }
0x23: {  	[hbm4b:s3+s5] =	stream.indirect.scatter [tilespmem:s11], [sflag:$0x1], $0x10, s10, s5, $0xb8;
	[tilespmem:$0x6820] =	vst v63  }
0x24: {  	_ = 	snop  }
0x25: {  	[hbm4b:s3+s5] =	stream.indirect.scatter [tilespmem:s13], [sflag:$0x1], $0x10, s12, s5, $0xb8;
	[tilespmem:$0x6820] =	vst v63  }
0x26: {  	_ = 	snop  }
0x27: {  	[hbm4b:s3+s5] =	stream.indirect.scatter [tilespmem:s15], [sflag:$0x1], $0x10, s14, s5, $0xb8;
	[tilespmem:$0x6820] =	vst v63  }
0x28: {  	_ = 	snop  }
0x29: {  	[hbm4b:s3+s5] =	stream.indirect.scatter [tilespmem:s17], [sflag:$0x1], $0x10, s16, s5, $0xb8;
	[tilespmem:$0x6820] =	vst v63  }
0x2a: {  	_ = 	snop  }
0x2b: {  	[hbm4b:s3+s5] =	stream.indirect.scatter [tilespmem:s19], [sflag:$0x1], $0x10, s18, s5, $0xb8;
	[tilespmem:$0x6820] =	vst v63  }
0x2c: {  	_ = 	snop  }
0x2d: {  	[hbm4b:s3+s5] =	stream.indirect.scatter [tilespmem:s21], [sflag:$0x1], $0x10, s20, s5, $0xb8;
	[tilespmem:$0x6820] =	vst v63  }
0x2e: {  	_ = 	snop  }
0x2f: {  	[hbm4b:s3+s5] =	stream.indirect.scatter [tilespmem:s23], [sflag:$0x1], $0x10, s22, s5, $0xb8;
	[tilespmem:$0x6820] =	vst v63  }
0x30: {  	_ = 	snop  }
0x31: {  	[hbm4b:s3+s5] =	stream.indirect.scatter [tilespmem:s25], [sflag:$0x1], $0x10, s24, s5, $0xb8;
	[tilespmem:$0x6820] =	vst v63  }
0x32: {  	_ = 	snop  }
0x33: {  	[hbm4b:s3+s5] =	stream.indirect.scatter [tilespmem:s28], [sflag:$0x1], $0x10, s26, s5, $0xb8;
	[tilespmem:$0x6820] =	vst v63  }
0x34: {  	_ = 	snop  }
0x35: {  	[hbm4b:s3+s5] =	stream.indirect.scatter [tilespmem:s30], [sflag:$0x1], $0x10, s29, s5, $0xb8;
	[tilespmem:$0x6820] =	vst v63  }
0x36: {  	_ = 	snop  }
0x37: {  	[hbm4b:s3+s5] =	stream.indirect.scatter [tilespmem:s9], [sflag:$0x1], $0x10, s31, s5, $0xb8;
	[tilespmem:$0x6820] =	vst v63  }
0x38: {  	_ =	swait.ge [sflag:s2], $0x700  }
0x39: {  	[sflag:s2] =	ssyncset.done $0x0  }
0x3a: {  	[sflag:s2] =	ssyncadd.s32 $0xFFFFF900  }
0x3b: {  	_ =	swait.ge [sflag:s2], $0x700  }
0x3c: {  	[sflag:s2] =	ssyncset.done $0x0  }
0x3d: {  	[sflag:s2] =	ssyncadd.s32 $0xFFFFF900  }
0x3e: {  	_ =	swait.ge [sflag:s2], $0x700  }
0x3f: {  	[sflag:s2] =	ssyncset.done $0x0  }
0x40: {  	[sflag:s2] =	ssyncadd.s32 $0xFFFFF900  }
0x41: {  	_ =	swait.ge [sflag:s2], $0x700  }
0x42: {  	[sflag:s2] =	ssyncset.done $0x0  }
0x43: {  	[sflag:s2] =	ssyncadd.s32 $0xFFFFF900  }
0x44: {  	_ =	swait.ge [sflag:s2], $0x700  }
0x45: {  	[sflag:s2] =	ssyncset.done $0x0  }
0x46: {  	[sflag:s2] =	ssyncadd.s32 $0xFFFFF900  }
0x47: {  	_ =	swait.ge [sflag:s2], $0x700  }
0x48: {  	[sflag:s2] =	ssyncset.done $0x0  }
0x49: {  	[sflag:s2] =	ssyncadd.s32 $0xFFFFF900  }
0x4a: {  	_ =	swait.ge [sflag:s2], $0x700  }
0x4b: {  	[sflag:s2] =	ssyncset.done $0x0  }
0x4c: {  	[sflag:s2] =	ssyncadd.s32 $0xFFFFF900  }
0x4d: {  	_ =	swait.ge [sflag:s2], $0x700  }
0x4e: {  	[sflag:s2] =	ssyncset.done $0x0  }
0x4f: {  	[sflag:s2] =	ssyncadd.s32 $0xFFFFF900  }
0x50: {  	_ =	swait.ge [sflag:s2], $0x700  }
0x51: {  	[sflag:s2] =	ssyncset.done $0x0  }
0x52: {  	[sflag:s2] =	ssyncadd.s32 $0xFFFFF900  }
0x53: {  	_ =	swait.ge [sflag:s2], $0x700  }
0x54: {  	[sflag:s2] =	ssyncset.done $0x0  }
0x55: {  	[sflag:s2] =	ssyncadd.s32 $0xFFFFF900  }
0x56: {  	_ =	swait.ge [sflag:s2], $0x700  }
0x57: {  	[sflag:s2] =	ssyncset.done $0x0  }
0x58: {  	[sflag:s2] =	ssyncadd.s32 $0xFFFFF900  }
0x59: {  	_ =	swait.ge [sflag:s2], $0x700  }
0x5a: {  	[sflag:s2] =	ssyncset.done $0x0  }
0x5b: {  	p1 =	sne.s32 s8, $0x1;
	[sflag:s2] =	ssyncadd.s32 $0xFFFFF900  }
.Ltmp1:
0x5c: {  	_ =	swait.ge [sflag:s2], $0x700;
	(pc) =	sbr.rel @!p1 .LBB2_3-.Ltmp1, $4  }
0x5d: {  	[sflag:s2] =	ssyncset.done $0x0  }
0x5e: {  	[sflag:s2] =	ssyncadd.s32 $0xFFFFF900  }
0x5f: {  	p0 =	por $0x1, $0x1;
	_ =	swait.ge [sflag:s2], $0x700  }
0x60: {  	s1 =	sadd.s32 $0xFFFFFFFF, s8;
	s0 =	rddreg [dreg:$0x3];
	[sflag:s2] =	ssyncset.done $0x0  }
.LBB2_4:
0x61: {  	[sflag:s2] =	ssyncadd.s32 $0xFFFFF900  }
0x62: {  	[tilespmem:s4], [sflag:$0x2] =	stream.linear.gather [hbm4b:s0+s4], $0x620, $0x38;
	[tilespmem:$0x6820] =	vst v63  }
0x63: {  	_ =	swait.ge [sflag:s6], $0x620  }
0x64: {  	[sflag:s6] =	ssyncset.done $0x0  }
0x65: {  	s8 =	rddreg [dreg:$0x4];
	[sflag:s6] =	ssyncadd.s32 $0xFFFFF9E0  }
0x66: {  	[tilespmem:s7], [sflag:$0x2] =	stream.linear.gather [hbm4b:s8+s4], $0x6200, $0x38;
	[tilespmem:$0x6820] =	vst v63  }
0x67: {  	_ =	swait.ge [sflag:s6], $0x6200  }
0x68: {  	[sflag:s6] =	ssyncset.done $0x0  }
0x69: {  	[sflag:s6] =	ssyncadd.s32 $0xFFFF9E00  }
0x6a: {  	[hbm4b:s3+s5] =	stream.indirect.scatter [tilespmem:s7], [sflag:$0x1], $0x10, s4, s5, $0xb8;
	[tilespmem:$0x6820] =	vst v63  }
0x6b: {  	s0 =	rddreg [dreg:$0x5]  }
0x6c: {  	[hbm4b:s3+s5] =	stream.indirect.scatter [tilespmem:s0], [sflag:$0x1], $0x10, s5, s5, $0xb8;
	[tilespmem:$0x6820] =	vst v63  }
0x6d: {  	s8 =	rddreg [dreg:$0x6];
	s0 =	simm.s32 $0x1420  }
0x6e: {  	[hbm4b:s3+s5] =	stream.indirect.scatter [tilespmem:s0], [sflag:$0x1], $0x10, s8, s5, $0xb8;
	[tilespmem:$0x6820] =	vst v63  }
0x6f: {  	_ = 	snop  }
0x70: {  	[hbm4b:s3+s5] =	stream.indirect.scatter [tilespmem:s11], [sflag:$0x1], $0x10, s10, s5, $0xb8;
	[tilespmem:$0x6820] =	vst v63  }
0x71: {  	_ = 	snop  }
0x72: {  	[hbm4b:s3+s5] =	stream.indirect.scatter [tilespmem:s13], [sflag:$0x1], $0x10, s12, s5, $0xb8;
	[tilespmem:$0x6820] =	vst v63  }
0x73: {  	_ = 	snop  }
0x74: {  	[hbm4b:s3+s5] =	stream.indirect.scatter [tilespmem:s15], [sflag:$0x1], $0x10, s14, s5, $0xb8;
	[tilespmem:$0x6820] =	vst v63  }
0x75: {  	_ = 	snop  }
0x76: {  	[hbm4b:s3+s5] =	stream.indirect.scatter [tilespmem:s17], [sflag:$0x1], $0x10, s16, s5, $0xb8;
	[tilespmem:$0x6820] =	vst v63  }
0x77: {  	_ = 	snop  }
0x78: {  	[hbm4b:s3+s5] =	stream.indirect.scatter [tilespmem:s19], [sflag:$0x1], $0x10, s18, s5, $0xb8;
	[tilespmem:$0x6820] =	vst v63  }
0x79: {  	_ = 	snop  }
0x7a: {  	[hbm4b:s3+s5] =	stream.indirect.scatter [tilespmem:s21], [sflag:$0x1], $0x10, s20, s5, $0xb8;
	[tilespmem:$0x6820] =	vst v63  }
0x7b: {  	_ = 	snop  }
0x7c: {  	[hbm4b:s3+s5] =	stream.indirect.scatter [tilespmem:s23], [sflag:$0x1], $0x10, s22, s5, $0xb8;
	[tilespmem:$0x6820] =	vst v63  }
0x7d: {  	_ = 	snop  }
0x7e: {  	[hbm4b:s3+s5] =	stream.indirect.scatter [tilespmem:s25], [sflag:$0x1], $0x10, s24, s5, $0xb8;
	[tilespmem:$0x6820] =	vst v63  }
0x7f: {  	_ = 	snop  }
0x80: {  	[hbm4b:s3+s5] =	stream.indirect.scatter [tilespmem:s28], [sflag:$0x1], $0x10, s26, s5, $0xb8;
	[tilespmem:$0x6820] =	vst v63  }
0x81: {  	_ = 	snop  }
0x82: {  	[hbm4b:s3+s5] =	stream.indirect.scatter [tilespmem:s30], [sflag:$0x1], $0x10, s29, s5, $0xb8;
	[tilespmem:$0x6820] =	vst v63  }
0x83: {  	_ = 	snop  }
0x84: {  	[hbm4b:s3+s5] =	stream.indirect.scatter [tilespmem:s9], [sflag:$0x1], $0x10, s31, s5, $0xb8;
	[tilespmem:$0x6820] =	vst v63  }
0x85: {  	_ =	swait.ge [sflag:s2], $0x700  }
0x86: {  	[sflag:s2] =	ssyncset.done $0x0  }
0x87: {  	[sflag:s2] =	ssyncadd.s32 $0xFFFFF900  }
0x88: {  	_ =	swait.ge [sflag:s2], $0x700  }
0x89: {  	[sflag:s2] =	ssyncset.done $0x0  }
0x8a: {  	[sflag:s2] =	ssyncadd.s32 $0xFFFFF900  }
0x8b: {  	_ =	swait.ge [sflag:s2], $0x700  }
0x8c: {  	[sflag:s2] =	ssyncset.done $0x0  }
0x8d: {  	[sflag:s2] =	ssyncadd.s32 $0xFFFFF900  }
0x8e: {  	_ =	swait.ge [sflag:s2], $0x700  }
0x8f: {  	[sflag:s2] =	ssyncset.done $0x0  }
0x90: {  	[sflag:s2] =	ssyncadd.s32 $0xFFFFF900  }
0x91: {  	_ =	swait.ge [sflag:s2], $0x700  }
0x92: {  	[sflag:s2] =	ssyncset.done $0x0  }
0x93: {  	[sflag:s2] =	ssyncadd.s32 $0xFFFFF900  }
0x94: {  	_ =	swait.ge [sflag:s2], $0x700  }
0x95: {  	[sflag:s2] =	ssyncset.done $0x0  }
0x96: {  	[sflag:s2] =	ssyncadd.s32 $0xFFFFF900  }
0x97: {  	_ =	swait.ge [sflag:s2], $0x700  }
0x98: {  	[sflag:s2] =	ssyncset.done $0x0  }
0x99: {  	[sflag:s2] =	ssyncadd.s32 $0xFFFFF900  }
0x9a: {  	_ =	swait.ge [sflag:s2], $0x700  }
0x9b: {  	[sflag:s2] =	ssyncset.done $0x0  }
0x9c: {  	[sflag:s2] =	ssyncadd.s32 $0xFFFFF900  }
0x9d: {  	_ =	swait.ge [sflag:s2], $0x700  }
0x9e: {  	[sflag:s2] =	ssyncset.done $0x0  }
0x9f: {  	[sflag:s2] =	ssyncadd.s32 $0xFFFFF900  }
0xa0: {  	_ =	swait.ge [sflag:s2], $0x700  }
0xa1: {  	[sflag:s2] =	ssyncset.done $0x0  }
0xa2: {  	[sflag:s2] =	ssyncadd.s32 $0xFFFFF900  }
0xa3: {  	_ =	swait.ge [sflag:s2], $0x700  }
0xa4: {  	[sflag:s2] =	ssyncset.done $0x0  }
0xa5: {  	[sflag:s2] =	ssyncadd.s32 $0xFFFFF900  }
0xa6: {  	_ =	swait.ge [sflag:s2], $0x700  }
0xa7: {  	[sflag:s2] =	ssyncset.done $0x0  }
0xa8: {  	p1 =	sne.s32 s1, $0x1;
	[sflag:s2] =	ssyncadd.s32 $0xFFFFF900  }
.Ltmp2:
0xa9: {  	_ =	swait.ge [sflag:s2], $0x700;
	(pc) =	sbr.rel @p1 .LBB2_4-.Ltmp2, $4  }
0xaa: {  	[sflag:s2] =	ssyncset.done $0x0  }
0xab: {  	[sflag:s2] =	ssyncadd.s32 $0xFFFFF900  }
0xac: {  	_ =	swait.ge [sflag:s2], $0x700  }
0xad: {  	s1 =	sadd.s32 $0xFFFFFFFF, s1;
	s0 =	rddreg [dreg:$0x3];
	[sflag:s2] =	ssyncset.done $0x0  }
0xae: {  	s8 =	simm.s32 $0x6120;
	s31 =	simm.s32 $0x5B0  }
0xaf: {  	s30 =	simm.s32 $0x5A20;
	s29 =	simm.s32 $0x540;
	s28 =	simm.s32 $0x5320  }
0xb0: {  	s26 =	simm.s32 $0x4D0;
	s25 =	simm.s32 $0x4C20;
	s24 =	simm.s32 $0x460  }
0xb1: {  	s23 =	simm.s32 $0x4520;
	s22 =	simm.s32 $0x3F0;
	s21 =	simm.s32 $0x3E20  }
0xb2: {  	s20 =	simm.s32 $0x380;
	s19 =	simm.s32 $0x3720;
	s18 =	simm.s32 $0x310  }
0xb3: {  	s17 =	simm.s32 $0x3020;
	s16 =	simm.s32 $0x2A0;
	s15 =	simm.s32 $0x2920  }
0xb4: {  	s14 =	simm.s32 $0x230;
	s13 =	simm.s32 $0x2220;
	s12 =	simm.s32 $0x1C0  }
0xb5: {  	s11 =	simm.s32 $0x1B20;
	s10 =	simm.s32 $0x150;
	s9 =	simm.s32 $0x1420  }
.LBB2_6:
0xb6: {  	[sflag:s2] =	ssyncadd.s32 @p0 $0xFFFFF900  }
0xb7: {  	[tilespmem:s4], [sflag:$0x2] =	stream.linear.gather [hbm4b:s0+s4], $0x620, $0x38;
	[tilespmem:$0x6820] =	vst v63  }
0xb8: {  	_ =	swait.ge [sflag:s6], $0x620  }
0xb9: {  	[sflag:s6] =	ssyncset.done $0x0  }
0xba: {  	s1 =	rddreg [dreg:$0x4];
	[sflag:s6] =	ssyncadd.s32 $0xFFFFF9E0  }
0xbb: {  	[tilespmem:s7], [sflag:$0x2] =	stream.linear.gather [hbm4b:s1+s4], $0x6200, $0x38;
	[tilespmem:$0x6820] =	vst v63  }
0xbc: {  	_ =	swait.ge [sflag:s6], $0x6200  }
0xbd: {  	[sflag:s6] =	ssyncset.done $0x0  }
0xbe: {  	[sflag:s6] =	ssyncadd.s32 $0xFFFF9E00  }
0xbf: {  	[hbm4b:s3+s5] =	stream.indirect.scatter [tilespmem:s7], [sflag:$0x1], $0x10, s4, s5, $0xb8;
	[tilespmem:$0x6820] =	vst v63  }
0xc0: {  	s6 =	rddreg [dreg:$0x5]  }
0xc1: {  	[hbm4b:s3+s5] =	stream.indirect.scatter [tilespmem:s6], [sflag:$0x1], $0x10, s5, s5, $0xb8;
	[tilespmem:$0x6820] =	vst v63  }
0xc2: {  	s1 =	rddreg [dreg:$0x6]  }
0xc3: {  	[hbm4b:s3+s5] =	stream.indirect.scatter [tilespmem:s9], [sflag:$0x1], $0x10, s1, s5, $0xb8;
	[tilespmem:$0x6820] =	vst v63  }
0xc4: {  	_ = 	snop  }
0xc5: {  	[hbm4b:s3+s5] =	stream.indirect.scatter [tilespmem:s11], [sflag:$0x1], $0x10, s10, s5, $0xb8;
	[tilespmem:$0x6820] =	vst v63  }
0xc6: {  	_ = 	snop  }
0xc7: {  	[hbm4b:s3+s5] =	stream.indirect.scatter [tilespmem:s13], [sflag:$0x1], $0x10, s12, s5, $0xb8;
	[tilespmem:$0x6820] =	vst v63  }
0xc8: {  	_ = 	snop  }
0xc9: {  	[hbm4b:s3+s5] =	stream.indirect.scatter [tilespmem:s15], [sflag:$0x1], $0x10, s14, s5, $0xb8;
	[tilespmem:$0x6820] =	vst v63  }
0xca: {  	_ = 	snop  }
0xcb: {  	[hbm4b:s3+s5] =	stream.indirect.scatter [tilespmem:s17], [sflag:$0x1], $0x10, s16, s5, $0xb8;
	[tilespmem:$0x6820] =	vst v63  }
0xcc: {  	_ = 	snop  }
0xcd: {  	[hbm4b:s3+s5] =	stream.indirect.scatter [tilespmem:s19], [sflag:$0x1], $0x10, s18, s5, $0xb8;
	[tilespmem:$0x6820] =	vst v63  }
0xce: {  	_ = 	snop  }
0xcf: {  	[hbm4b:s3+s5] =	stream.indirect.scatter [tilespmem:s21], [sflag:$0x1], $0x10, s20, s5, $0xb8;
	[tilespmem:$0x6820] =	vst v63  }
0xd0: {  	_ = 	snop  }
0xd1: {  	[hbm4b:s3+s5] =	stream.indirect.scatter [tilespmem:s23], [sflag:$0x1], $0x10, s22, s5, $0xb8;
	[tilespmem:$0x6820] =	vst v63  }
0xd2: {  	_ = 	snop  }
0xd3: {  	[hbm4b:s3+s5] =	stream.indirect.scatter [tilespmem:s25], [sflag:$0x1], $0x10, s24, s5, $0xb8;
	[tilespmem:$0x6820] =	vst v63  }
0xd4: {  	_ = 	snop  }
0xd5: {  	[hbm4b:s3+s5] =	stream.indirect.scatter [tilespmem:s28], [sflag:$0x1], $0x10, s26, s5, $0xb8;
	[tilespmem:$0x6820] =	vst v63  }
0xd6: {  	_ = 	snop  }
0xd7: {  	[hbm4b:s3+s5] =	stream.indirect.scatter [tilespmem:s30], [sflag:$0x1], $0x10, s29, s5, $0xb8;
	[tilespmem:$0x6820] =	vst v63  }
0xd8: {  	_ = 	snop  }
0xd9: {  	[hbm4b:s3+s5] =	stream.indirect.scatter [tilespmem:s8], [sflag:$0x1], $0x10, s31, s5, $0xb8;
	[tilespmem:$0x6820] =	vst v63  }
0xda: {  	_ =	swait.ge [sflag:s2], $0x700  }
0xdb: {  	[sflag:s2] =	ssyncset.done $0x0  }
0xdc: {  	[sflag:s2] =	ssyncadd.s32 $0xFFFFF900  }
0xdd: {  	_ =	swait.ge [sflag:s2], $0x700  }
0xde: {  	[sflag:s2] =	ssyncset.done $0x0  }
0xdf: {  	[sflag:s2] =	ssyncadd.s32 $0xFFFFF900  }
0xe0: {  	_ =	swait.ge [sflag:s2], $0x700  }
0xe1: {  	[sflag:s2] =	ssyncset.done $0x0  }
0xe2: {  	[sflag:s2] =	ssyncadd.s32 $0xFFFFF900  }
0xe3: {  	_ =	swait.ge [sflag:s2], $0x700  }
0xe4: {  	[sflag:s2] =	ssyncset.done $0x0  }
0xe5: {  	[sflag:s2] =	ssyncadd.s32 $0xFFFFF900  }
0xe6: {  	_ =	swait.ge [sflag:s2], $0x700  }
0xe7: {  	[sflag:s2] =	ssyncset.done $0x0  }
0xe8: {  	[sflag:s2] =	ssyncadd.s32 $0xFFFFF900  }
0xe9: {  	_ =	swait.ge [sflag:s2], $0x700  }
0xea: {  	[sflag:s2] =	ssyncset.done $0x0  }
0xeb: {  	[sflag:s2] =	ssyncadd.s32 $0xFFFFF900  }
0xec: {  	_ =	swait.ge [sflag:s2], $0x700  }
0xed: {  	[sflag:s2] =	ssyncset.done $0x0  }
0xee: {  	[sflag:s2] =	ssyncadd.s32 $0xFFFFF900  }
0xef: {  	_ =	swait.ge [sflag:s2], $0x700  }
0xf0: {  	[sflag:s2] =	ssyncset.done $0x0  }
0xf1: {  	[sflag:s2] =	ssyncadd.s32 $0xFFFFF900  }
0xf2: {  	_ =	swait.ge [sflag:s2], $0x700  }
0xf3: {  	[sflag:s2] =	ssyncset.done $0x0  }
0xf4: {  	[sflag:s2] =	ssyncadd.s32 $0xFFFFF900  }
0xf5: {  	_ =	swait.ge [sflag:s2], $0x700  }
0xf6: {  	[sflag:s2] =	ssyncset.done $0x0  }
0xf7: {  	[sflag:s2] =	ssyncadd.s32 $0xFFFFF900  }
0xf8: {  	_ =	swait.ge [sflag:s2], $0x700  }
0xf9: {  	[sflag:s2] =	ssyncset.done $0x0  }
0xfa: {  	[sflag:s2] =	ssyncadd.s32 $0xFFFFF900  }
0xfb: {  	_ =	swait.ge [sflag:s2], $0x700  }
0xfc: {  	[sflag:s2] =	ssyncset.done $0x0  }
0xfd: {  	[sflag:s2] =	ssyncadd.s32 $0xFFFFF900  }
0xfe: {  	_ =	swait.ge [sflag:s2], $0x700  }
0xff: {  	[sflag:s2] =	ssyncset.done $0x0  }
0x100: {  	[sflag:s2] =	ssyncadd.s32 $0xFFFFF900  }
0x101: {  	_ =	swait.ge [sflag:s2], $0x700  }
0x102: {  	[sflag:s2] =	ssyncset.done $0x0  }
0x103: {  	[sflag:s2] =	ssyncadd.s32 $0xFFFFF900  }
0x104: {  	_ =	sfence.sel $0x180000  }
0x105: {  	[bflag:$0x0] =	sbarrier.arrive $0xFFFF  }
0x106: {  	_ =	strace $0x90000047  }
0x107: {  	s31 =	stileid.u32;
	[bflag:$0x2] =	sbarrier.arrive $0xFFFF  }
0x108: {  	p0 =	sne.s32 s31, $0x0;
	s0 =	rddreg [dreg:$0x2]  }
0x109: {  	s0 =	sadd.s32 @!p0 $0x100000, s0  }
0x10a: {  	[sflag:s0] =	ssyncadd.tile.s32 @!p0 $0x1;
	_ =	shalt  }
.LBB2_1:
0x10b: {  	s8 =	simm.s32 $0x6120;
	s31 =	simm.s32 $0x5B0;
	s30 =	simm.s32 $0x5A20  }
0x10c: {  	s29 =	simm.s32 $0x540;
	s28 =	simm.s32 $0x5320;
	s26 =	simm.s32 $0x4D0  }
0x10d: {  	s25 =	simm.s32 $0x4C20;
	s24 =	simm.s32 $0x460;
	s23 =	simm.s32 $0x4520  }
.Ltmp3:
0x10e: {  	s22 =	simm.s32 $0x3F0;
	s21 =	simm.s32 $0x3E20;
	(pc) =	sbr.rel .LBB2_6-.Ltmp3, $4  }
0x10f: {  	s20 =	simm.s32 $0x380;
	s19 =	simm.s32 $0x3720;
	s18 =	simm.s32 $0x310  }
0x110: {  	s17 =	simm.s32 $0x3020;
	s16 =	simm.s32 $0x2A0;
	s15 =	simm.s32 $0x2920  }
0x111: {  	s14 =	simm.s32 $0x230;
	s13 =	simm.s32 $0x2220;
	s12 =	simm.s32 $0x1C0  }
0x112: {  	s11 =	simm.s32 $0x1B20;
	s10 =	simm.s32 $0x150;
	s9 =	simm.s32 $0x1420  }
.LBB2_3:
0x113: {  	s8 =	simm.s32 $0x6120;
	s31 =	simm.s32 $0x5B0;
	s30 =	simm.s32 $0x5A20  }
0x114: {  	s29 =	simm.s32 $0x540;
	s28 =	simm.s32 $0x5320;
	s26 =	simm.s32 $0x4D0  }
0x115: {  	s25 =	simm.s32 $0x4C20;
	s24 =	simm.s32 $0x460;
	s23 =	simm.s32 $0x4520  }
.Ltmp4:
0x116: {  	s22 =	simm.s32 $0x3F0;
	s21 =	simm.s32 $0x3E20;
	(pc) =	sbr.rel .LBB2_6-.Ltmp4, $4  }
0x117: {  	s20 =	simm.s32 $0x380;
	s19 =	simm.s32 $0x3720;
	s18 =	simm.s32 $0x310  }
0x118: {  	s17 =	simm.s32 $0x3020;
	s16 =	simm.s32 $0x2A0;
	s15 =	simm.s32 $0x2920  }
0x119: {  	s14 =	simm.s32 $0x230;
	s13 =	simm.s32 $0x2220;
	s12 =	simm.s32 $0x1C0  }
0x11a: {  	s11 =	simm.s32 $0x1B20;
	s10 =	simm.s32 $0x150;
	s9 =	simm.s32 $0x1420  }
.Lfunc_end2:
_tile_overlayer_lowered:
.L_overlay_start_2:
0x11b: {  	(tag) =	ssettag $0x2  }
0x11c: {  	s0 =	rddreg [dreg:$0x0];
	s2 =	stileid.u32  }
0x11d: {  	s1 =	rddreg [dreg:$0x1];
	p0 =	sne.s32 s2, $0x0  }
0x11e: {  	s3 =	rddreg [dreg:$0x2];
	[bflag:$0x3] =	sbarrier.arrive $0xFFFF;
	s2 =	simm.s32 @!p0 $0x1C02  }
0x11f: {  	[timem:s3], [sflag:s2] =	dma.local @!p0 [hbm:s0], s1  }
0x120: {  	s0 =	simm.s32 @!p0 $0x2  }
0x121: {  	_ =	swait.ge @!p0 [sflag:s0], s1  }
0x122: {  	s1 =	ssub.s32 @!p0 $0x0, s1;
	[sflag:s0] =	ssyncset.done @!p0 $0x0  }
0x123: {  	[sflag:s0] =	ssyncadd.s32 @!p0 s1  }
0x124: {  	[bflag:$0x3] =	sbarrier.arrive $0xFFFF  }
0x125: {  	_ =	shalt  }

// kernel: kernel.9.cloned.1.call-start
scs
__scs_entry_jumppad:
0x0: {  	(pc) =	sbr.rel $0x88, $3  }
0x1: {  	(tag) =	ssettag $0x0;
	lr =	simm.s32 $0x1  }
0x2: {  	[smem:$0x3F89] =	sst lr;
	_ =	strace $0xD0000000  }
0x3: {  	_ = 	snop  }
0x4: {  	_ = 	snop  }
0x5: {  	_ = 	snop  }
0x6: {  	_ = 	snop  }
0x7: {  	_ = 	snop  }
__scs_overlays_trampoline_lowered:
0x8: {  	[smem:$0x3F98] =	sst s0  }
0x9: {  	[smem:$0x3F99] =	sst s1  }
0xa: {  	[smem:$0x3F9A] =	sst s2  }
0xb: {  	[smem:$0x3F9B] =	sst s3  }
0xc: {  	[smem:$0x3F9C] =	sst s4  }
0xd: {  	[smem:$0x3F9D] =	sst s5  }
0xe: {  	[smem:$0x3F9E] =	sst s6  }
0xf: {  	[smem:$0x3F9F] =	sst s7  }
0x10: {  	[smem:$0x3FA0] =	sst s8  }
0x11: {  	[smem:$0x3FA1] =	sst s9;
	s0 =	simm.s32 @!p0 $0x0  }
0x12: {  	s1 =	sld [smem:$0x3F87];
	s0 =	simm.s32 @p0 $0x1  }
0x13: {  	[smem:$0x3FA2] =	sst s0;
	s0 =	simm.s32 @!p1 $0x0  }
0x14: {  	s2 =	sld [smem:$0x3F86];
	s0 =	simm.s32 @p1 $0x1  }
0x15: {  	[smem:$0x3FA3] =	sst s0;
	s0 =	simm.s32 @!p2 $0x0  }
0x16: {  	s3 =	sld [smem:$0x3FDB];
	s0 =	simm.s32 @p2 $0x1  }
0x17: {  	s4 =	simm.s32 $0x1BF5;
	[smem:$0x3FA5] =	sst s0  }
0x18: {  	s0 =	sld [smem:$0x3F88];
	_ =	swait.ge [sflag:s4], $0x0  }
0x19: {  	s7 =	sld [smem:$0x3F89]  }
0x1a: {  	s8 =	sadd.s32 $0xFFFFE003, lr  }
0x1b: {  	s9 =	sadd.s32 $0xFFFFFEF7, lr;
	s5 =	simm.s32 $0xFFFFFFFF;
	p2 =	slt.u32 s8, $0xFFFFF086  }
0x1c: {  	p1 =	slt.u32 s9, $0xF7A;
	s5 =	simm.s32 @!p2 $0x0  }
0x1d: {  	s5 =	simm.s32 @p1 $0x1;
	p0 =	seq.s32 s7, s2  }
0x1e: {  	s7 =	smul.u32 @!p0 $0xF7A, s2;
	p2 =	seq.s32 @!p0 s5, $0x0  }
0x1f: {  	s9 =	smul.u32 $0xF7A, s1;
	s8 =	simm.s32 @!p0 $0x1BF5;
	p2 =	por !p2, p0  }
0x20: {  	[sflag:s8] =	ssyncset.s32 @!p0 $0xFFFFF086;
	s6 =	sadd.s32 @!p0 s3, s7;
	s7 =	simm.s32 @!p0 $0x108  }
0x21: {  	s3 =	sadd.s32 s3, s9;
	s6 =	sadd.s32 @!p0 $0x88, s6;
	s7 =	simm.s32 @p2 $0x1082  }
0x22: {  	[simem:s7], [sflag:s8] =	dma.local @!p0 [hbm:s6], $0xF7A  }
0x23: {  	s9 =	sor.u32 $0xD0000000, s2;
	s6 =	simm.s32 $0x108;
	_ =	swait.ge @!p0 [sflag:s8], $0x0  }
0x24: {  	s3 =	sadd.s32 $0x88, s3;
	s6 =	simm.s32 @!p1 $0x1082;
	[sflag:s4] =	ssyncset.s32 $0xFFFFF086  }
0x25: {  	[simem:s6], [sflag:s4] =	dma.local [hbm:s3], $0xF7A  }
0x26: {  	[smem:$0x3F89] =	sst s1;
	(tag) =	ssettag s2;
	_ =	strace s9  }
0x27: {  	s1 =	sld [smem:$0x3F99]  }
0x28: {  	s2 =	sld [smem:$0x3F9A]  }
0x29: {  	s4 =	sld [smem:$0x3F9C]  }
0x2a: {  	p0 =	seq.s32 s5, $0x0;
	s5 =	sld [smem:$0x3F9D]  }
0x2b: {  	s6 =	sld [smem:$0x3F9E]  }
0x2c: {  	s7 =	sld [smem:$0x3F9F]  }
0x2d: {  	s3 =	simm.s32 $0x108;
	s8 =	sld [smem:$0x3FA0]  }
0x2e: {  	s3 =	simm.s32 @!p0 $0x1082;
	s9 =	sld [smem:$0x3FA1]  }
0x2f: {  	lr =	sadd.s32 s0, s3;
	s0 =	sld [smem:$0x3F98]  }
0x30: {  	s3 =	sld [smem:$0x3F9B]  }
0x31: {  	[smem:$0x3FA4] =	sst s10  }
0x32: {  	s10 =	sld [smem:$0x3FA2];
	_ =	sdelay $0x3  }
0x33: {  	p0 =	seq.s32 s10, $0x1;
	s10 =	sld [smem:$0x3FA4];
	_ =	sdelay $0x3  }
0x34: {  	[smem:$0x3FA4] =	sst s10  }
0x35: {  	s10 =	sld [smem:$0x3FA3];
	_ =	sdelay $0x3  }
0x36: {  	p1 =	seq.s32 s10, $0x1;
	s10 =	sld [smem:$0x3FA4];
	_ =	sdelay $0x3  }
0x37: {  	[smem:$0x3FA4] =	sst s10  }
0x38: {  	s10 =	sld [smem:$0x3FA5]  }
0x39: {  	_ = 	snop;
	(pc) =	sbr.ind lr, $3  }
0x3a: {  	_ = 	snop  }
0x3b: {  	_ = 	snop  }
0x3c: {  	p2 =	seq.s32 s10, $0x1;
	s10 =	sld [smem:$0x3FA4]  }
0x3d: {  	_ =	shalt  }
0x3e: {  	_ =	shalt  }
0x3f: {  	_ =	shalt  }
0x40: {  	_ =	shalt  }
0x41: {  	_ =	shalt  }
0x42: {  	_ =	shalt  }
0x43: {  	_ =	shalt  }
0x44: {  	_ =	shalt  }
0x45: {  	_ =	shalt  }
0x46: {  	_ =	shalt  }
0x47: {  	_ =	shalt  }
0x48: {  	_ =	shalt  }
0x49: {  	_ =	shalt  }
0x4a: {  	_ =	shalt  }
0x4b: {  	_ =	shalt  }
0x4c: {  	_ =	shalt  }
0x4d: {  	_ =	shalt  }
0x4e: {  	_ =	shalt  }
0x4f: {  	_ =	shalt  }
0x50: {  	_ =	shalt  }
0x51: {  	_ =	shalt  }
0x52: {  	_ =	shalt  }
0x53: {  	_ =	shalt  }
0x54: {  	_ =	shalt  }
0x55: {  	_ =	shalt  }
0x56: {  	_ =	shalt  }
0x57: {  	_ =	shalt  }
0x58: {  	_ =	shalt  }
0x59: {  	_ =	shalt  }
0x5a: {  	_ =	shalt  }
0x5b: {  	_ =	shalt  }
0x5c: {  	_ =	shalt  }
0x5d: {  	_ =	shalt  }
0x5e: {  	_ =	shalt  }
0x5f: {  	_ =	shalt  }
0x60: {  	_ =	shalt  }
0x61: {  	_ =	shalt  }
0x62: {  	_ =	shalt  }
0x63: {  	_ =	shalt  }
0x64: {  	_ =	shalt  }
0x65: {  	_ =	shalt  }
0x66: {  	_ =	shalt  }
0x67: {  	_ =	shalt  }
0x68: {  	_ =	shalt  }
0x69: {  	_ =	shalt  }
0x6a: {  	_ =	shalt  }
0x6b: {  	_ =	shalt  }
0x6c: {  	_ =	shalt  }
0x6d: {  	_ =	shalt  }
0x6e: {  	_ =	shalt  }
0x6f: {  	_ =	shalt  }
0x70: {  	_ =	shalt  }
0x71: {  	_ =	shalt  }
0x72: {  	_ =	shalt  }
0x73: {  	_ =	shalt  }
0x74: {  	_ =	shalt  }
0x75: {  	_ =	shalt  }
0x76: {  	_ =	shalt  }
0x77: {  	_ =	shalt  }
0x78: {  	_ =	shalt  }
0x79: {  	_ =	shalt  }
0x7a: {  	_ =	shalt  }
0x7b: {  	_ =	shalt  }
0x7c: {  	_ =	shalt  }
0x7d: {  	_ =	shalt  }
0x7e: {  	_ =	shalt  }
0x7f: {  	_ =	shalt  }
0x80: {  	_ =	shalt  }
0x81: {  	_ =	shalt  }
0x82: {  	_ =	shalt  }
0x83: {  	_ =	shalt  }
0x84: {  	_ =	shalt  }
0x85: {  	_ =	shalt  }
0x86: {  	_ =	shalt  }
0x87: {  	_ =	shalt  }
.Lfunc_end0:
.L_simem_size_0:
called_computation.1_lowered:
.L_overlay_start_0:
0x88: {  	s2 =	sld [smem:$0x3FD9]  }
0x89: {  	s3 =	sld [smem:$0x3FFE];
	_ =	sdelay $0x1  }
0x8a: {  	s1 =	srdreg.scid  }
0x8b: {  	s0 =	sand.u32 $0x1, s1  }
0x8c: {  	s17 =	sshll.u32 s0, $0xA;
	s2 =	sadd.s32 s3, s2  }
0x8d: {  	s2 =	sadd.s32 s2, s17  }
0x8e: {  	[smem:$0x3FB0] =	sst s2  }
0x8f: {  	_ = 	snop  }
0x90: {  	s2 =	sld [smem:$0x3FD0];
	(tm) =	ssettm $0x1  }
0x91: {  	s18 =	sld [smem:$0x3FFB];
	_ =	sdelay $0x3  }
0x92: {  	_ =	strace s18  }
0x93: {  	s3 =	sld [smem:$0x3FFC];
	_ =	sdelay $0x3  }
0x94: {  	_ =	strace s3  }
0x95: {  	s3 =	sld [smem:$0x3FFD];
	_ =	sdelay $0x3  }
0x96: {  	_ =	strace s3  }
0x97: {  	_ =	strace $0x8FFFFFFF  }
0x98: {  	s19 =	sld [smem:$0x3FDB];
	_ =	sdelay $0x1  }
0x99: {  	s4 =	simm.s32 $_scs_section_size  }
0x9a: {  	s5 =	simm.s32 $_size__tile_overlayer_lowered;
	s6 =	simm.s32 $_tile_overlayer_lowered  }
0x9b: {  	s22 =	simm.s32 $0x1BFF;
	s21 =	sshll.u32 s6, $0x1;
	s3 =	sadd.s32 s4, s19  }
0x9c: {  	s7 =	simm.s32 $0x0;
	s20 =	sshll.u32 s5, $0x1;
	s5 =	sadd.s32 s21, s3  }
0x9d: {  	[timem:s7], [sflag:s22] =	dma.local [hbm:s5], s20  }
0x9e: {  	_ =	swait.ge [sflag:s22], s20  }
0x9f: {  	s4 =	ssub.s32 $0x0, s20;
	[sflag:s22] =	ssyncset.done $0x0  }
0xa0: {  	[sflag:s22] =	ssyncadd.s32 s4;
	_ =	sdelay $0x1  }
0xa1: {  	s23 =	simm.s32 $0x1B8B  }
0xa2: {  	_ =	swait.ge [sflag:s23], $0x1  }
0xa3: {  	[sflag:s23] =	ssyncset.done $0x0  }
0xa4: {  	s25 =	simm.s32 $0x1B8E;
	s24 =	sld [smem:$0x3FFE];
	[sflag:s23] =	ssyncadd.s32 $0xFFFFFFFF  }
0xa5: {  	s26 =	simm.s32 $execute0_lowered;
	[smem:$0x3FD2] =	sst s25  }
0xa6: {  	s5 =	sshll.u32 s26, $0x1;
	_ =	strace $0x80000049;
	[dreg:$0x1] =	wrdreg $0xFFFFFFFF  }
0xa7: {  	s28 =	simm.s32 $_size_execute0_lowered;
	s3 =	sadd.s32 s3, s5;
	[dreg:$0x0] =	wrdreg $0x0  }
0xa8: {  	s5 =	sshll.u32 s28, $0x1;
	[dreg:$0x2] =	wrdreg s3  }
0xa9: {  	[dreg:$0x3] =	wrdreg s5  }
0xaa: {  	[dreg:$0x4] =	wrdreg $0xC0  }
0xab: {  	_ =	task [dreg:s7], $0x5FFFF  }
0xac: {  	[dreg:$0x1] =	wrdreg $0xFFFFFFFF  }
0xad: {  	[dreg:$0x0] =	wrdreg $0x60  }
0xae: {  	[dreg:$0x2] =	wrdreg s2  }
0xaf: {  	[dreg:$0x3] =	wrdreg s24  }
0xb0: {  	[dreg:$0x4] =	wrdreg $0x9  }
0xb1: {  	_ =	task.clear_ibuf [dreg:s7], $0x5FFFF;
	_ =	strace $0x90000049  }
0xb2: {  	s29 =	simm.s32 $0x9;
	_ =	strace $0x8000004B  }
0xb3: {  	_ =	swait.ge [sflag:s29], $0x1  }
0xb4: {  	[sflag:s29] =	ssyncadd.s32 $0xFFFFFFFF  }
0xb5: {  	_ =	strace $0x9000004B  }
0xb6: {  	_ =	sfence  }
0xb7: {  	s30 =	sld [smem:$0x0];
	_ =	sdelay $0x2  }
0xb8: {  	s31 =	sshll.u32 s1, $0xD;
	s1 =	sshrl.u32 s1, $0x2  }
0xb9: {  	s3 =	sand.u32 $0x4000, s31;
	s1 =	sadd.s32 s1, s30  }
0xba: {  	s0 =	sor.u32 s3, s0;
	s1 =	sshll.u32 s1, $0x11  }
0xbb: {  	s0 =	sor.u32 s1, s0  }
0xbc: {  	s0 =	sadd.s32 $0x8F2B, s0  }
0xbd: {  	[sflag:s0] =	ssyncadd.remote.s32 $0x1  }
0xbe: {  	_ =	sfence.sel $0xFFFF  }
0xbf: {  	[dreg:$0x0] =	wrdreg $0xFFFFFFFF;
	(pc) =	sbr.abs _section_cstart, $3  }
0xc0: {  	[dreg:$0x1] =	wrdreg $0xFFFFFFFF  }
0xc1: {  	_ =	task.clear_ibuf [dreg:s7], $0x2FFFF;
	_ =	strace $0x9FFFFFFF  }
0xc2: {  	(tm) =	ssettm $0x7FFFFFFF  }
0xc3: {  	_ =	shalt  }
tec
execute0_lowered:
.L_overlay_start_1:
0x0: {  	(tag) =	ssettag $0x1  }
0x1: {  	s0 =	srdreg.scid  }
0x2: {  	s1 =	stileid.u32;
	s5 =	rddreg [dreg:$0x0]  }
0x3: {  	s3 =	rddreg [dreg:$0x1];
	s2 =	simm.s32 $0x0;
	s25 =	simm.s32 $0xD20  }
0x4: {  	s7 =	simm.s32 $0x70;
	s26 =	simm.s32 $0xE0;
	s10 =	simm.s32 $0x150  }
0x5: {  	s11 =	simm.s32 $0x1B20;
	s12 =	simm.s32 $0x1C0;
	s13 =	simm.s32 $0x2220  }
0x6: {  	s14 =	simm.s32 $0x230;
	s15 =	simm.s32 $0x2920;
	s16 =	simm.s32 $0x2A0  }
0x7: {  	s17 =	simm.s32 $0x3020;
	s18 =	simm.s32 $0x310;
	s19 =	simm.s32 $0x3720  }
0x8: {  	s20 =	simm.s32 $0x380;
	s21 =	simm.s32 $0x3E20;
	s22 =	simm.s32 $0x3F0  }
0x9: {  	p0 =	por $0x0, $0x0;
	s28 =	simm.s32 $0x5320;
	s29 =	simm.s32 $0x540  }
0xa: {  	s30 =	simm.s32 $0x5A20;
	s0 =	sand.u32 $0x1, s0;
	s1 =	sshll.u32 s1, $0x1  }
0xb: {  	s31 =	simm.s32 $0x5B0;
	s1 =	sor.u32 s0, s1;
	s0 =	ssub.s32 $0x2, s0  }
0xc: {  	s9 =	simm.s32 $0x6120;
	[smem:$0x7FF] =	sst s2;
	s24 =	sshrl.u32 s0, $0x1  }
0xd: {  	s6 =	simm.s32 $0x1;
	_ =	strace $0x8000004A;
	s0 =	ssub.s32 s0, s24  }
0xe: {  	[dreg:$0x5] =	wrdreg s25;
	s4 =	smul.u32 $0xC4, s1;
	s0 =	smax.u32 s0, $0x1  }
0xf: {  	[dreg:$0x6] =	wrdreg s26;
	s1 =	smul.u32 $0xC40, s1;
	p1 =	sne.s32 s0, $0x1  }
.Ltmp0:
0x10: {  	s25 =	simm.s32 $0x4C20;
	s4 =	sadd.s32 s4, s3;
	(pc) =	sbr.rel @!p1 .LBB2_1-.Ltmp0, $4  }
0x11: {  	s26 =	simm.s32 $0x4D0;
	s1 =	sadd.s32 s1, s3;
	s23 =	sadd.s32 $0x6800, s4  }
0x12: {  	s24 =	simm.s32 $0x460;
	s1 =	sadd.s32 $0x8200, s1;
	[dreg:$0x3] =	wrdreg s23  }
0x13: {  	s3 =	simm.s32 $0x2;
	s4 =	simm.s32 $0x620;
	[dreg:$0x4] =	wrdreg s1  }
0x14: {  	s8 =	sadd.s32 $0xFFFFFFFF, s0;
	s23 =	simm.s32 $0x4520;
	s0 =	rddreg [dreg:$0x3]  }
0x15: {  	[tilespmem:s2], [sflag:$0x2] =	stream.linear.gather [hbm4b:s0+s2], $0x620, $0x38;
	[tilespmem:$0x6820] =	vst v63  }
0x16: {  	_ =	swait.ge [sflag:s3], $0x620  }
0x17: {  	[sflag:s3] =	ssyncset.done $0x0  }
0x18: {  	[sflag:s3] =	ssyncadd.s32 $0xFFFFF9E0  }
0x19: {  	[tilespmem:s4], [sflag:$0x1] =	stream.indirect.gather [hbm4b:s5+s7], $0x10, s2, s7, $0xb8;
	[tilespmem:$0x6820] =	vst v63  }
0x1a: {  	s0 =	rddreg [dreg:$0x5]  }
0x1b: {  	[tilespmem:s0], [sflag:$0x1] =	stream.indirect.gather [hbm4b:s5+s7], $0x10, s7, s7, $0xb8;
	[tilespmem:$0x6820] =	vst v63  }
0x1c: {  	s1 =	rddreg [dreg:$0x6];
	s0 =	simm.s32 $0x1420  }
0x1d: {  	[tilespmem:s0], [sflag:$0x1] =	stream.indirect.gather [hbm4b:s5+s7], $0x10, s1, s7, $0xb8;
	[tilespmem:$0x6820] =	vst v63  }
0x1e: {  	_ = 	snop  }
0x1f: {  	[tilespmem:s11], [sflag:$0x1] =	stream.indirect.gather [hbm4b:s5+s7], $0x10, s10, s7, $0xb8;
	[tilespmem:$0x6820] =	vst v63  }
0x20: {  	_ = 	snop  }
0x21: {  	[tilespmem:s13], [sflag:$0x1] =	stream.indirect.gather [hbm4b:s5+s7], $0x10, s12, s7, $0xb8;
	[tilespmem:$0x6820] =	vst v63  }
0x22: {  	_ = 	snop  }
0x23: {  	[tilespmem:s15], [sflag:$0x1] =	stream.indirect.gather [hbm4b:s5+s7], $0x10, s14, s7, $0xb8;
	[tilespmem:$0x6820] =	vst v63  }
0x24: {  	_ = 	snop  }
0x25: {  	[tilespmem:s17], [sflag:$0x1] =	stream.indirect.gather [hbm4b:s5+s7], $0x10, s16, s7, $0xb8;
	[tilespmem:$0x6820] =	vst v63  }
0x26: {  	_ = 	snop  }
0x27: {  	[tilespmem:s19], [sflag:$0x1] =	stream.indirect.gather [hbm4b:s5+s7], $0x10, s18, s7, $0xb8;
	[tilespmem:$0x6820] =	vst v63  }
0x28: {  	_ = 	snop  }
0x29: {  	[tilespmem:s21], [sflag:$0x1] =	stream.indirect.gather [hbm4b:s5+s7], $0x10, s20, s7, $0xb8;
	[tilespmem:$0x6820] =	vst v63  }
0x2a: {  	_ = 	snop  }
0x2b: {  	[tilespmem:s23], [sflag:$0x1] =	stream.indirect.gather [hbm4b:s5+s7], $0x10, s22, s7, $0xb8;
	[tilespmem:$0x6820] =	vst v63  }
0x2c: {  	_ = 	snop  }
0x2d: {  	[tilespmem:s25], [sflag:$0x1] =	stream.indirect.gather [hbm4b:s5+s7], $0x10, s24, s7, $0xb8;
	[tilespmem:$0x6820] =	vst v63  }
0x2e: {  	_ = 	snop  }
0x2f: {  	[tilespmem:s28], [sflag:$0x1] =	stream.indirect.gather [hbm4b:s5+s7], $0x10, s26, s7, $0xb8;
	[tilespmem:$0x6820] =	vst v63  }
0x30: {  	_ = 	snop  }
0x31: {  	[tilespmem:s30], [sflag:$0x1] =	stream.indirect.gather [hbm4b:s5+s7], $0x10, s29, s7, $0xb8;
	[tilespmem:$0x6820] =	vst v63  }
0x32: {  	_ = 	snop  }
0x33: {  	[tilespmem:s9], [sflag:$0x1] =	stream.indirect.gather [hbm4b:s5+s7], $0x10, s31, s7, $0xb8;
	[tilespmem:$0x6820] =	vst v63  }
0x34: {  	_ =	swait.ge [sflag:s6], $0x700  }
0x35: {  	[sflag:s6] =	ssyncset.done $0x0  }
0x36: {  	[sflag:s6] =	ssyncadd.s32 $0xFFFFF900  }
0x37: {  	_ =	swait.ge [sflag:s6], $0x700  }
0x38: {  	[sflag:s6] =	ssyncset.done $0x0  }
0x39: {  	[sflag:s6] =	ssyncadd.s32 $0xFFFFF900  }
0x3a: {  	_ =	swait.ge [sflag:s6], $0x700  }
0x3b: {  	[sflag:s6] =	ssyncset.done $0x0  }
0x3c: {  	[sflag:s6] =	ssyncadd.s32 $0xFFFFF900  }
0x3d: {  	_ =	swait.ge [sflag:s6], $0x700  }
0x3e: {  	[sflag:s6] =	ssyncset.done $0x0  }
0x3f: {  	[sflag:s6] =	ssyncadd.s32 $0xFFFFF900  }
0x40: {  	_ =	swait.ge [sflag:s6], $0x700  }
0x41: {  	[sflag:s6] =	ssyncset.done $0x0  }
0x42: {  	[sflag:s6] =	ssyncadd.s32 $0xFFFFF900  }
0x43: {  	_ =	swait.ge [sflag:s6], $0x700  }
0x44: {  	[sflag:s6] =	ssyncset.done $0x0  }
0x45: {  	[sflag:s6] =	ssyncadd.s32 $0xFFFFF900  }
0x46: {  	_ =	swait.ge [sflag:s6], $0x700  }
0x47: {  	[sflag:s6] =	ssyncset.done $0x0  }
0x48: {  	[sflag:s6] =	ssyncadd.s32 $0xFFFFF900  }
0x49: {  	_ =	swait.ge [sflag:s6], $0x700  }
0x4a: {  	[sflag:s6] =	ssyncset.done $0x0  }
0x4b: {  	[sflag:s6] =	ssyncadd.s32 $0xFFFFF900  }
0x4c: {  	_ =	swait.ge [sflag:s6], $0x700  }
0x4d: {  	[sflag:s6] =	ssyncset.done $0x0  }
0x4e: {  	[sflag:s6] =	ssyncadd.s32 $0xFFFFF900  }
0x4f: {  	_ =	swait.ge [sflag:s6], $0x700  }
0x50: {  	[sflag:s6] =	ssyncset.done $0x0  }
0x51: {  	[sflag:s6] =	ssyncadd.s32 $0xFFFFF900  }
0x52: {  	_ =	swait.ge [sflag:s6], $0x700  }
0x53: {  	[sflag:s6] =	ssyncset.done $0x0  }
0x54: {  	[sflag:s6] =	ssyncadd.s32 $0xFFFFF900  }
0x55: {  	_ =	swait.ge [sflag:s6], $0x700  }
0x56: {  	[sflag:s6] =	ssyncset.done $0x0  }
0x57: {  	[sflag:s6] =	ssyncadd.s32 $0xFFFFF900  }
0x58: {  	_ =	swait.ge [sflag:s6], $0x700  }
0x59: {  	[sflag:s6] =	ssyncset.done $0x0  }
0x5a: {  	[sflag:s6] =	ssyncadd.s32 $0xFFFFF900  }
0x5b: {  	p1 =	sne.s32 s8, $0x1;
	_ =	swait.ge [sflag:s6], $0x700  }
.Ltmp1:
0x5c: {  	[sflag:s6] =	ssyncset.done $0x0;
	(pc) =	sbr.rel @!p1 .LBB2_3-.Ltmp1, $4  }
0x5d: {  	s1 =	rddreg [dreg:$0x4];
	[sflag:s6] =	ssyncadd.s32 $0xFFFFF900  }
0x5e: {  	[hbm4b:s1+s2] =	stream.linear.scatter [tilespmem:s4], [sflag:$0x2], $0x6200, $0x38;
	[tilespmem:$0x6820] =	vst v63  }
0x5f: {  	p0 =	por $0x1, $0x1;
	_ =	swait.ge [sflag:s3], $0x6200  }
0x60: {  	s1 =	sadd.s32 $0xFFFFFFFF, s8;
	s0 =	rddreg [dreg:$0x3];
	[sflag:s3] =	ssyncset.done $0x0  }
.LBB2_4:
0x61: {  	[sflag:s3] =	ssyncadd.s32 $0xFFFF9E00  }
0x62: {  	[tilespmem:s2], [sflag:$0x2] =	stream.linear.gather [hbm4b:s0+s2], $0x620, $0x38;
	[tilespmem:$0x6820] =	vst v63  }
0x63: {  	_ =	swait.ge [sflag:s3], $0x620  }
0x64: {  	[sflag:s3] =	ssyncset.done $0x0  }
0x65: {  	[sflag:s3] =	ssyncadd.s32 $0xFFFFF9E0  }
0x66: {  	[tilespmem:s4], [sflag:$0x1] =	stream.indirect.gather [hbm4b:s5+s7], $0x10, s2, s7, $0xb8;
	[tilespmem:$0x6820] =	vst v63  }
0x67: {  	s0 =	rddreg [dreg:$0x5]  }
0x68: {  	[tilespmem:s0], [sflag:$0x1] =	stream.indirect.gather [hbm4b:s5+s7], $0x10, s7, s7, $0xb8;
	[tilespmem:$0x6820] =	vst v63  }
0x69: {  	s8 =	rddreg [dreg:$0x6];
	s0 =	simm.s32 $0x1420  }
0x6a: {  	[tilespmem:s0], [sflag:$0x1] =	stream.indirect.gather [hbm4b:s5+s7], $0x10, s8, s7, $0xb8;
	[tilespmem:$0x6820] =	vst v63  }
0x6b: {  	_ = 	snop  }
0x6c: {  	[tilespmem:s11], [sflag:$0x1] =	stream.indirect.gather [hbm4b:s5+s7], $0x10, s10, s7, $0xb8;
	[tilespmem:$0x6820] =	vst v63  }
0x6d: {  	_ = 	snop  }
0x6e: {  	[tilespmem:s13], [sflag:$0x1] =	stream.indirect.gather [hbm4b:s5+s7], $0x10, s12, s7, $0xb8;
	[tilespmem:$0x6820] =	vst v63  }
0x6f: {  	_ = 	snop  }
0x70: {  	[tilespmem:s15], [sflag:$0x1] =	stream.indirect.gather [hbm4b:s5+s7], $0x10, s14, s7, $0xb8;
	[tilespmem:$0x6820] =	vst v63  }
0x71: {  	_ = 	snop  }
0x72: {  	[tilespmem:s17], [sflag:$0x1] =	stream.indirect.gather [hbm4b:s5+s7], $0x10, s16, s7, $0xb8;
	[tilespmem:$0x6820] =	vst v63  }
0x73: {  	_ = 	snop  }
0x74: {  	[tilespmem:s19], [sflag:$0x1] =	stream.indirect.gather [hbm4b:s5+s7], $0x10, s18, s7, $0xb8;
	[tilespmem:$0x6820] =	vst v63  }
0x75: {  	_ = 	snop  }
0x76: {  	[tilespmem:s21], [sflag:$0x1] =	stream.indirect.gather [hbm4b:s5+s7], $0x10, s20, s7, $0xb8;
	[tilespmem:$0x6820] =	vst v63  }
0x77: {  	_ = 	snop  }
0x78: {  	[tilespmem:s23], [sflag:$0x1] =	stream.indirect.gather [hbm4b:s5+s7], $0x10, s22, s7, $0xb8;
	[tilespmem:$0x6820] =	vst v63  }
0x79: {  	_ = 	snop  }
0x7a: {  	[tilespmem:s25], [sflag:$0x1] =	stream.indirect.gather [hbm4b:s5+s7], $0x10, s24, s7, $0xb8;
	[tilespmem:$0x6820] =	vst v63  }
0x7b: {  	_ = 	snop  }
0x7c: {  	[tilespmem:s28], [sflag:$0x1] =	stream.indirect.gather [hbm4b:s5+s7], $0x10, s26, s7, $0xb8;
	[tilespmem:$0x6820] =	vst v63  }
0x7d: {  	_ = 	snop  }
0x7e: {  	[tilespmem:s30], [sflag:$0x1] =	stream.indirect.gather [hbm4b:s5+s7], $0x10, s29, s7, $0xb8;
	[tilespmem:$0x6820] =	vst v63  }
0x7f: {  	_ = 	snop  }
0x80: {  	[tilespmem:s9], [sflag:$0x1] =	stream.indirect.gather [hbm4b:s5+s7], $0x10, s31, s7, $0xb8;
	[tilespmem:$0x6820] =	vst v63  }
0x81: {  	_ =	swait.ge [sflag:s6], $0x700  }
0x82: {  	[sflag:s6] =	ssyncset.done $0x0  }
0x83: {  	[sflag:s6] =	ssyncadd.s32 $0xFFFFF900  }
0x84: {  	_ =	swait.ge [sflag:s6], $0x700  }
0x85: {  	[sflag:s6] =	ssyncset.done $0x0  }
0x86: {  	[sflag:s6] =	ssyncadd.s32 $0xFFFFF900  }
0x87: {  	_ =	swait.ge [sflag:s6], $0x700  }
0x88: {  	[sflag:s6] =	ssyncset.done $0x0  }
0x89: {  	[sflag:s6] =	ssyncadd.s32 $0xFFFFF900  }
0x8a: {  	_ =	swait.ge [sflag:s6], $0x700  }
0x8b: {  	[sflag:s6] =	ssyncset.done $0x0  }
0x8c: {  	[sflag:s6] =	ssyncadd.s32 $0xFFFFF900  }
0x8d: {  	_ =	swait.ge [sflag:s6], $0x700  }
0x8e: {  	[sflag:s6] =	ssyncset.done $0x0  }
0x8f: {  	[sflag:s6] =	ssyncadd.s32 $0xFFFFF900  }
0x90: {  	_ =	swait.ge [sflag:s6], $0x700  }
0x91: {  	[sflag:s6] =	ssyncset.done $0x0  }
0x92: {  	[sflag:s6] =	ssyncadd.s32 $0xFFFFF900  }
0x93: {  	_ =	swait.ge [sflag:s6], $0x700  }
0x94: {  	[sflag:s6] =	ssyncset.done $0x0  }
0x95: {  	[sflag:s6] =	ssyncadd.s32 $0xFFFFF900  }
0x96: {  	_ =	swait.ge [sflag:s6], $0x700  }
0x97: {  	[sflag:s6] =	ssyncset.done $0x0  }
0x98: {  	[sflag:s6] =	ssyncadd.s32 $0xFFFFF900  }
0x99: {  	_ =	swait.ge [sflag:s6], $0x700  }
0x9a: {  	[sflag:s6] =	ssyncset.done $0x0  }
0x9b: {  	[sflag:s6] =	ssyncadd.s32 $0xFFFFF900  }
0x9c: {  	_ =	swait.ge [sflag:s6], $0x700  }
0x9d: {  	[sflag:s6] =	ssyncset.done $0x0  }
0x9e: {  	[sflag:s6] =	ssyncadd.s32 $0xFFFFF900  }
0x9f: {  	_ =	swait.ge [sflag:s6], $0x700  }
0xa0: {  	[sflag:s6] =	ssyncset.done $0x0  }
0xa1: {  	[sflag:s6] =	ssyncadd.s32 $0xFFFFF900  }
0xa2: {  	_ =	swait.ge [sflag:s6], $0x700  }
0xa3: {  	[sflag:s6] =	ssyncset.done $0x0  }
0xa4: {  	[sflag:s6] =	ssyncadd.s32 $0xFFFFF900  }
0xa5: {  	_ =	swait.ge [sflag:s6], $0x700  }
0xa6: {  	[sflag:s6] =	ssyncset.done $0x0  }
0xa7: {  	[sflag:s6] =	ssyncadd.s32 $0xFFFFF900  }
0xa8: {  	p1 =	sne.s32 s1, $0x1;
	_ =	swait.ge [sflag:s6], $0x700  }
.Ltmp2:
0xa9: {  	[sflag:s6] =	ssyncset.done $0x0;
	(pc) =	sbr.rel @p1 .LBB2_4-.Ltmp2, $4  }
0xaa: {  	s8 =	rddreg [dreg:$0x4];
	[sflag:s6] =	ssyncadd.s32 $0xFFFFF900  }
0xab: {  	[hbm4b:s8+s2] =	stream.linear.scatter [tilespmem:s4], [sflag:$0x2], $0x6200, $0x38;
	[tilespmem:$0x6820] =	vst v63  }
0xac: {  	_ =	swait.ge [sflag:s3], $0x6200  }
0xad: {  	s1 =	sadd.s32 $0xFFFFFFFF, s1;
	s0 =	rddreg [dreg:$0x3];
	[sflag:s3] =	ssyncset.done $0x0  }
0xae: {  	s8 =	simm.s32 $0x6120;
	s31 =	simm.s32 $0x5B0  }
0xaf: {  	s30 =	simm.s32 $0x5A20;
	s29 =	simm.s32 $0x540;
	s28 =	simm.s32 $0x5320  }
0xb0: {  	s26 =	simm.s32 $0x4D0;
	s25 =	simm.s32 $0x4C20;
	s24 =	simm.s32 $0x460  }
0xb1: {  	s23 =	simm.s32 $0x4520;
	s22 =	simm.s32 $0x3F0;
	s21 =	simm.s32 $0x3E20  }
0xb2: {  	s20 =	simm.s32 $0x380;
	s19 =	simm.s32 $0x3720;
	s18 =	simm.s32 $0x310  }
0xb3: {  	s17 =	simm.s32 $0x3020;
	s16 =	simm.s32 $0x2A0;
	s15 =	simm.s32 $0x2920  }
0xb4: {  	s14 =	simm.s32 $0x230;
	s13 =	simm.s32 $0x2220;
	s12 =	simm.s32 $0x1C0  }
0xb5: {  	s11 =	simm.s32 $0x1B20;
	s10 =	simm.s32 $0x150;
	s9 =	simm.s32 $0x1420  }
.LBB2_6:
0xb6: {  	[sflag:s3] =	ssyncadd.s32 @p0 $0xFFFF9E00  }
0xb7: {  	[tilespmem:s2], [sflag:$0x2] =	stream.linear.gather [hbm4b:s0+s2], $0x620, $0x38;
	[tilespmem:$0x6820] =	vst v63  }
0xb8: {  	_ =	swait.ge [sflag:s3], $0x620  }
0xb9: {  	[sflag:s3] =	ssyncset.done $0x0  }
0xba: {  	[sflag:s3] =	ssyncadd.s32 $0xFFFFF9E0  }
0xbb: {  	[tilespmem:s4], [sflag:$0x1] =	stream.indirect.gather [hbm4b:s5+s7], $0x10, s2, s7, $0xb8;
	[tilespmem:$0x6820] =	vst v63  }
0xbc: {  	s0 =	rddreg [dreg:$0x5]  }
0xbd: {  	[tilespmem:s0], [sflag:$0x1] =	stream.indirect.gather [hbm4b:s5+s7], $0x10, s7, s7, $0xb8;
	[tilespmem:$0x6820] =	vst v63  }
0xbe: {  	s1 =	rddreg [dreg:$0x6]  }
0xbf: {  	[tilespmem:s9], [sflag:$0x1] =	stream.indirect.gather [hbm4b:s5+s7], $0x10, s1, s7, $0xb8;
	[tilespmem:$0x6820] =	vst v63  }
0xc0: {  	_ = 	snop  }
0xc1: {  	[tilespmem:s11], [sflag:$0x1] =	stream.indirect.gather [hbm4b:s5+s7], $0x10, s10, s7, $0xb8;
	[tilespmem:$0x6820] =	vst v63  }
0xc2: {  	_ = 	snop  }
0xc3: {  	[tilespmem:s13], [sflag:$0x1] =	stream.indirect.gather [hbm4b:s5+s7], $0x10, s12, s7, $0xb8;
	[tilespmem:$0x6820] =	vst v63  }
0xc4: {  	_ = 	snop  }
0xc5: {  	[tilespmem:s15], [sflag:$0x1] =	stream.indirect.gather [hbm4b:s5+s7], $0x10, s14, s7, $0xb8;
	[tilespmem:$0x6820] =	vst v63  }
0xc6: {  	_ = 	snop  }
0xc7: {  	[tilespmem:s17], [sflag:$0x1] =	stream.indirect.gather [hbm4b:s5+s7], $0x10, s16, s7, $0xb8;
	[tilespmem:$0x6820] =	vst v63  }
0xc8: {  	_ = 	snop  }
0xc9: {  	[tilespmem:s19], [sflag:$0x1] =	stream.indirect.gather [hbm4b:s5+s7], $0x10, s18, s7, $0xb8;
	[tilespmem:$0x6820] =	vst v63  }
0xca: {  	_ = 	snop  }
0xcb: {  	[tilespmem:s21], [sflag:$0x1] =	stream.indirect.gather [hbm4b:s5+s7], $0x10, s20, s7, $0xb8;
	[tilespmem:$0x6820] =	vst v63  }
0xcc: {  	_ = 	snop  }
0xcd: {  	[tilespmem:s23], [sflag:$0x1] =	stream.indirect.gather [hbm4b:s5+s7], $0x10, s22, s7, $0xb8;
	[tilespmem:$0x6820] =	vst v63  }
0xce: {  	_ = 	snop  }
0xcf: {  	[tilespmem:s25], [sflag:$0x1] =	stream.indirect.gather [hbm4b:s5+s7], $0x10, s24, s7, $0xb8;
	[tilespmem:$0x6820] =	vst v63  }
0xd0: {  	_ = 	snop  }
0xd1: {  	[tilespmem:s28], [sflag:$0x1] =	stream.indirect.gather [hbm4b:s5+s7], $0x10, s26, s7, $0xb8;
	[tilespmem:$0x6820] =	vst v63  }
0xd2: {  	_ = 	snop  }
0xd3: {  	[tilespmem:s30], [sflag:$0x1] =	stream.indirect.gather [hbm4b:s5+s7], $0x10, s29, s7, $0xb8;
	[tilespmem:$0x6820] =	vst v63  }
0xd4: {  	_ = 	snop  }
0xd5: {  	[tilespmem:s8], [sflag:$0x1] =	stream.indirect.gather [hbm4b:s5+s7], $0x10, s31, s7, $0xb8;
	[tilespmem:$0x6820] =	vst v63  }
0xd6: {  	_ =	swait.ge [sflag:s6], $0x700  }
0xd7: {  	[sflag:s6] =	ssyncset.done $0x0  }
0xd8: {  	[sflag:s6] =	ssyncadd.s32 $0xFFFFF900  }
0xd9: {  	_ =	swait.ge [sflag:s6], $0x700  }
0xda: {  	[sflag:s6] =	ssyncset.done $0x0  }
0xdb: {  	[sflag:s6] =	ssyncadd.s32 $0xFFFFF900  }
0xdc: {  	_ =	swait.ge [sflag:s6], $0x700  }
0xdd: {  	[sflag:s6] =	ssyncset.done $0x0  }
0xde: {  	[sflag:s6] =	ssyncadd.s32 $0xFFFFF900  }
0xdf: {  	_ =	swait.ge [sflag:s6], $0x700  }
0xe0: {  	[sflag:s6] =	ssyncset.done $0x0  }
0xe1: {  	[sflag:s6] =	ssyncadd.s32 $0xFFFFF900  }
0xe2: {  	_ =	swait.ge [sflag:s6], $0x700  }
0xe3: {  	[sflag:s6] =	ssyncset.done $0x0  }
0xe4: {  	[sflag:s6] =	ssyncadd.s32 $0xFFFFF900  }
0xe5: {  	_ =	swait.ge [sflag:s6], $0x700  }
0xe6: {  	[sflag:s6] =	ssyncset.done $0x0  }
0xe7: {  	[sflag:s6] =	ssyncadd.s32 $0xFFFFF900  }
0xe8: {  	_ =	swait.ge [sflag:s6], $0x700  }
0xe9: {  	[sflag:s6] =	ssyncset.done $0x0  }
0xea: {  	[sflag:s6] =	ssyncadd.s32 $0xFFFFF900  }
0xeb: {  	_ =	swait.ge [sflag:s6], $0x700  }
0xec: {  	[sflag:s6] =	ssyncset.done $0x0  }
0xed: {  	[sflag:s6] =	ssyncadd.s32 $0xFFFFF900  }
0xee: {  	_ =	swait.ge [sflag:s6], $0x700  }
0xef: {  	[sflag:s6] =	ssyncset.done $0x0  }
0xf0: {  	[sflag:s6] =	ssyncadd.s32 $0xFFFFF900  }
0xf1: {  	_ =	swait.ge [sflag:s6], $0x700  }
0xf2: {  	[sflag:s6] =	ssyncset.done $0x0  }
0xf3: {  	[sflag:s6] =	ssyncadd.s32 $0xFFFFF900  }
0xf4: {  	_ =	swait.ge [sflag:s6], $0x700  }
0xf5: {  	[sflag:s6] =	ssyncset.done $0x0  }
0xf6: {  	[sflag:s6] =	ssyncadd.s32 $0xFFFFF900  }
0xf7: {  	_ =	swait.ge [sflag:s6], $0x700  }
0xf8: {  	[sflag:s6] =	ssyncset.done $0x0  }
0xf9: {  	[sflag:s6] =	ssyncadd.s32 $0xFFFFF900  }
0xfa: {  	_ =	swait.ge [sflag:s6], $0x700  }
0xfb: {  	[sflag:s6] =	ssyncset.done $0x0  }
0xfc: {  	[sflag:s6] =	ssyncadd.s32 $0xFFFFF900  }
0xfd: {  	_ =	swait.ge [sflag:s6], $0x700  }
0xfe: {  	[sflag:s6] =	ssyncset.done $0x0  }
0xff: {  	s30 =	rddreg [dreg:$0x4];
	[sflag:s6] =	ssyncadd.s32 $0xFFFFF900  }
0x100: {  	[hbm4b:s30+s2] =	stream.linear.scatter [tilespmem:s4], [sflag:$0x2], $0x6200, $0x38;
	[tilespmem:$0x6820] =	vst v63  }
0x101: {  	_ =	swait.ge [sflag:s3], $0x6200  }
0x102: {  	[sflag:s3] =	ssyncset.done $0x0  }
0x103: {  	[sflag:s3] =	ssyncadd.s32 $0xFFFF9E00  }
0x104: {  	_ =	sfence.sel $0x180000  }
0x105: {  	[bflag:$0x0] =	sbarrier.arrive $0xFFFF  }
0x106: {  	_ =	strace $0x9000004A  }
0x107: {  	s31 =	stileid.u32;
	[bflag:$0x2] =	sbarrier.arrive $0xFFFF  }
0x108: {  	p0 =	sne.s32 s31, $0x0;
	s0 =	rddreg [dreg:$0x2]  }
0x109: {  	s0 =	sadd.s32 @!p0 $0x100000, s0  }
0x10a: {  	[sflag:s0] =	ssyncadd.tile.s32 @!p0 $0x1;
	_ =	shalt  }
.LBB2_1:
0x10b: {  	s8 =	simm.s32 $0x6120;
	s31 =	simm.s32 $0x5B0;
	s30 =	simm.s32 $0x5A20  }
0x10c: {  	s29 =	simm.s32 $0x540;
	s28 =	simm.s32 $0x5320;
	s26 =	simm.s32 $0x4D0  }
0x10d: {  	s25 =	simm.s32 $0x4C20;
	s24 =	simm.s32 $0x460;
	s23 =	simm.s32 $0x4520  }
.Ltmp3:
0x10e: {  	s22 =	simm.s32 $0x3F0;
	s21 =	simm.s32 $0x3E20;
	(pc) =	sbr.rel .LBB2_6-.Ltmp3, $4  }
0x10f: {  	s20 =	simm.s32 $0x380;
	s19 =	simm.s32 $0x3720;
	s18 =	simm.s32 $0x310  }
0x110: {  	s17 =	simm.s32 $0x3020;
	s16 =	simm.s32 $0x2A0;
	s15 =	simm.s32 $0x2920  }
0x111: {  	s14 =	simm.s32 $0x230;
	s13 =	simm.s32 $0x2220;
	s12 =	simm.s32 $0x1C0  }
0x112: {  	s11 =	simm.s32 $0x1B20;
	s10 =	simm.s32 $0x150;
	s9 =	simm.s32 $0x1420  }
.LBB2_3:
0x113: {  	s8 =	simm.s32 $0x6120;
	s31 =	simm.s32 $0x5B0;
	s30 =	simm.s32 $0x5A20  }
0x114: {  	s29 =	simm.s32 $0x540;
	s28 =	simm.s32 $0x5320;
	s26 =	simm.s32 $0x4D0  }
0x115: {  	s25 =	simm.s32 $0x4C20;
	s24 =	simm.s32 $0x460;
	s23 =	simm.s32 $0x4520  }
.Ltmp4:
0x116: {  	s22 =	simm.s32 $0x3F0;
	s21 =	simm.s32 $0x3E20;
	(pc) =	sbr.rel .LBB2_6-.Ltmp4, $4  }
0x117: {  	s20 =	simm.s32 $0x380;
	s19 =	simm.s32 $0x3720;
	s18 =	simm.s32 $0x310  }
0x118: {  	s17 =	simm.s32 $0x3020;
	s16 =	simm.s32 $0x2A0;
	s15 =	simm.s32 $0x2920  }
0x119: {  	s14 =	simm.s32 $0x230;
	s13 =	simm.s32 $0x2220;
	s12 =	simm.s32 $0x1C0  }
0x11a: {  	s11 =	simm.s32 $0x1B20;
	s10 =	simm.s32 $0x150;
	s9 =	simm.s32 $0x1420  }
.Lfunc_end2:
_tile_overlayer_lowered:
.L_overlay_start_2:
0x11b: {  	(tag) =	ssettag $0x2  }
0x11c: {  	s0 =	rddreg [dreg:$0x0];
	s2 =	stileid.u32  }
0x11d: {  	s1 =	rddreg [dreg:$0x1];
	p0 =	sne.s32 s2, $0x0  }
0x11e: {  	s3 =	rddreg [dreg:$0x2];
	[bflag:$0x3] =	sbarrier.arrive $0xFFFF;
	s2 =	simm.s32 @!p0 $0x1C02  }
0x11f: {  	[timem:s3], [sflag:s2] =	dma.local @!p0 [hbm:s0], s1  }
0x120: {  	s0 =	simm.s32 @!p0 $0x2  }
0x121: {  	_ =	swait.ge @!p0 [sflag:s0], s1  }
0x122: {  	s1 =	ssub.s32 @!p0 $0x0, s1;
	[sflag:s0] =	ssyncset.done @!p0 $0x0  }
0x123: {  	[sflag:s0] =	ssyncadd.s32 @!p0 s1  }
0x124: {  	[bflag:$0x3] =	sbarrier.arrive $0xFFFF  }
0x125: {  	_ =	shalt  }

</sc_bundles>
